<compile_context>
chip_gen: v7x
topology: tpu7x:2x2x1
jax: 0.10.2.dev20260603
libtpu: 0.0.44.dev20260713+nightly
codegen_flags: <defaults>
</compile_context>

<pallas_src>
import functools
import jax
import jax.numpy as jnp
from jax import lax
from jax.experimental import pallas as pl
from jax.experimental.pallas import tpu as pltpu
from jax.experimental.pallas import tpu_sc as plsc


def _permute(v, idx):
    return lax.gather(
        v, idx[:, None],
        lax.GatherDimensionNumbers(offset_dims=(), collapsed_slice_dims=(0,),
                                   start_index_map=(0,)),
        slice_sizes=(1,), mode=lax.GatherScatterMode.PROMISE_IN_BOUNDS)

N = 10000
D = 128
C = 128
NPAD = 10112
DEN = NPAD // 8
NC, NS, L = 2, 16, 16
NW = NC * NS
EB = 64
E_TOT = 320000 + N
NBLK = -(-E_TOT // (NW * EB))
EW = NBLK * EB
EPAD = EW * NW
ACCR = -(-(NPAD + DEN) // EB) * EB
NCH = ACCR // EB
NCHW = -(-NCH // NS)
BLK = 632


def _pre_body(z_ref, wl_ref, wr_ref, bl_ref, br_ref, xl_ref, xr_ref):
    zb = z_ref[...]
    xl_ref[...] = jnp.dot(zb, wl_ref[...], preferred_element_type=jnp.float32) + bl_ref[...]
    xr_ref[...] = jnp.dot(zb, wr_ref[...], preferred_element_type=jnp.float32) + br_ref[...]


_pre_call = pl.pallas_call(
    _pre_body,
    grid=(NPAD // BLK,),
    in_specs=[
        pl.BlockSpec((BLK, D), lambda i: (i, 0)),
        pl.BlockSpec((D, C), lambda i: (0, 0)),
        pl.BlockSpec((D, C), lambda i: (0, 0)),
        pl.BlockSpec((1, C), lambda i: (0, 0)),
        pl.BlockSpec((1, C), lambda i: (0, 0)),
    ],
    out_specs=[
        pl.BlockSpec((BLK, C), lambda i: (i, 0)),
        pl.BlockSpec((BLK, C), lambda i: (i, 0)),
    ],
    out_shape=[jax.ShapeDtypeStruct((NPAD, C), jnp.float32)] * 2,
)


def _post_body(n0_ref, n1_ref, d0_ref, d1_ref, bg_ref, wm_ref, bm_ref, wv_ref,
               bv_ref, eps_ref, mean_ref, var_ref, samp_ref):
    s = n0_ref[...] + n1_ref[...]
    den = d0_ref[...] + d1_ref[...]
    feats = s / (den[:, 0:1] + 1e-16) + bg_ref[...]
    mean = jnp.dot(feats, wm_ref[...], preferred_element_type=jnp.float32) + bm_ref[...]
    logv = jnp.dot(feats, wv_ref[...], preferred_element_type=jnp.float32) + bv_ref[...]
    var = jnp.exp(logv) + 1e-4
    mean_ref[...] = mean
    var_ref[...] = var
    samp_ref[...] = mean + jnp.sqrt(var) * eps_ref[...]


_post_call = pl.pallas_call(
    _post_body,
    grid=(NPAD // BLK,),
    in_specs=[
        pl.BlockSpec((BLK, C), lambda i: (i, 0)),
        pl.BlockSpec((BLK, C), lambda i: (i, 0)),
        pl.BlockSpec((BLK, L), lambda i: (i, 0)),
        pl.BlockSpec((BLK, L), lambda i: (i, 0)),
        pl.BlockSpec((1, C), lambda i: (0, 0)),
        pl.BlockSpec((C, C), lambda i: (0, 0)),
        pl.BlockSpec((1, C), lambda i: (0, 0)),
        pl.BlockSpec((C, C), lambda i: (0, 0)),
        pl.BlockSpec((1, C), lambda i: (0, 0)),
        pl.BlockSpec((BLK, C), lambda i: (i, 0)),
    ],
    out_specs=[pl.BlockSpec((BLK, C), lambda i: (i, 0))] * 3,
    out_shape=[jax.ShapeDtypeStruct((NPAD, C), jnp.float32)] * 3,
)


def _edge_body(xl_hbm, xr_hbm, src_hbm, dst_hbm, att_hbm,
               acc_hbm,
               src_a, src_b, dst_a, dst_b, dst2_a, dst2_b, dstp_a, dstp_b,
               idx2_v, xl_a, xl_b, xr_a, xr_b,
               att_v, acc_sh, sem_a, sem_b, sem1):
    msg_v = xl_a
    src_s, dst_s, dst2_s, dstp_s = (src_a, src_b), (dst_a, dst_b), \
        (dst2_a, dst2_b), (dstp_a, dstp_b)
    xl_s, xr_s, sem_s = (xl_a, xl_b), (xr_a, xr_b), (sem_a, sem_b)
    cid = lax.axis_index("c")
    sid = lax.axis_index("s")
    w = cid * NS + sid
    lane = lax.iota(jnp.int32, L)
    zv = jnp.zeros((L,), jnp.float32)
    base = w * EW

    def zrow(r, carry):
        for c in range(C // L):
            msg_v[r, pl.ds(c * L, L)] = zv
        return carry

    def zinit(j, carry):
        ch = sid + j * NS

        @pl.when(ch < NCH)
        def _():
            for c in range(EB // L):
                idx2_v[0, pl.ds(c * L, L)] = ch * EB + c * L + lane
            pltpu.sync_copy(msg_v, acc_sh.at[idx2_v.at[0]])

        return carry

    def readback(j, out_ref):
        ch = sid + j * NS

        @pl.when(ch < NCH)
        def _():
            for c in range(EB // L):
                idx2_v[0, pl.ds(c * L, L)] = ch * EB + c * L + lane
            pltpu.async_copy(acc_sh.at[idx2_v.at[0]], msg_v, sem1).wait()
            pltpu.sync_copy(msg_v, out_ref.at[pl.ds(cid * ACCR + ch * EB, EB)])

    lax.fori_loop(0, EB, zrow, 0)
    lax.fori_loop(0, NCHW, zinit, 0)
    pltpu.sync_copy(att_hbm, att_v)
    plsc.subcore_barrier()

    def gissue(i, s):
        eb = base + i * EB
        pltpu.sync_copy(src_hbm.at[pl.ds(eb, EB)], src_s[s])
        pltpu.sync_copy(dst_hbm.at[pl.ds(eb, EB)], dst_s[s])
        pltpu.sync_copy(dst_hbm.at[pl.ds(eb, EB)], dst2_s[s].at[0])
        pltpu.sync_copy(dst_hbm.at[pl.ds(eb, EB)], dstp_s[s].at[0])
        for c in range(EB // L):
            v = dstp_s[s][0, pl.ds(c * L, L)]
            dstp_s[s][0, pl.ds(c * L, L)] = lax.shift_right_logical(v, 3) + NPAD
        pltpu.async_copy(xl_hbm.at[src_s[s]], xl_s[s], sem_s[s])
        pltpu.async_copy(xr_hbm.at[dst_s[s]], xr_s[s], sem_s[s])

    gissue(0, 0)

    def pair(gi, carry):
        for s in range(2):
            i = gi * 2 + s
            ns = 1 - s

            @pl.when(i + 1 < NBLK)
            def _():
                gissue(i + 1, ns)

            pltpu.make_async_copy(xl_hbm.at[pl.ds(0, EB)], xl_s[s], sem_s[s]).wait()
            pltpu.make_async_copy(xr_hbm.at[pl.ds(0, EB)], xr_s[s], sem_s[s]).wait()
            xl_v, xr_v, dst_v = xl_s[s], xr_s[s], dst_s[s]

            def edge(e, carry2):
                acc = jnp.zeros((L,), jnp.float32)
                for c in range(C // L):
                    v = xl_v[e, pl.ds(c * L, L)] + xr_v[e, pl.ds(c * L, L)]
                    v = jnp.maximum(v, 0.2 * v)
                    acc = acc + att_v[pl.ds(c * L, L)] * v
                for k2 in (8, 4, 2, 1):
                    acc = acc + _permute(acc, jnp.bitwise_xor(lane, k2))
                ex = jnp.exp(acc)
                g = jnp.bitwise_and(dst_v[pl.ds(e, 1)][0], 7)
                for c in range(C // L):
                    xl_v[e, pl.ds(c * L, L)] = ex * xl_v[e, pl.ds(c * L, L)]
                    xr_v[e, pl.ds(c * L, L)] = jnp.where(g == c, ex, zv)
                return carry2

            lax.fori_loop(0, EB, edge, 0)
            pltpu.sync_copy(xl_v, acc_sh.at[dst2_s[s].at[0]], add=True)
            pltpu.sync_copy(xr_v, acc_sh.at[dstp_s[s].at[0]], add=True)
        return carry

    lax.fori_loop(0, NBLK // 2, pair, 0)
    plsc.subcore_barrier()

    lax.fori_loop(0, NCHW, lambda j, c: (readback(j, acc_hbm), c)[1], 0)


_edge_call = functools.partial(
    pl.kernel,
    out_type=(
        jax.ShapeDtypeStruct((NC * ACCR, C), jnp.float32),
    ),
    mesh=plsc.VectorSubcoreMesh(core_axis_name="c", subcore_axis_name="s",
                                num_cores=NC, num_subcores=NS),
    scratch_types=[
        pltpu.VMEM((EB,), jnp.int32),
        pltpu.VMEM((EB,), jnp.int32),
        pltpu.VMEM((EB,), jnp.int32),
        pltpu.VMEM((EB,), jnp.int32),
        pltpu.VMEM((1, EB), jnp.int32),
        pltpu.VMEM((1, EB), jnp.int32),
        pltpu.VMEM((1, EB), jnp.int32),
        pltpu.VMEM((1, EB), jnp.int32),
        pltpu.VMEM((1, EB), jnp.int32),
        pltpu.VMEM((EB, C), jnp.float32),
        pltpu.VMEM((EB, C), jnp.float32),
        pltpu.VMEM((EB, C), jnp.float32),
        pltpu.VMEM((EB, C), jnp.float32),
        pltpu.VMEM((C,), jnp.float32),
        pltpu.VMEM_SHARED((ACCR, C), jnp.float32),
        pltpu.SemaphoreType.DMA,
        pltpu.SemaphoreType.DMA,
        pltpu.SemaphoreType.DMA,
    ],
)(_edge_body)


def kernel(z, edge_index, W_l, b_l, W_r, b_r, att, bias_gat, W_m, b_m, W_v, b_v):
    zp = jnp.pad(z, ((0, NPAD - N), (0, 0)))
    xl, xr = _pre_call(zp, W_l, W_r, b_l.reshape(1, C), b_r.reshape(1, C))

    sl = jnp.arange(N, dtype=jnp.int32)
    fill = jnp.full((EPAD - E_TOT,), N, jnp.int32)
    src = jnp.concatenate([edge_index[0], sl, fill])
    dst = jnp.concatenate([edge_index[1], sl, fill])

    (acc,) = _edge_call(xl, xr, src, dst, att.reshape(C))

    den0 = acc[NPAD:NPAD + DEN].reshape(NPAD, L)
    den1 = acc[ACCR + NPAD:ACCR + NPAD + DEN].reshape(NPAD, L)

    eps = jax.random.normal(jax.random.key(42), (N, C), jnp.float32)
    epsp = jnp.pad(eps, ((0, NPAD - N), (0, 0)))
    mean, var, samp = _post_call(
        acc[:NPAD], acc[ACCR:ACCR + NPAD], den0, den1,
        bias_gat.reshape(1, C),
        W_m, b_m.reshape(1, C), W_v, b_v.reshape(1, C), epsp)
    return mean[:N], var[:N], samp[:N]

# --- scband reference (transcript-rebuilt; emitter-appended) ---
"""Pipeline reference for scband-spatial-encoder-87840671138525 (READ-ONLY COPY).

The authoritative reference and input builder live on the scoring server;
editing this copy changes nothing except your own understanding.
"""

import jax, jax.numpy as jnp
import numpy as np

N = 10000
E = 320000
D_LATENT = 128
N_SPATIAL = 128
HEADS = 1
VAR_EPS = 1e-4


def setup_inputs(seed: int = 0) -> dict:
    key = jax.random.key(seed)
    ks = jax.random.split(key, 12)
    z = jax.random.normal(ks[0], (N, D_LATENT), dtype=jnp.float32)
    edge_index = jax.random.randint(ks[1], (2, E), 0, N, dtype=jnp.int32)
    s = 0.05
    W_l = jax.random.normal(ks[2], (D_LATENT, HEADS * N_SPATIAL), dtype=jnp.float32) * s
    b_l = jnp.zeros((HEADS * N_SPATIAL,), dtype=jnp.float32)
    W_r = jax.random.normal(ks[3], (D_LATENT, HEADS * N_SPATIAL), dtype=jnp.float32) * s
    b_r = jnp.zeros((HEADS * N_SPATIAL,), dtype=jnp.float32)
    att = jax.random.normal(ks[4], (1, HEADS, N_SPATIAL), dtype=jnp.float32) * s
    bias_gat = jnp.zeros((N_SPATIAL,), dtype=jnp.float32)
    W_m = jax.random.normal(ks[5], (N_SPATIAL, N_SPATIAL), dtype=jnp.float32) * s
    b_m = jnp.zeros((N_SPATIAL,), dtype=jnp.float32)
    W_v = jax.random.normal(ks[6], (N_SPATIAL, N_SPATIAL), dtype=jnp.float32) * s
    b_v = jnp.zeros((N_SPATIAL,), dtype=jnp.float32)
    return {"z": z, "edge_index": edge_index, "W_l": W_l, "b_l": b_l, "W_r": W_r,
            "b_r": b_r, "att": att, "bias_gat": bias_gat, "W_m": W_m, "b_m": b_m,
            "W_v": W_v, "b_v": b_v}


def _gatv2(z, edge_index, W_l, b_l, W_r, b_r, att, bias_gat):
    # GATv2Conv (PyG semantics): add self loops, attend per destination node.
    n = z.shape[0]
    sl = jnp.arange(n, dtype=edge_index.dtype)
    ei = jnp.concatenate([edge_index, jnp.stack([sl, sl])], axis=1)
    src, dst = ei[0], ei[1]
    x_l = (z @ W_l + b_l).reshape(n, HEADS, N_SPATIAL)
    x_r = (z @ W_r + b_r).reshape(n, HEADS, N_SPATIAL)
    xe = x_l[src] + x_r[dst]                      # [Etot, H, C] gather
    xe = jax.nn.leaky_relu(xe, negative_slope=0.2)
    alpha = jnp.sum(xe * att, axis=-1)            # [Etot, H]
    amax = jax.ops.segment_max(alpha, dst, num_segments=n)
    amax = jnp.where(jnp.isfinite(amax), amax, 0.0)
    ex = jnp.exp(alpha - amax[dst])
    denom = jax.ops.segment_sum(ex, dst, num_segments=n)
    a = ex / (denom[dst] + 1e-16)                 # softmax per dst node
    msg = x_l[src] * a[:, :, None]
    out = jax.ops.segment_sum(msg, dst, num_segments=n)  # scatter-add [N, H, C]
    out = jnp.mean(out, axis=1) + bias_gat        # concat=False -> mean over heads
    return out


def reference(z, edge_index, W_l, b_l, W_r, b_r, att, bias_gat, W_m, b_m, W_v, b_v):
    feats = _gatv2(z, edge_index, W_l, b_l, W_r, b_r, att, bias_gat)
    spatial_mean = feats @ W_m + b_m
    log_var = feats @ W_v + b_v
    spatial_var = jnp.exp(log_var) + VAR_EPS
    eps = jax.random.normal(jax.random.key(42), spatial_mean.shape, dtype=spatial_mean.dtype)
    spatial_sample = spatial_mean + jnp.sqrt(spatial_var) * eps  # Normal.rsample
    return (spatial_mean, spatial_var, spatial_sample)

if __name__ == "__main__":
    import jax
    _d = setup_inputs()
    print(jax.jit(kernel)(*tuple(_d.values())))

</pallas_src>

<mosaic_0001>
#map = affine_map<(d0, d1) -> (0, 0)>
#map1 = affine_map<(d0, d1) -> (0)>
module attributes {stable_mosaic.version = 14 : i64} {
  func.func @_edge_body(%arg0: i32, %arg1: i32, %arg2: memref<10112x128xf32, #tpu.memory_space<hbm>>, %arg3: memref<10112x128xf32, #tpu.memory_space<hbm>>, %arg4: memref<331776xi32, #tpu.memory_space<hbm>>, %arg5: memref<331776xi32, #tpu.memory_space<hbm>>, %arg6: memref<128xf32, #tpu.memory_space<hbm>>, %arg7: memref<22784x128xf32, #tpu.memory_space<hbm>>, %arg8: memref<64xi32, #tpu.memory_space<vmem>>, %arg9: memref<64xi32, #tpu.memory_space<vmem>>, %arg10: memref<64xi32, #tpu.memory_space<vmem>>, %arg11: memref<64xi32, #tpu.memory_space<vmem>>, %arg12: memref<1x64xi32, #tpu.memory_space<vmem>>, %arg13: memref<1x64xi32, #tpu.memory_space<vmem>>, %arg14: memref<1x64xi32, #tpu.memory_space<vmem>>, %arg15: memref<1x64xi32, #tpu.memory_space<vmem>>, %arg16: memref<1x64xi32, #tpu.memory_space<vmem>>, %arg17: memref<64x128xf32, #tpu.memory_space<vmem>>, %arg18: memref<64x128xf32, #tpu.memory_space<vmem>>, %arg19: memref<64x128xf32, #tpu.memory_space<vmem>>, %arg20: memref<64x128xf32, #tpu.memory_space<vmem>>, %arg21: memref<128xf32, #tpu.memory_space<vmem>>, %arg22: memref<11392x128xf32, #tpu.memory_space<vmem_shared>>, %arg23: memref<!tpu.dma_semaphore, #tpu.memory_space<semaphore_mem>>, %arg24: memref<!tpu.dma_semaphore, #tpu.memory_space<semaphore_mem>>, %arg25: memref<!tpu.dma_semaphore, #tpu.memory_space<semaphore_mem>>) attributes {dimension_semantics = [#tpu.dimension_semantics<core_parallel>, #tpu.dimension_semantics<subcore_parallel>], iteration_bounds = array<i64: 2, 16>, scalar_prefetch = 0 : i64, scratch_operands = 18 : i64, tpu.core_type = #tpu.core_type<sc_vector_subcore>, window_params = [{transform_indices = #map}, {transform_indices = #map}, {transform_indices = #map1}, {transform_indices = #map1}, {transform_indices = #map1}, {transform_indices = #map}]} {
    %mul3A = arith.constant 16 : i32
    %mul3A_0 = arith.muli %arg0, %mul3A : i32
    %add3A = arith.addi %mul3A_0, %arg1 : i32
    %iota3A = tpu.iota {dimensions = array<i32: 0>} : vector<16xi32>
    %broadcast_in_dim3A = arith.constant 0.000000e+00 : f32
    %broadcast_in_dim3A_1 = vector.broadcast %broadcast_in_dim3A : f32 to vector<16xf32>
    %mul3A_2 = arith.constant 10368 : i32
    %mul3A_3 = arith.muli %add3A, %mul3A_2 : i32
    %scan3A = arith.constant 0 : i32
    %scan3A_4 = arith.constant 0 : i32
    %scan3A_5 = arith.constant 64 : i32
    %scan3A_6 = arith.addi %scan3A_4, %scan3A_5 : i32
    %scan3A_7 = arith.constant 1 : i32
    scf.for %scan3A_101 = %scan3A_4 to %scan3A_6 step %scan3A_7  : i32 {
      %swap3A_102 = arith.index_cast %scan3A_101 : i32 to index
      %swap3A_103 = arith.constant 0 : index
      %swap3A_104 = tpu.vector_load %arg17[%swap3A_102, %swap3A_103] {strides = array<i32>} : memref<64x128xf32, #tpu.memory_space<vmem>>, vector<1x16xf32>,
      %swap3A_105 = vector.shape_cast %swap3A_104 : vector<1x16xf32> to vector<16xf32>
      %swap3A_106 = vector.shape_cast %broadcast_in_dim3A_1 : vector<16xf32> to vector<1x16xf32>
      tpu.vector_store %arg17[%swap3A_102, %swap3A_103], %swap3A_106 {strides = array<i32>} : memref<64x128xf32, #tpu.memory_space<vmem>>, vector<1x16xf32>,
      %swap3A_107 = arith.index_cast %scan3A_101 : i32 to index
      %swap3A_108 = arith.constant 16 : index
      %swap3A_109 = tpu.vector_load %arg17[%swap3A_107, %swap3A_108] {strides = array<i32>} : memref<64x128xf32, #tpu.memory_space<vmem>>, vector<1x16xf32>,
      %swap3A_110 = vector.shape_cast %swap3A_109 : vector<1x16xf32> to vector<16xf32>
      %swap3A_111 = vector.shape_cast %broadcast_in_dim3A_1 : vector<16xf32> to vector<1x16xf32>
      tpu.vector_store %arg17[%swap3A_107, %swap3A_108], %swap3A_111 {strides = array<i32>} : memref<64x128xf32, #tpu.memory_space<vmem>>, vector<1x16xf32>,
      %swap3A_112 = arith.index_cast %scan3A_101 : i32 to index
      %swap3A_113 = arith.constant 32 : index
      %swap3A_114 = tpu.vector_load %arg17[%swap3A_112, %swap3A_113] {strides = array<i32>} : memref<64x128xf32, #tpu.memory_space<vmem>>, vector<1x16xf32>,
      %swap3A_115 = vector.shape_cast %swap3A_114 : vector<1x16xf32> to vector<16xf32>
      %swap3A_116 = vector.shape_cast %broadcast_in_dim3A_1 : vector<16xf32> to vector<1x16xf32>
      tpu.vector_store %arg17[%swap3A_112, %swap3A_113], %swap3A_116 {strides = array<i32>} : memref<64x128xf32, #tpu.memory_space<vmem>>, vector<1x16xf32>,
      %swap3A_117 = arith.index_cast %scan3A_101 : i32 to index
      %swap3A_118 = arith.constant 48 : index
      %swap3A_119 = tpu.vector_load %arg17[%swap3A_117, %swap3A_118] {strides = array<i32>} : memref<64x128xf32, #tpu.memory_space<vmem>>, vector<1x16xf32>,
      %swap3A_120 = vector.shape_cast %swap3A_119 : vector<1x16xf32> to vector<16xf32>
      %swap3A_121 = vector.shape_cast %broadcast_in_dim3A_1 : vector<16xf32> to vector<1x16xf32>
      tpu.vector_store %arg17[%swap3A_117, %swap3A_118], %swap3A_121 {strides = array<i32>} : memref<64x128xf32, #tpu.memory_space<vmem>>, vector<1x16xf32>,
      %swap3A_122 = arith.index_cast %scan3A_101 : i32 to index
      %swap3A_123 = arith.constant 64 : index
      %swap3A_124 = tpu.vector_load %arg17[%swap3A_122, %swap3A_123] {strides = array<i32>} : memref<64x128xf32, #tpu.memory_space<vmem>>, vector<1x16xf32>,
      %swap3A_125 = vector.shape_cast %swap3A_124 : vector<1x16xf32> to vector<16xf32>
      %swap3A_126 = vector.shape_cast %broadcast_in_dim3A_1 : vector<16xf32> to vector<1x16xf32>
      tpu.vector_store %arg17[%swap3A_122, %swap3A_123], %swap3A_126 {strides = array<i32>} : memref<64x128xf32, #tpu.memory_space<vmem>>, vector<1x16xf32>,
      %swap3A_127 = arith.index_cast %scan3A_101 : i32 to index
      %swap3A_128 = arith.constant 80 : index
      %swap3A_129 = tpu.vector_load %arg17[%swap3A_127, %swap3A_128] {strides = array<i32>} : memref<64x128xf32, #tpu.memory_space<vmem>>, vector<1x16xf32>,
      %swap3A_130 = vector.shape_cast %swap3A_129 : vector<1x16xf32> to vector<16xf32>
      %swap3A_131 = vector.shape_cast %broadcast_in_dim3A_1 : vector<16xf32> to vector<1x16xf32>
      tpu.vector_store %arg17[%swap3A_127, %swap3A_128], %swap3A_131 {strides = array<i32>} : memref<64x128xf32, #tpu.memory_space<vmem>>, vector<1x16xf32>,
      %swap3A_132 = arith.index_cast %scan3A_101 : i32 to index
      %swap3A_133 = arith.constant 96 : index
      %swap3A_134 = tpu.vector_load %arg17[%swap3A_132, %swap3A_133] {strides = array<i32>} : memref<64x128xf32, #tpu.memory_space<vmem>>, vector<1x16xf32>,
      %swap3A_135 = vector.shape_cast %swap3A_134 : vector<1x16xf32> to vector<16xf32>
      %swap3A_136 = vector.shape_cast %broadcast_in_dim3A_1 : vector<16xf32> to vector<1x16xf32>
      tpu.vector_store %arg17[%swap3A_132, %swap3A_133], %swap3A_136 {strides = array<i32>} : memref<64x128xf32, #tpu.memory_space<vmem>>, vector<1x16xf32>,
      %swap3A_137 = arith.index_cast %scan3A_101 : i32 to index
      %swap3A_138 = arith.constant 112 : index
      %swap3A_139 = tpu.vector_load %arg17[%swap3A_137, %swap3A_138] {strides = array<i32>} : memref<64x128xf32, #tpu.memory_space<vmem>>, vector<1x16xf32>,
      %swap3A_140 = vector.shape_cast %swap3A_139 : vector<1x16xf32> to vector<16xf32>
      %swap3A_141 = vector.shape_cast %broadcast_in_dim3A_1 : vector<16xf32> to vector<1x16xf32>
      tpu.vector_store %arg17[%swap3A_137, %swap3A_138], %swap3A_141 {strides = array<i32>} : memref<64x128xf32, #tpu.memory_space<vmem>>, vector<1x16xf32>,
    }
    %scan3A_8 = arith.constant 64 : i32
    %scan3A_9 = arith.constant 0 : i32
    %scan3A_10 = arith.constant 0 : i32
    %scan3A_11 = arith.constant 12 : i32
    %scan3A_12 = arith.addi %scan3A_10, %scan3A_11 : i32
    %scan3A_13 = arith.constant 1 : i32
    scf.for %scan3A_101 = %scan3A_10 to %scan3A_12 step %scan3A_13  : i32 {
      %mul3A_102 = arith.constant 16 : i32
      %mul3A_103 = arith.muli %scan3A_101, %mul3A_102 : i32
      %add3A_104 = arith.addi %arg1, %mul3A_103 : i32
      %lt3A = arith.constant 178 : i32
      %lt3A_105 = arith.cmpi slt, %add3A_104, %lt3A : i32
      %convert_element_type3A = arith.extui %lt3A_105 : i1 to i32
      %cond3A = arith.constant 0 : i32
      %cond3A_106 = arith.cmpi ne, %convert_element_type3A, %cond3A : i32
      scf.if %cond3A_106 {
        %mul3A_107 = arith.constant 64 : i32
        %mul3A_108 = arith.muli %add3A_104, %mul3A_107 : i32
        %add3A_109 = arith.constant 0 : i32
        %add3A_110 = arith.addi %mul3A_108, %add3A_109 : i32
        %add3A_111 = vector.broadcast %add3A_110 : i32 to vector<16xi32>
        %add3A_112 = arith.addi %add3A_111, %iota3A : vector<16xi32>
        %swap3A_113 = arith.constant 0 : i32
        %swap3A_114 = arith.index_cast %swap3A_113 : i32 to index
        %swap3A_115 = arith.constant 0 : index
        %swap3A_116 = tpu.vector_load %arg16[%swap3A_114, %swap3A_115] {strides = array<i32>} : memref<1x64xi32, #tpu.memory_space<vmem>>, vector<1x16xi32>,
        %swap3A_117 = vector.shape_cast %swap3A_116 : vector<1x16xi32> to vector<16xi32>
        %swap3A_118 = vector.shape_cast %add3A_112 : vector<16xi32> to vector<1x16xi32>
        tpu.vector_store %arg16[%swap3A_114, %swap3A_115], %swap3A_118 {strides = array<i32>} : memref<1x64xi32, #tpu.memory_space<vmem>>, vector<1x16xi32>,
        %mul3A_119 = arith.constant 64 : i32
        %mul3A_120 = arith.muli %add3A_104, %mul3A_119 : i32
        %add3A_121 = arith.constant 16 : i32
        %add3A_122 = arith.addi %mul3A_120, %add3A_121 : i32
        %add3A_123 = vector.broadcast %add3A_122 : i32 to vector<16xi32>
        %add3A_124 = arith.addi %add3A_123, %iota3A : vector<16xi32>
        %swap3A_125 = arith.constant 0 : i32
        %swap3A_126 = arith.index_cast %swap3A_125 : i32 to index
        %swap3A_127 = arith.constant 16 : index
        %swap3A_128 = tpu.vector_load %arg16[%swap3A_126, %swap3A_127] {strides = array<i32>} : memref<1x64xi32, #tpu.memory_space<vmem>>, vector<1x16xi32>,
        %swap3A_129 = vector.shape_cast %swap3A_128 : vector<1x16xi32> to vector<16xi32>
        %swap3A_130 = vector.shape_cast %add3A_124 : vector<16xi32> to vector<1x16xi32>
        tpu.vector_store %arg16[%swap3A_126, %swap3A_127], %swap3A_130 {strides = array<i32>} : memref<1x64xi32, #tpu.memory_space<vmem>>, vector<1x16xi32>,
        %mul3A_131 = arith.constant 64 : i32
        %mul3A_132 = arith.muli %add3A_104, %mul3A_131 : i32
        %add3A_133 = arith.constant 32 : i32
        %add3A_134 = arith.addi %mul3A_132, %add3A_133 : i32
        %add3A_135 = vector.broadcast %add3A_134 : i32 to vector<16xi32>
        %add3A_136 = arith.addi %add3A_135, %iota3A : vector<16xi32>
        %swap3A_137 = arith.constant 0 : i32
        %swap3A_138 = arith.index_cast %swap3A_137 : i32 to index
        %swap3A_139 = arith.constant 32 : index
        %swap3A_140 = tpu.vector_load %arg16[%swap3A_138, %swap3A_139] {strides = array<i32>} : memref<1x64xi32, #tpu.memory_space<vmem>>, vector<1x16xi32>,
        %swap3A_141 = vector.shape_cast %swap3A_140 : vector<1x16xi32> to vector<16xi32>
        %swap3A_142 = vector.shape_cast %add3A_136 : vector<16xi32> to vector<1x16xi32>
        tpu.vector_store %arg16[%swap3A_138, %swap3A_139], %swap3A_142 {strides = array<i32>} : memref<1x64xi32, #tpu.memory_space<vmem>>, vector<1x16xi32>,
        %mul3A_143 = arith.constant 64 : i32
        %mul3A_144 = arith.muli %add3A_104, %mul3A_143 : i32
        %add3A_145 = arith.constant 48 : i32
        %add3A_146 = arith.addi %mul3A_144, %add3A_145 : i32
        %add3A_147 = vector.broadcast %add3A_146 : i32 to vector<16xi32>
        %add3A_148 = arith.addi %add3A_147, %iota3A : vector<16xi32>
        %swap3A_149 = arith.constant 0 : i32
        %swap3A_150 = arith.index_cast %swap3A_149 : i32 to index
        %swap3A_151 = arith.constant 48 : index
        %swap3A_152 = tpu.vector_load %arg16[%swap3A_150, %swap3A_151] {strides = array<i32>} : memref<1x64xi32, #tpu.memory_space<vmem>>, vector<1x16xi32>,
        %swap3A_153 = vector.shape_cast %swap3A_152 : vector<1x16xi32> to vector<16xi32>
        %swap3A_154 = vector.shape_cast %add3A_148 : vector<16xi32> to vector<1x16xi32>
        tpu.vector_store %arg16[%swap3A_150, %swap3A_151], %swap3A_154 {strides = array<i32>} : memref<1x64xi32, #tpu.memory_space<vmem>>, vector<1x16xi32>,
        %run_scoped3A_155 = arith.constant 0 : i32
        "tpu.region"() ({
          %run_scoped3A_156 = tpu.sem_alloc : memref<!tpu.dma_semaphore, #tpu.memory_space<semaphore_mem>>
          %dma_start3A_157 = arith.constant 0 : i32
          %dma_start3A_158 = tpu.memref_slice %arg16[%run_scoped3A_155, %dma_start3A_157] : memref<1x64xi32, #tpu.memory_space<vmem>> -> memref<1x64xi32, #tpu.memory_space<vmem>>
          %dma_start3A_159 = tpu.memref_squeeze %dma_start3A_158 : memref<1x64xi32, #tpu.memory_space<vmem>> -> memref<64xi32, #tpu.memory_space<vmem>>
          %dma_start3A_160 = arith.constant 0 : i32
          %dma_start3A_161 = arith.constant 0 : i32
          %dma_start3A_162 = tpu.memref_slice %arg22[%dma_start3A_160, %dma_start3A_161] : memref<11392x128xf32, #tpu.memory_space<vmem_shared>> -> memref<11392x128xf32, #tpu.memory_space<vmem_shared>>
          tpu.enqueue_indirect_dma source(%arg17 : memref<64x128xf32, #tpu.memory_space<vmem>>) target(%dma_start3A_162 : memref<11392x128xf32, #tpu.memory_space<vmem_shared>>) offsets(%dma_start3A_159 : memref<64xi32, #tpu.memory_space<vmem>>) semaphore(%run_scoped3A_156 : memref<!tpu.dma_semaphore, #tpu.memory_space<semaphore_mem>>)
          %dma_wait3A = arith.constant 0 : i32
          %dma_wait3A_163 = tpu.memref_slice %arg16[%run_scoped3A_155, %dma_wait3A] : memref<1x64xi32, #tpu.memory_space<vmem>> -> memref<1x64xi32, #tpu.memory_space<vmem>>
          %dma_wait3A_164 = tpu.memref_squeeze %dma_wait3A_163 : memref<1x64xi32, #tpu.memory_space<vmem>> -> memref<64xi32, #tpu.memory_space<vmem>>
          %dma_wait3A_165 = arith.constant 0 : i32
          %dma_wait3A_166 = arith.constant 0 : i32
          %dma_wait3A_167 = tpu.memref_slice %arg22[%dma_wait3A_165, %dma_wait3A_166] : memref<11392x128xf32, #tpu.memory_space<vmem_shared>> -> memref<11392x128xf32, #tpu.memory_space<vmem_shared>>
          tpu.wait_indirect_dma semaphore(%run_scoped3A_156 : memref<!tpu.dma_semaphore, #tpu.memory_space<semaphore_mem>>) src(%arg17 : memref<64x128xf32, #tpu.memory_space<vmem>>) dst(%dma_wait3A_167 : memref<11392x128xf32, #tpu.memory_space<vmem_shared>>)
          tpu.yield
        }) : () -> ()
      } else {
      }
    }
    %scan3A_14 = arith.constant 12 : i32
    "tpu.region"() ({
      %run_scoped3A_101 = tpu.sem_alloc : memref<!tpu.dma_semaphore, #tpu.memory_space<semaphore_mem>>
      tpu.enqueue_dma source(%arg6 : memref<128xf32, #tpu.memory_space<hbm>>) target(%arg21 : memref<128xf32, #tpu.memory_space<vmem>>) target_semaphore(%run_scoped3A_101 : memref<!tpu.dma_semaphore, #tpu.memory_space<semaphore_mem>>)
      tpu.wait_dma2 semaphore(%run_scoped3A_101 : memref<!tpu.dma_semaphore, #tpu.memory_space<semaphore_mem>>) src(%arg6 : memref<128xf32, #tpu.memory_space<hbm>>) dst(%arg21 : memref<128xf32, #tpu.memory_space<vmem>>)
      tpu.yield
    }) : () -> ()
    %barrier3A = arith.constant 0 : index
    tpu.barrier barrier_id(%barrier3A)
    %add3A_15 = arith.constant 0 : i32
    %add3A_16 = arith.addi %mul3A_3, %add3A_15 : i32
    "tpu.region"() ({
      %run_scoped3A_101 = tpu.sem_alloc : memref<!tpu.dma_semaphore, #tpu.memory_space<semaphore_mem>>
      %dma_start3A_102 = tpu.memref_slice %arg4[%add3A_16] : memref<331776xi32, #tpu.memory_space<hbm>> -> memref<64xi32, #tpu.memory_space<hbm>>
      %dma_start3A_103 = tpu.memref_slice %arg4[%add3A_16] : memref<331776xi32, #tpu.memory_space<hbm>> -> memref<64xi32, #tpu.memory_space<hbm>>
      tpu.enqueue_dma source(%dma_start3A_103 : memref<64xi32, #tpu.memory_space<hbm>>) target(%arg8 : memref<64xi32, #tpu.memory_space<vmem>>) target_semaphore(%run_scoped3A_101 : memref<!tpu.dma_semaphore, #tpu.memory_space<semaphore_mem>>)
      %dma_wait3A = tpu.memref_slice %arg4[%add3A_16] : memref<331776xi32, #tpu.memory_space<hbm>> -> memref<64xi32, #tpu.memory_space<hbm>>
      %dma_wait3A_104 = tpu.memref_slice %arg4[%add3A_16] : memref<331776xi32, #tpu.memory_space<hbm>> -> memref<64xi32, #tpu.memory_space<hbm>>
      tpu.wait_dma2 semaphore(%run_scoped3A_101 : memref<!tpu.dma_semaphore, #tpu.memory_space<semaphore_mem>>) src(%dma_wait3A_104 : memref<64xi32, #tpu.memory_space<hbm>>) dst(%arg8 : memref<64xi32, #tpu.memory_space<vmem>>)
      tpu.yield
    }) : () -> ()
    "tpu.region"() ({
      %run_scoped3A_101 = tpu.sem_alloc : memref<!tpu.dma_semaphore, #tpu.memory_space<semaphore_mem>>
      %dma_start3A_102 = tpu.memref_slice %arg5[%add3A_16] : memref<331776xi32, #tpu.memory_space<hbm>> -> memref<64xi32, #tpu.memory_space<hbm>>
      %dma_start3A_103 = tpu.memref_slice %arg5[%add3A_16] : memref<331776xi32, #tpu.memory_space<hbm>> -> memref<64xi32, #tpu.memory_space<hbm>>
      tpu.enqueue_dma source(%dma_start3A_103 : memref<64xi32, #tpu.memory_space<hbm>>) target(%arg10 : memref<64xi32, #tpu.memory_space<vmem>>) target_semaphore(%run_scoped3A_101 : memref<!tpu.dma_semaphore, #tpu.memory_space<semaphore_mem>>)
      %dma_wait3A = tpu.memref_slice %arg5[%add3A_16] : memref<331776xi32, #tpu.memory_space<hbm>> -> memref<64xi32, #tpu.memory_space<hbm>>
      %dma_wait3A_104 = tpu.memref_slice %arg5[%add3A_16] : memref<331776xi32, #tpu.memory_space<hbm>> -> memref<64xi32, #tpu.memory_space<hbm>>
      tpu.wait_dma2 semaphore(%run_scoped3A_101 : memref<!tpu.dma_semaphore, #tpu.memory_space<semaphore_mem>>) src(%dma_wait3A_104 : memref<64xi32, #tpu.memory_space<hbm>>) dst(%arg10 : memref<64xi32, #tpu.memory_space<vmem>>)
      tpu.yield
    }) : () -> ()
    %run_scoped3A = arith.constant 0 : i32
    "tpu.region"() ({
      %run_scoped3A_101 = tpu.sem_alloc : memref<!tpu.dma_semaphore, #tpu.memory_space<semaphore_mem>>
      %dma_start3A_102 = arith.constant 0 : i32
      %dma_start3A_103 = tpu.memref_slice %arg12[%run_scoped3A, %dma_start3A_102] : memref<1x64xi32, #tpu.memory_space<vmem>> -> memref<1x64xi32, #tpu.memory_space<vmem>>
      %dma_start3A_104 = tpu.memref_squeeze %dma_start3A_103 : memref<1x64xi32, #tpu.memory_space<vmem>> -> memref<64xi32, #tpu.memory_space<vmem>>
      %dma_start3A_105 = tpu.memref_slice %arg5[%add3A_16] : memref<331776xi32, #tpu.memory_space<hbm>> -> memref<64xi32, #tpu.memory_space<hbm>>
      %dma_start3A_106 = arith.constant 0 : i32
      %dma_start3A_107 = tpu.memref_slice %arg12[%run_scoped3A, %dma_start3A_106] : memref<1x64xi32, #tpu.memory_space<vmem>> -> memref<1x64xi32, #tpu.memory_space<vmem>>
      %dma_start3A_108 = tpu.memref_squeeze %dma_start3A_107 : memref<1x64xi32, #tpu.memory_space<vmem>> -> memref<64xi32, #tpu.memory_space<vmem>>
      %dma_start3A_109 = tpu.memref_slice %arg5[%add3A_16] : memref<331776xi32, #tpu.memory_space<hbm>> -> memref<64xi32, #tpu.memory_space<hbm>>
      tpu.enqueue_dma source(%dma_start3A_109 : memref<64xi32, #tpu.memory_space<hbm>>) target(%dma_start3A_108 : memref<64xi32, #tpu.memory_space<vmem>>) target_semaphore(%run_scoped3A_101 : memref<!tpu.dma_semaphore, #tpu.memory_space<semaphore_mem>>)
      %dma_wait3A = arith.constant 0 : i32
      %dma_wait3A_110 = tpu.memref_slice %arg12[%run_scoped3A, %dma_wait3A] : memref<1x64xi32, #tpu.memory_space<vmem>> -> memref<1x64xi32, #tpu.memory_space<vmem>>
      %dma_wait3A_111 = tpu.memref_squeeze %dma_wait3A_110 : memref<1x64xi32, #tpu.memory_space<vmem>> -> memref<64xi32, #tpu.memory_space<vmem>>
      %dma_wait3A_112 = tpu.memref_slice %arg5[%add3A_16] : memref<331776xi32, #tpu.memory_space<hbm>> -> memref<64xi32, #tpu.memory_space<hbm>>
      %dma_wait3A_113 = arith.constant 0 : i32
      %dma_wait3A_114 = tpu.memref_slice %arg12[%run_scoped3A, %dma_wait3A_113] : memref<1x64xi32, #tpu.memory_space<vmem>> -> memref<1x64xi32, #tpu.memory_space<vmem>>
      %dma_wait3A_115 = tpu.memref_squeeze %dma_wait3A_114 : memref<1x64xi32, #tpu.memory_space<vmem>> -> memref<64xi32, #tpu.memory_space<vmem>>
      %dma_wait3A_116 = tpu.memref_slice %arg5[%add3A_16] : memref<331776xi32, #tpu.memory_space<hbm>> -> memref<64xi32, #tpu.memory_space<hbm>>
      tpu.wait_dma2 semaphore(%run_scoped3A_101 : memref<!tpu.dma_semaphore, #tpu.memory_space<semaphore_mem>>) src(%dma_wait3A_116 : memref<64xi32, #tpu.memory_space<hbm>>) dst(%dma_wait3A_115 : memref<64xi32, #tpu.memory_space<vmem>>)
      tpu.yield
    }) : () -> ()
    %run_scoped3A_17 = arith.constant 0 : i32
    "tpu.region"() ({
      %run_scoped3A_101 = tpu.sem_alloc : memref<!tpu.dma_semaphore, #tpu.memory_space<semaphore_mem>>
      %dma_start3A_102 = arith.constant 0 : i32
      %dma_start3A_103 = tpu.memref_slice %arg14[%run_scoped3A_17, %dma_start3A_102] : memref<1x64xi32, #tpu.memory_space<vmem>> -> memref<1x64xi32, #tpu.memory_space<vmem>>
      %dma_start3A_104 = tpu.memref_squeeze %dma_start3A_103 : memref<1x64xi32, #tpu.memory_space<vmem>> -> memref<64xi32, #tpu.memory_space<vmem>>
      %dma_start3A_105 = tpu.memref_slice %arg5[%add3A_16] : memref<331776xi32, #tpu.memory_space<hbm>> -> memref<64xi32, #tpu.memory_space<hbm>>
      %dma_start3A_106 = arith.constant 0 : i32
      %dma_start3A_107 = tpu.memref_slice %arg14[%run_scoped3A_17, %dma_start3A_106] : memref<1x64xi32, #tpu.memory_space<vmem>> -> memref<1x64xi32, #tpu.memory_space<vmem>>
      %dma_start3A_108 = tpu.memref_squeeze %dma_start3A_107 : memref<1x64xi32, #tpu.memory_space<vmem>> -> memref<64xi32, #tpu.memory_space<vmem>>
      %dma_start3A_109 = tpu.memref_slice %arg5[%add3A_16] : memref<331776xi32, #tpu.memory_space<hbm>> -> memref<64xi32, #tpu.memory_space<hbm>>
      tpu.enqueue_dma source(%dma_start3A_109 : memref<64xi32, #tpu.memory_space<hbm>>) target(%dma_start3A_108 : memref<64xi32, #tpu.memory_space<vmem>>) target_semaphore(%run_scoped3A_101 : memref<!tpu.dma_semaphore, #tpu.memory_space<semaphore_mem>>)
      %dma_wait3A = arith.constant 0 : i32
      %dma_wait3A_110 = tpu.memref_slice %arg14[%run_scoped3A_17, %dma_wait3A] : memref<1x64xi32, #tpu.memory_space<vmem>> -> memref<1x64xi32, #tpu.memory_space<vmem>>
      %dma_wait3A_111 = tpu.memref_squeeze %dma_wait3A_110 : memref<1x64xi32, #tpu.memory_space<vmem>> -> memref<64xi32, #tpu.memory_space<vmem>>
      %dma_wait3A_112 = tpu.memref_slice %arg5[%add3A_16] : memref<331776xi32, #tpu.memory_space<hbm>> -> memref<64xi32, #tpu.memory_space<hbm>>
      %dma_wait3A_113 = arith.constant 0 : i32
      %dma_wait3A_114 = tpu.memref_slice %arg14[%run_scoped3A_17, %dma_wait3A_113] : memref<1x64xi32, #tpu.memory_space<vmem>> -> memref<1x64xi32, #tpu.memory_space<vmem>>
      %dma_wait3A_115 = tpu.memref_squeeze %dma_wait3A_114 : memref<1x64xi32, #tpu.memory_space<vmem>> -> memref<64xi32, #tpu.memory_space<vmem>>
      %dma_wait3A_116 = tpu.memref_slice %arg5[%add3A_16] : memref<331776xi32, #tpu.memory_space<hbm>> -> memref<64xi32, #tpu.memory_space<hbm>>
      tpu.wait_dma2 semaphore(%run_scoped3A_101 : memref<!tpu.dma_semaphore, #tpu.memory_space<semaphore_mem>>) src(%dma_wait3A_116 : memref<64xi32, #tpu.memory_space<hbm>>) dst(%dma_wait3A_115 : memref<64xi32, #tpu.memory_space<vmem>>)
      tpu.yield
    }) : () -> ()
    %get3A = arith.constant 0 : i32
    %get3A_18 = arith.index_cast %get3A : i32 to index
    %get3A_19 = arith.constant 0 : index
    %get3A_20 = tpu.vector_load %arg14[%get3A_18, %get3A_19] {strides = array<i32>} : memref<1x64xi32, #tpu.memory_space<vmem>>, vector<1x16xi32>,
    %get3A_21 = vector.shape_cast %get3A_20 : vector<1x16xi32> to vector<16xi32>
    %shift_right_logical3A = arith.constant 3 : i32
    %shift_right_logical3A_22 = vector.broadcast %shift_right_logical3A : i32 to vector<16xi32>
    %shift_right_logical3A_23 = arith.shrui %get3A_21, %shift_right_logical3A_22 : vector<16xi32>
    %add3A_24 = arith.constant 10112 : i32
    %add3A_25 = vector.broadcast %add3A_24 : i32 to vector<16xi32>
    %add3A_26 = arith.addi %shift_right_logical3A_23, %add3A_25 : vector<16xi32>
    %swap3A = arith.constant 0 : i32
    %swap3A_27 = arith.index_cast %swap3A : i32 to index
    %swap3A_28 = arith.constant 0 : index
    %swap3A_29 = tpu.vector_load %arg14[%swap3A_27, %swap3A_28] {strides = array<i32>} : memref<1x64xi32, #tpu.memory_space<vmem>>, vector<1x16xi32>,
    %swap3A_30 = vector.shape_cast %swap3A_29 : vector<1x16xi32> to vector<16xi32>
    %swap3A_31 = vector.shape_cast %add3A_26 : vector<16xi32> to vector<1x16xi32>
    tpu.vector_store %arg14[%swap3A_27, %swap3A_28], %swap3A_31 {strides = array<i32>} : memref<1x64xi32, #tpu.memory_space<vmem>>, vector<1x16xi32>,
    %get3A_32 = arith.constant 0 : i32
    %get3A_33 = arith.index_cast %get3A_32 : i32 to index
    %get3A_34 = arith.constant 16 : index
    %get3A_35 = tpu.vector_load %arg14[%get3A_33, %get3A_34] {strides = array<i32>} : memref<1x64xi32, #tpu.memory_space<vmem>>, vector<1x16xi32>,
    %get3A_36 = vector.shape_cast %get3A_35 : vector<1x16xi32> to vector<16xi32>
    %shift_right_logical3A_37 = arith.constant 3 : i32
    %shift_right_logical3A_38 = vector.broadcast %shift_right_logical3A_37 : i32 to vector<16xi32>
    %shift_right_logical3A_39 = arith.shrui %get3A_36, %shift_right_logical3A_38 : vector<16xi32>
    %add3A_40 = arith.constant 10112 : i32
    %add3A_41 = vector.broadcast %add3A_40 : i32 to vector<16xi32>
    %add3A_42 = arith.addi %shift_right_logical3A_39, %add3A_41 : vector<16xi32>
    %swap3A_43 = arith.constant 0 : i32
    %swap3A_44 = arith.index_cast %swap3A_43 : i32 to index
    %swap3A_45 = arith.constant 16 : index
    %swap3A_46 = tpu.vector_load %arg14[%swap3A_44, %swap3A_45] {strides = array<i32>} : memref<1x64xi32, #tpu.memory_space<vmem>>, vector<1x16xi32>,
    %swap3A_47 = vector.shape_cast %swap3A_46 : vector<1x16xi32> to vector<16xi32>
    %swap3A_48 = vector.shape_cast %add3A_42 : vector<16xi32> to vector<1x16xi32>
    tpu.vector_store %arg14[%swap3A_44, %swap3A_45], %swap3A_48 {strides = array<i32>} : memref<1x64xi32, #tpu.memory_space<vmem>>, vector<1x16xi32>,
    %get3A_49 = arith.constant 0 : i32
    %get3A_50 = arith.index_cast %get3A_49 : i32 to index
    %get3A_51 = arith.constant 32 : index
    %get3A_52 = tpu.vector_load %arg14[%get3A_50, %get3A_51] {strides = array<i32>} : memref<1x64xi32, #tpu.memory_space<vmem>>, vector<1x16xi32>,
    %get3A_53 = vector.shape_cast %get3A_52 : vector<1x16xi32> to vector<16xi32>
    %shift_right_logical3A_54 = arith.constant 3 : i32
    %shift_right_logical3A_55 = vector.broadcast %shift_right_logical3A_54 : i32 to vector<16xi32>
    %shift_right_logical3A_56 = arith.shrui %get3A_53, %shift_right_logical3A_55 : vector<16xi32>
    %add3A_57 = arith.constant 10112 : i32
    %add3A_58 = vector.broadcast %add3A_57 : i32 to vector<16xi32>
    %add3A_59 = arith.addi %shift_right_logical3A_56, %add3A_58 : vector<16xi32>
    %swap3A_60 = arith.constant 0 : i32
    %swap3A_61 = arith.index_cast %swap3A_60 : i32 to index
    %swap3A_62 = arith.constant 32 : index
    %swap3A_63 = tpu.vector_load %arg14[%swap3A_61, %swap3A_62] {strides = array<i32>} : memref<1x64xi32, #tpu.memory_space<vmem>>, vector<1x16xi32>,
    %swap3A_64 = vector.shape_cast %swap3A_63 : vector<1x16xi32> to vector<16xi32>
    %swap3A_65 = vector.shape_cast %add3A_59 : vector<16xi32> to vector<1x16xi32>
    tpu.vector_store %arg14[%swap3A_61, %swap3A_62], %swap3A_65 {strides = array<i32>} : memref<1x64xi32, #tpu.memory_space<vmem>>, vector<1x16xi32>,
    %get3A_66 = arith.constant 0 : i32
    %get3A_67 = arith.index_cast %get3A_66 : i32 to index
    %get3A_68 = arith.constant 48 : index
    %get3A_69 = tpu.vector_load %arg14[%get3A_67, %get3A_68] {strides = array<i32>} : memref<1x64xi32, #tpu.memory_space<vmem>>, vector<1x16xi32>,
    %get3A_70 = vector.shape_cast %get3A_69 : vector<1x16xi32> to vector<16xi32>
    %shift_right_logical3A_71 = arith.constant 3 : i32
    %shift_right_logical3A_72 = vector.broadcast %shift_right_logical3A_71 : i32 to vector<16xi32>
    %shift_right_logical3A_73 = arith.shrui %get3A_70, %shift_right_logical3A_72 : vector<16xi32>
    %add3A_74 = arith.constant 10112 : i32
    %add3A_75 = vector.broadcast %add3A_74 : i32 to vector<16xi32>
    %add3A_76 = arith.addi %shift_right_logical3A_73, %add3A_75 : vector<16xi32>
    %swap3A_77 = arith.constant 0 : i32
    %swap3A_78 = arith.index_cast %swap3A_77 : i32 to index
    %swap3A_79 = arith.constant 48 : index
    %swap3A_80 = tpu.vector_load %arg14[%swap3A_78, %swap3A_79] {strides = array<i32>} : memref<1x64xi32, #tpu.memory_space<vmem>>, vector<1x16xi32>,
    %swap3A_81 = vector.shape_cast %swap3A_80 : vector<1x16xi32> to vector<16xi32>
    %swap3A_82 = vector.shape_cast %add3A_76 : vector<16xi32> to vector<1x16xi32>
    tpu.vector_store %arg14[%swap3A_78, %swap3A_79], %swap3A_82 {strides = array<i32>} : memref<1x64xi32, #tpu.memory_space<vmem>>, vector<1x16xi32>,
    %dma_start3A = arith.constant 0 : i32
    %dma_start3A_83 = arith.constant 0 : i32
    %dma_start3A_84 = tpu.memref_slice %arg2[%dma_start3A, %dma_start3A_83] : memref<10112x128xf32, #tpu.memory_space<hbm>> -> memref<10112x128xf32, #tpu.memory_space<hbm>>
    tpu.enqueue_indirect_dma source(%dma_start3A_84 : memref<10112x128xf32, #tpu.memory_space<hbm>>) target(%arg17 : memref<64x128xf32, #tpu.memory_space<vmem>>) offsets(%arg8 : memref<64xi32, #tpu.memory_space<vmem>>) semaphore(%arg23 : memref<!tpu.dma_semaphore, #tpu.memory_space<semaphore_mem>>)
    %dma_start3A_85 = arith.constant 0 : i32
    %dma_start3A_86 = arith.constant 0 : i32
    %dma_start3A_87 = tpu.memref_slice %arg3[%dma_start3A_85, %dma_start3A_86] : memref<10112x128xf32, #tpu.memory_space<hbm>> -> memref<10112x128xf32, #tpu.memory_space<hbm>>
    tpu.enqueue_indirect_dma source(%dma_start3A_87 : memref<10112x128xf32, #tpu.memory_space<hbm>>) target(%arg19 : memref<64x128xf32, #tpu.memory_space<vmem>>) offsets(%arg10 : memref<64xi32, #tpu.memory_space<vmem>>) semaphore(%arg23 : memref<!tpu.dma_semaphore, #tpu.memory_space<semaphore_mem>>)
    %scan3A_88 = arith.constant 0 : i32
    %scan3A_89 = arith.constant 0 : i32
    %scan3A_90 = arith.constant 81 : i32
    %scan3A_91 = arith.addi %scan3A_89, %scan3A_90 : i32
    %scan3A_92 = arith.constant 1 : i32
    scf.for %scan3A_101 = %scan3A_89 to %scan3A_91 step %scan3A_92  : i32 {
      %mul3A_102 = arith.constant 2 : i32
      %mul3A_103 = arith.muli %scan3A_101, %mul3A_102 : i32
      %add3A_104 = arith.constant 0 : i32
      %add3A_105 = arith.addi %mul3A_103, %add3A_104 : i32
      %add3A_106 = arith.constant 1 : i32
      %add3A_107 = arith.addi %add3A_105, %add3A_106 : i32
      %lt3A = arith.constant 162 : i32
      %lt3A_108 = arith.cmpi slt, %add3A_107, %lt3A : i32
      %convert_element_type3A = arith.extui %lt3A_108 : i1 to i32
      %cond3A = arith.constant 0 : i32
      %cond3A_109 = arith.cmpi ne, %convert_element_type3A, %cond3A : i32
      scf.if %cond3A_109 {
        %add3A_160 = arith.constant 1 : i32
        %add3A_161 = arith.addi %add3A_105, %add3A_160 : i32
        %mul3A_162 = arith.constant 64 : i32
        %mul3A_163 = arith.muli %add3A_161, %mul3A_162 : i32
        %add3A_164 = arith.addi %mul3A_3, %mul3A_163 : i32
        "tpu.region"() ({
          %run_scoped3A_241 = tpu.sem_alloc : memref<!tpu.dma_semaphore, #tpu.memory_space<semaphore_mem>>
          %dma_start3A_242 = tpu.memref_slice %arg4[%add3A_164] : memref<331776xi32, #tpu.memory_space<hbm>> -> memref<64xi32, #tpu.memory_space<hbm>>
          %dma_start3A_243 = tpu.memref_slice %arg4[%add3A_164] : memref<331776xi32, #tpu.memory_space<hbm>> -> memref<64xi32, #tpu.memory_space<hbm>>
          tpu.enqueue_dma source(%dma_start3A_243 : memref<64xi32, #tpu.memory_space<hbm>>) target(%arg9 : memref<64xi32, #tpu.memory_space<vmem>>) target_semaphore(%run_scoped3A_241 : memref<!tpu.dma_semaphore, #tpu.memory_space<semaphore_mem>>)
          %dma_wait3A_244 = tpu.memref_slice %arg4[%add3A_164] : memref<331776xi32, #tpu.memory_space<hbm>> -> memref<64xi32, #tpu.memory_space<hbm>>
          %dma_wait3A_245 = tpu.memref_slice %arg4[%add3A_164] : memref<331776xi32, #tpu.memory_space<hbm>> -> memref<64xi32, #tpu.memory_space<hbm>>
          tpu.wait_dma2 semaphore(%run_scoped3A_241 : memref<!tpu.dma_semaphore, #tpu.memory_space<semaphore_mem>>) src(%dma_wait3A_245 : memref<64xi32, #tpu.memory_space<hbm>>) dst(%arg9 : memref<64xi32, #tpu.memory_space<vmem>>)
          tpu.yield
        }) : () -> ()
        "tpu.region"() ({
          %run_scoped3A_241 = tpu.sem_alloc : memref<!tpu.dma_semaphore, #tpu.memory_space<semaphore_mem>>
          %dma_start3A_242 = tpu.memref_slice %arg5[%add3A_164] : memref<331776xi32, #tpu.memory_space<hbm>> -> memref<64xi32, #tpu.memory_space<hbm>>
          %dma_start3A_243 = tpu.memref_slice %arg5[%add3A_164] : memref<331776xi32, #tpu.memory_space<hbm>> -> memref<64xi32, #tpu.memory_space<hbm>>
          tpu.enqueue_dma source(%dma_start3A_243 : memref<64xi32, #tpu.memory_space<hbm>>) target(%arg11 : memref<64xi32, #tpu.memory_space<vmem>>) target_semaphore(%run_scoped3A_241 : memref<!tpu.dma_semaphore, #tpu.memory_space<semaphore_mem>>)
          %dma_wait3A_244 = tpu.memref_slice %arg5[%add3A_164] : memref<331776xi32, #tpu.memory_space<hbm>> -> memref<64xi32, #tpu.memory_space<hbm>>
          %dma_wait3A_245 = tpu.memref_slice %arg5[%add3A_164] : memref<331776xi32, #tpu.memory_space<hbm>> -> memref<64xi32, #tpu.memory_space<hbm>>
          tpu.wait_dma2 semaphore(%run_scoped3A_241 : memref<!tpu.dma_semaphore, #tpu.memory_space<semaphore_mem>>) src(%dma_wait3A_245 : memref<64xi32, #tpu.memory_space<hbm>>) dst(%arg11 : memref<64xi32, #tpu.memory_space<vmem>>)
          tpu.yield
        }) : () -> ()
        %run_scoped3A_165 = arith.constant 0 : i32
        "tpu.region"() ({
          %run_scoped3A_241 = tpu.sem_alloc : memref<!tpu.dma_semaphore, #tpu.memory_space<semaphore_mem>>
          %dma_start3A_242 = arith.constant 0 : i32
          %dma_start3A_243 = tpu.memref_slice %arg13[%run_scoped3A_165, %dma_start3A_242] : memref<1x64xi32, #tpu.memory_space<vmem>> -> memref<1x64xi32, #tpu.memory_space<vmem>>
          %dma_start3A_244 = tpu.memref_squeeze %dma_start3A_243 : memref<1x64xi32, #tpu.memory_space<vmem>> -> memref<64xi32, #tpu.memory_space<vmem>>
          %dma_start3A_245 = tpu.memref_slice %arg5[%add3A_164] : memref<331776xi32, #tpu.memory_space<hbm>> -> memref<64xi32, #tpu.memory_space<hbm>>
          %dma_start3A_246 = arith.constant 0 : i32
          %dma_start3A_247 = tpu.memref_slice %arg13[%run_scoped3A_165, %dma_start3A_246] : memref<1x64xi32, #tpu.memory_space<vmem>> -> memref<1x64xi32, #tpu.memory_space<vmem>>
          %dma_start3A_248 = tpu.memref_squeeze %dma_start3A_247 : memref<1x64xi32, #tpu.memory_space<vmem>> -> memref<64xi32, #tpu.memory_space<vmem>>
          %dma_start3A_249 = tpu.memref_slice %arg5[%add3A_164] : memref<331776xi32, #tpu.memory_space<hbm>> -> memref<64xi32, #tpu.memory_space<hbm>>
          tpu.enqueue_dma source(%dma_start3A_249 : memref<64xi32, #tpu.memory_space<hbm>>) target(%dma_start3A_248 : memref<64xi32, #tpu.memory_space<vmem>>) target_semaphore(%run_scoped3A_241 : memref<!tpu.dma_semaphore, #tpu.memory_space<semaphore_mem>>)
          %dma_wait3A_250 = arith.constant 0 : i32
          %dma_wait3A_251 = tpu.memref_slice %arg13[%run_scoped3A_165, %dma_wait3A_250] : memref<1x64xi32, #tpu.memory_space<vmem>> -> memref<1x64xi32, #tpu.memory_space<vmem>>
          %dma_wait3A_252 = tpu.memref_squeeze %dma_wait3A_251 : memref<1x64xi32, #tpu.memory_space<vmem>> -> memref<64xi32, #tpu.memory_space<vmem>>
          %dma_wait3A_253 = tpu.memref_slice %arg5[%add3A_164] : memref<331776xi32, #tpu.memory_space<hbm>> -> memref<64xi32, #tpu.memory_space<hbm>>
          %dma_wait3A_254 = arith.constant 0 : i32
          %dma_wait3A_255 = tpu.memref_slice %arg13[%run_scoped3A_165, %dma_wait3A_254] : memref<1x64xi32, #tpu.memory_space<vmem>> -> memref<1x64xi32, #tpu.memory_space<vmem>>
          %dma_wait3A_256 = tpu.memref_squeeze %dma_wait3A_255 : memref<1x64xi32, #tpu.memory_space<vmem>> -> memref<64xi32, #tpu.memory_space<vmem>>
          %dma_wait3A_257 = tpu.memref_slice %arg5[%add3A_164] : memref<331776xi32, #tpu.memory_space<hbm>> -> memref<64xi32, #tpu.memory_space<hbm>>
          tpu.wait_dma2 semaphore(%run_scoped3A_241 : memref<!tpu.dma_semaphore, #tpu.memory_space<semaphore_mem>>) src(%dma_wait3A_257 : memref<64xi32, #tpu.memory_space<hbm>>) dst(%dma_wait3A_256 : memref<64xi32, #tpu.memory_space<vmem>>)
          tpu.yield
        }) : () -> ()
        %run_scoped3A_166 = arith.constant 0 : i32
        "tpu.region"() ({
          %run_scoped3A_241 = tpu.sem_alloc : memref<!tpu.dma_semaphore, #tpu.memory_space<semaphore_mem>>
          %dma_start3A_242 = arith.constant 0 : i32
          %dma_start3A_243 = tpu.memref_slice %arg15[%run_scoped3A_166, %dma_start3A_242] : memref<1x64xi32, #tpu.memory_space<vmem>> -> memref<1x64xi32, #tpu.memory_space<vmem>>
          %dma_start3A_244 = tpu.memref_squeeze %dma_start3A_243 : memref<1x64xi32, #tpu.memory_space<vmem>> -> memref<64xi32, #tpu.memory_space<vmem>>
          %dma_start3A_245 = tpu.memref_slice %arg5[%add3A_164] : memref<331776xi32, #tpu.memory_space<hbm>> -> memref<64xi32, #tpu.memory_space<hbm>>
          %dma_start3A_246 = arith.constant 0 : i32
          %dma_start3A_247 = tpu.memref_slice %arg15[%run_scoped3A_166, %dma_start3A_246] : memref<1x64xi32, #tpu.memory_space<vmem>> -> memref<1x64xi32, #tpu.memory_space<vmem>>
          %dma_start3A_248 = tpu.memref_squeeze %dma_start3A_247 : memref<1x64xi32, #tpu.memory_space<vmem>> -> memref<64xi32, #tpu.memory_space<vmem>>
          %dma_start3A_249 = tpu.memref_slice %arg5[%add3A_164] : memref<331776xi32, #tpu.memory_space<hbm>> -> memref<64xi32, #tpu.memory_space<hbm>>
          tpu.enqueue_dma source(%dma_start3A_249 : memref<64xi32, #tpu.memory_space<hbm>>) target(%dma_start3A_248 : memref<64xi32, #tpu.memory_space<vmem>>) target_semaphore(%run_scoped3A_241 : memref<!tpu.dma_semaphore, #tpu.memory_space<semaphore_mem>>)
          %dma_wait3A_250 = arith.constant 0 : i32
          %dma_wait3A_251 = tpu.memref_slice %arg15[%run_scoped3A_166, %dma_wait3A_250] : memref<1x64xi32, #tpu.memory_space<vmem>> -> memref<1x64xi32, #tpu.memory_space<vmem>>
          %dma_wait3A_252 = tpu.memref_squeeze %dma_wait3A_251 : memref<1x64xi32, #tpu.memory_space<vmem>> -> memref<64xi32, #tpu.memory_space<vmem>>
          %dma_wait3A_253 = tpu.memref_slice %arg5[%add3A_164] : memref<331776xi32, #tpu.memory_space<hbm>> -> memref<64xi32, #tpu.memory_space<hbm>>
          %dma_wait3A_254 = arith.constant 0 : i32
          %dma_wait3A_255 = tpu.memref_slice %arg15[%run_scoped3A_166, %dma_wait3A_254] : memref<1x64xi32, #tpu.memory_space<vmem>> -> memref<1x64xi32, #tpu.memory_space<vmem>>
          %dma_wait3A_256 = tpu.memref_squeeze %dma_wait3A_255 : memref<1x64xi32, #tpu.memory_space<vmem>> -> memref<64xi32, #tpu.memory_space<vmem>>
          %dma_wait3A_257 = tpu.memref_slice %arg5[%add3A_164] : memref<331776xi32, #tpu.memory_space<hbm>> -> memref<64xi32, #tpu.memory_space<hbm>>
          tpu.wait_dma2 semaphore(%run_scoped3A_241 : memref<!tpu.dma_semaphore, #tpu.memory_space<semaphore_mem>>) src(%dma_wait3A_257 : memref<64xi32, #tpu.memory_space<hbm>>) dst(%dma_wait3A_256 : memref<64xi32, #tpu.memory_space<vmem>>)
          tpu.yield
        }) : () -> ()
        %get3A_167 = arith.constant 0 : i32
        %get3A_168 = arith.index_cast %get3A_167 : i32 to index
        %get3A_169 = arith.constant 0 : index
        %get3A_170 = tpu.vector_load %arg15[%get3A_168, %get3A_169] {strides = array<i32>} : memref<1x64xi32, #tpu.memory_space<vmem>>, vector<1x16xi32>,
        %get3A_171 = vector.shape_cast %get3A_170 : vector<1x16xi32> to vector<16xi32>
        %shift_right_logical3A_172 = arith.constant 3 : i32
        %shift_right_logical3A_173 = vector.broadcast %shift_right_logical3A_172 : i32 to vector<16xi32>
        %shift_right_logical3A_174 = arith.shrui %get3A_171, %shift_right_logical3A_173 : vector<16xi32>
        %add3A_175 = arith.constant 10112 : i32
        %add3A_176 = vector.broadcast %add3A_175 : i32 to vector<16xi32>
        %add3A_177 = arith.addi %shift_right_logical3A_174, %add3A_176 : vector<16xi32>
        %swap3A_178 = arith.constant 0 : i32
        %swap3A_179 = arith.index_cast %swap3A_178 : i32 to index
        %swap3A_180 = arith.constant 0 : index
        %swap3A_181 = tpu.vector_load %arg15[%swap3A_179, %swap3A_180] {strides = array<i32>} : memref<1x64xi32, #tpu.memory_space<vmem>>, vector<1x16xi32>,
        %swap3A_182 = vector.shape_cast %swap3A_181 : vector<1x16xi32> to vector<16xi32>
        %swap3A_183 = vector.shape_cast %add3A_177 : vector<16xi32> to vector<1x16xi32>
        tpu.vector_store %arg15[%swap3A_179, %swap3A_180], %swap3A_183 {strides = array<i32>} : memref<1x64xi32, #tpu.memory_space<vmem>>, vector<1x16xi32>,
        %get3A_184 = arith.constant 0 : i32
        %get3A_185 = arith.index_cast %get3A_184 : i32 to index
        %get3A_186 = arith.constant 16 : index
        %get3A_187 = tpu.vector_load %arg15[%get3A_185, %get3A_186] {strides = array<i32>} : memref<1x64xi32, #tpu.memory_space<vmem>>, vector<1x16xi32>,
        %get3A_188 = vector.shape_cast %get3A_187 : vector<1x16xi32> to vector<16xi32>
        %shift_right_logical3A_189 = arith.constant 3 : i32
        %shift_right_logical3A_190 = vector.broadcast %shift_right_logical3A_189 : i32 to vector<16xi32>
        %shift_right_logical3A_191 = arith.shrui %get3A_188, %shift_right_logical3A_190 : vector<16xi32>
        %add3A_192 = arith.constant 10112 : i32
        %add3A_193 = vector.broadcast %add3A_192 : i32 to vector<16xi32>
        %add3A_194 = arith.addi %shift_right_logical3A_191, %add3A_193 : vector<16xi32>
        %swap3A_195 = arith.constant 0 : i32
        %swap3A_196 = arith.index_cast %swap3A_195 : i32 to index
        %swap3A_197 = arith.constant 16 : index
        %swap3A_198 = tpu.vector_load %arg15[%swap3A_196, %swap3A_197] {strides = array<i32>} : memref<1x64xi32, #tpu.memory_space<vmem>>, vector<1x16xi32>,
        %swap3A_199 = vector.shape_cast %swap3A_198 : vector<1x16xi32> to vector<16xi32>
        %swap3A_200 = vector.shape_cast %add3A_194 : vector<16xi32> to vector<1x16xi32>
        tpu.vector_store %arg15[%swap3A_196, %swap3A_197], %swap3A_200 {strides = array<i32>} : memref<1x64xi32, #tpu.memory_space<vmem>>, vector<1x16xi32>,
        %get3A_201 = arith.constant 0 : i32
        %get3A_202 = arith.index_cast %get3A_201 : i32 to index
        %get3A_203 = arith.constant 32 : index
        %get3A_204 = tpu.vector_load %arg15[%get3A_202, %get3A_203] {strides = array<i32>} : memref<1x64xi32, #tpu.memory_space<vmem>>, vector<1x16xi32>,
        %get3A_205 = vector.shape_cast %get3A_204 : vector<1x16xi32> to vector<16xi32>
        %shift_right_logical3A_206 = arith.constant 3 : i32
        %shift_right_logical3A_207 = vector.broadcast %shift_right_logical3A_206 : i32 to vector<16xi32>
        %shift_right_logical3A_208 = arith.shrui %get3A_205, %shift_right_logical3A_207 : vector<16xi32>
        %add3A_209 = arith.constant 10112 : i32
        %add3A_210 = vector.broadcast %add3A_209 : i32 to vector<16xi32>
        %add3A_211 = arith.addi %shift_right_logical3A_208, %add3A_210 : vector<16xi32>
        %swap3A_212 = arith.constant 0 : i32
        %swap3A_213 = arith.index_cast %swap3A_212 : i32 to index
        %swap3A_214 = arith.constant 32 : index
        %swap3A_215 = tpu.vector_load %arg15[%swap3A_213, %swap3A_214] {strides = array<i32>} : memref<1x64xi32, #tpu.memory_space<vmem>>, vector<1x16xi32>,
        %swap3A_216 = vector.shape_cast %swap3A_215 : vector<1x16xi32> to vector<16xi32>
        %swap3A_217 = vector.shape_cast %add3A_211 : vector<16xi32> to vector<1x16xi32>
        tpu.vector_store %arg15[%swap3A_213, %swap3A_214], %swap3A_217 {strides = array<i32>} : memref<1x64xi32, #tpu.memory_space<vmem>>, vector<1x16xi32>,
        %get3A_218 = arith.constant 0 : i32
        %get3A_219 = arith.index_cast %get3A_218 : i32 to index
        %get3A_220 = arith.constant 48 : index
        %get3A_221 = tpu.vector_load %arg15[%get3A_219, %get3A_220] {strides = array<i32>} : memref<1x64xi32, #tpu.memory_space<vmem>>, vector<1x16xi32>,
        %get3A_222 = vector.shape_cast %get3A_221 : vector<1x16xi32> to vector<16xi32>
        %shift_right_logical3A_223 = arith.constant 3 : i32
        %shift_right_logical3A_224 = vector.broadcast %shift_right_logical3A_223 : i32 to vector<16xi32>
        %shift_right_logical3A_225 = arith.shrui %get3A_222, %shift_right_logical3A_224 : vector<16xi32>
        %add3A_226 = arith.constant 10112 : i32
        %add3A_227 = vector.broadcast %add3A_226 : i32 to vector<16xi32>
        %add3A_228 = arith.addi %shift_right_logical3A_225, %add3A_227 : vector<16xi32>
        %swap3A_229 = arith.constant 0 : i32
        %swap3A_230 = arith.index_cast %swap3A_229 : i32 to index
        %swap3A_231 = arith.constant 48 : index
        %swap3A_232 = tpu.vector_load %arg15[%swap3A_230, %swap3A_231] {strides = array<i32>} : memref<1x64xi32, #tpu.memory_space<vmem>>, vector<1x16xi32>,
        %swap3A_233 = vector.shape_cast %swap3A_232 : vector<1x16xi32> to vector<16xi32>
        %swap3A_234 = vector.shape_cast %add3A_228 : vector<16xi32> to vector<1x16xi32>
        tpu.vector_store %arg15[%swap3A_230, %swap3A_231], %swap3A_234 {strides = array<i32>} : memref<1x64xi32, #tpu.memory_space<vmem>>, vector<1x16xi32>,
        %dma_start3A_235 = arith.constant 0 : i32
        %dma_start3A_236 = arith.constant 0 : i32
        %dma_start3A_237 = tpu.memref_slice %arg2[%dma_start3A_235, %dma_start3A_236] : memref<10112x128xf32, #tpu.memory_space<hbm>> -> memref<10112x128xf32, #tpu.memory_space<hbm>>
        tpu.enqueue_indirect_dma source(%dma_start3A_237 : memref<10112x128xf32, #tpu.memory_space<hbm>>) target(%arg18 : memref<64x128xf32, #tpu.memory_space<vmem>>) offsets(%arg9 : memref<64xi32, #tpu.memory_space<vmem>>) semaphore(%arg24 : memref<!tpu.dma_semaphore, #tpu.memory_space<semaphore_mem>>)
        %dma_start3A_238 = arith.constant 0 : i32
        %dma_start3A_239 = arith.constant 0 : i32
        %dma_start3A_240 = tpu.memref_slice %arg3[%dma_start3A_238, %dma_start3A_239] : memref<10112x128xf32, #tpu.memory_space<hbm>> -> memref<10112x128xf32, #tpu.memory_space<hbm>>
        tpu.enqueue_indirect_dma source(%dma_start3A_240 : memref<10112x128xf32, #tpu.memory_space<hbm>>) target(%arg20 : memref<64x128xf32, #tpu.memory_space<vmem>>) offsets(%arg11 : memref<64xi32, #tpu.memory_space<vmem>>) semaphore(%arg24 : memref<!tpu.dma_semaphore, #tpu.memory_space<semaphore_mem>>)
      } else {
      }
      %dma_wait3A = arith.constant 0 : i32
      %dma_wait3A_110 = arith.constant 0 : i32
      %dma_wait3A_111 = tpu.memref_slice %arg2[%dma_wait3A, %dma_wait3A_110] : memref<10112x128xf32, #tpu.memory_space<hbm>> -> memref<64x128xf32, #tpu.memory_space<hbm>>
      %dma_wait3A_112 = arith.constant 0 : i32
      %dma_wait3A_113 = arith.constant 0 : i32
      %dma_wait3A_114 = tpu.memref_slice %arg2[%dma_wait3A_112, %dma_wait3A_113] : memref<10112x128xf32, #tpu.memory_space<hbm>> -> memref<64x128xf32, #tpu.memory_space<hbm>>
      tpu.wait_dma2 semaphore(%arg23 : memref<!tpu.dma_semaphore, #tpu.memory_space<semaphore_mem>>) src(%dma_wait3A_114 : memref<64x128xf32, #tpu.memory_space<hbm>>) dst(%arg17 : memref<64x128xf32, #tpu.memory_space<vmem>>)
      %dma_wait3A_115 = arith.constant 0 : i32
      %dma_wait3A_116 = arith.constant 0 : i32
      %dma_wait3A_117 = tpu.memref_slice %arg3[%dma_wait3A_115, %dma_wait3A_116] : memref<10112x128xf32, #tpu.memory_space<hbm>> -> memref<64x128xf32, #tpu.memory_space<hbm>>
      %dma_wait3A_118 = arith.constant 0 : i32
      %dma_wait3A_119 = arith.constant 0 : i32
      %dma_wait3A_120 = tpu.memref_slice %arg3[%dma_wait3A_118, %dma_wait3A_119] : memref<10112x128xf32, #tpu.memory_space<hbm>> -> memref<64x128xf32, #tpu.memory_space<hbm>>
      tpu.wait_dma2 semaphore(%arg23 : memref<!tpu.dma_semaphore, #tpu.memory_space<semaphore_mem>>) src(%dma_wait3A_120 : memref<64x128xf32, #tpu.memory_space<hbm>>) dst(%arg19 : memref<64x128xf32, #tpu.memory_space<vmem>>)
      %scan3A_121 = arith.constant 0 : i32
      %scan3A_122 = arith.constant 0 : i32
      %scan3A_123 = arith.constant 64 : i32
      %scan3A_124 = arith.addi %scan3A_122, %scan3A_123 : i32
      %scan3A_125 = arith.constant 1 : i32
      scf.for %scan3A_160 = %scan3A_122 to %scan3A_124 step %scan3A_125  : i32 {
        %broadcast_in_dim3A_161 = arith.constant 0.000000e+00 : f32
        %broadcast_in_dim3A_162 = vector.broadcast %broadcast_in_dim3A_161 : f32 to vector<16xf32>
        %get3A_163 = arith.index_cast %scan3A_160 : i32 to index
        %get3A_164 = arith.constant 0 : index
        %get3A_165 = tpu.vector_load %arg17[%get3A_163, %get3A_164] {strides = array<i32>} : memref<64x128xf32, #tpu.memory_space<vmem>>, vector<1x16xf32>,
        %get3A_166 = vector.shape_cast %get3A_165 : vector<1x16xf32> to vector<16xf32>
        %get3A_167 = arith.index_cast %scan3A_160 : i32 to index
        %get3A_168 = arith.constant 0 : index
        %get3A_169 = tpu.vector_load %arg19[%get3A_167, %get3A_168] {strides = array<i32>} : memref<64x128xf32, #tpu.memory_space<vmem>>, vector<1x16xf32>,
        %get3A_170 = vector.shape_cast %get3A_169 : vector<1x16xf32> to vector<16xf32>
        %add3A_171 = arith.addf %get3A_166, %get3A_170 : vector<16xf32>
        %mul3A_172 = arith.constant 2.000000e-01 : f32
        %mul3A_173 = vector.broadcast %mul3A_172 : f32 to vector<16xf32>
        %mul3A_174 = arith.mulf %mul3A_173, %add3A_171 : vector<16xf32>
        %max3A = arith.maximumf %add3A_171, %mul3A_174 : vector<16xf32>
        %get3A_175 = arith.constant 0 : index
        %get3A_176 = tpu.vector_load %arg21[%get3A_175] {strides = array<i32>} : memref<128xf32, #tpu.memory_space<vmem>>, vector<16xf32>,
        %get3A_177 = vector.shape_cast %get3A_176 : vector<16xf32> to vector<16xf32>
        %mul3A_178 = arith.mulf %get3A_177, %max3A : vector<16xf32>
        %add3A_179 = arith.addf %broadcast_in_dim3A_162, %mul3A_178 : vector<16xf32>
        %get3A_180 = arith.index_cast %scan3A_160 : i32 to index
        %get3A_181 = arith.constant 16 : index
        %get3A_182 = tpu.vector_load %arg17[%get3A_180, %get3A_181] {strides = array<i32>} : memref<64x128xf32, #tpu.memory_space<vmem>>, vector<1x16xf32>,
        %get3A_183 = vector.shape_cast %get3A_182 : vector<1x16xf32> to vector<16xf32>
        %get3A_184 = arith.index_cast %scan3A_160 : i32 to index
        %get3A_185 = arith.constant 16 : index
        %get3A_186 = tpu.vector_load %arg19[%get3A_184, %get3A_185] {strides = array<i32>} : memref<64x128xf32, #tpu.memory_space<vmem>>, vector<1x16xf32>,
        %get3A_187 = vector.shape_cast %get3A_186 : vector<1x16xf32> to vector<16xf32>
        %add3A_188 = arith.addf %get3A_183, %get3A_187 : vector<16xf32>
        %mul3A_189 = arith.constant 2.000000e-01 : f32
        %mul3A_190 = vector.broadcast %mul3A_189 : f32 to vector<16xf32>
        %mul3A_191 = arith.mulf %mul3A_190, %add3A_188 : vector<16xf32>
        %max3A_192 = arith.maximumf %add3A_188, %mul3A_191 : vector<16xf32>
        %get3A_193 = arith.constant 16 : index
        %get3A_194 = tpu.vector_load %arg21[%get3A_193] {strides = array<i32>} : memref<128xf32, #tpu.memory_space<vmem>>, vector<16xf32>,
        %get3A_195 = vector.shape_cast %get3A_194 : vector<16xf32> to vector<16xf32>
        %mul3A_196 = arith.mulf %get3A_195, %max3A_192 : vector<16xf32>
        %add3A_197 = arith.addf %add3A_179, %mul3A_196 : vector<16xf32>
        %get3A_198 = arith.index_cast %scan3A_160 : i32 to index
        %get3A_199 = arith.constant 32 : index
        %get3A_200 = tpu.vector_load %arg17[%get3A_198, %get3A_199] {strides = array<i32>} : memref<64x128xf32, #tpu.memory_space<vmem>>, vector<1x16xf32>,
        %get3A_201 = vector.shape_cast %get3A_200 : vector<1x16xf32> to vector<16xf32>
        %get3A_202 = arith.index_cast %scan3A_160 : i32 to index
        %get3A_203 = arith.constant 32 : index
        %get3A_204 = tpu.vector_load %arg19[%get3A_202, %get3A_203] {strides = array<i32>} : memref<64x128xf32, #tpu.memory_space<vmem>>, vector<1x16xf32>,
        %get3A_205 = vector.shape_cast %get3A_204 : vector<1x16xf32> to vector<16xf32>
        %add3A_206 = arith.addf %get3A_201, %get3A_205 : vector<16xf32>
        %mul3A_207 = arith.constant 2.000000e-01 : f32
        %mul3A_208 = vector.broadcast %mul3A_207 : f32 to vector<16xf32>
        %mul3A_209 = arith.mulf %mul3A_208, %add3A_206 : vector<16xf32>
        %max3A_210 = arith.maximumf %add3A_206, %mul3A_209 : vector<16xf32>
        %get3A_211 = arith.constant 32 : index
        %get3A_212 = tpu.vector_load %arg21[%get3A_211] {strides = array<i32>} : memref<128xf32, #tpu.memory_space<vmem>>, vector<16xf32>,
        %get3A_213 = vector.shape_cast %get3A_212 : vector<16xf32> to vector<16xf32>
        %mul3A_214 = arith.mulf %get3A_213, %max3A_210 : vector<16xf32>
        %add3A_215 = arith.addf %add3A_197, %mul3A_214 : vector<16xf32>
        %get3A_216 = arith.index_cast %scan3A_160 : i32 to index
        %get3A_217 = arith.constant 48 : index
        %get3A_218 = tpu.vector_load %arg17[%get3A_216, %get3A_217] {strides = array<i32>} : memref<64x128xf32, #tpu.memory_space<vmem>>, vector<1x16xf32>,
        %get3A_219 = vector.shape_cast %get3A_218 : vector<1x16xf32> to vector<16xf32>
        %get3A_220 = arith.index_cast %scan3A_160 : i32 to index
        %get3A_221 = arith.constant 48 : index
        %get3A_222 = tpu.vector_load %arg19[%get3A_220, %get3A_221] {strides = array<i32>} : memref<64x128xf32, #tpu.memory_space<vmem>>, vector<1x16xf32>,
        %get3A_223 = vector.shape_cast %get3A_222 : vector<1x16xf32> to vector<16xf32>
        %add3A_224 = arith.addf %get3A_219, %get3A_223 : vector<16xf32>
        %mul3A_225 = arith.constant 2.000000e-01 : f32
        %mul3A_226 = vector.broadcast %mul3A_225 : f32 to vector<16xf32>
        %mul3A_227 = arith.mulf %mul3A_226, %add3A_224 : vector<16xf32>
        %max3A_228 = arith.maximumf %add3A_224, %mul3A_227 : vector<16xf32>
        %get3A_229 = arith.constant 48 : index
        %get3A_230 = tpu.vector_load %arg21[%get3A_229] {strides = array<i32>} : memref<128xf32, #tpu.memory_space<vmem>>, vector<16xf32>,
        %get3A_231 = vector.shape_cast %get3A_230 : vector<16xf32> to vector<16xf32>
        %mul3A_232 = arith.mulf %get3A_231, %max3A_228 : vector<16xf32>
        %add3A_233 = arith.addf %add3A_215, %mul3A_232 : vector<16xf32>
        %get3A_234 = arith.index_cast %scan3A_160 : i32 to index
        %get3A_235 = arith.constant 64 : index
        %get3A_236 = tpu.vector_load %arg17[%get3A_234, %get3A_235] {strides = array<i32>} : memref<64x128xf32, #tpu.memory_space<vmem>>, vector<1x16xf32>,
        %get3A_237 = vector.shape_cast %get3A_236 : vector<1x16xf32> to vector<16xf32>
        %get3A_238 = arith.index_cast %scan3A_160 : i32 to index
        %get3A_239 = arith.constant 64 : index
        %get3A_240 = tpu.vector_load %arg19[%get3A_238, %get3A_239] {strides = array<i32>} : memref<64x128xf32, #tpu.memory_space<vmem>>, vector<1x16xf32>,
        %get3A_241 = vector.shape_cast %get3A_240 : vector<1x16xf32> to vector<16xf32>
        %add3A_242 = arith.addf %get3A_237, %get3A_241 : vector<16xf32>
        %mul3A_243 = arith.constant 2.000000e-01 : f32
        %mul3A_244 = vector.broadcast %mul3A_243 : f32 to vector<16xf32>
        %mul3A_245 = arith.mulf %mul3A_244, %add3A_242 : vector<16xf32>
        %max3A_246 = arith.maximumf %add3A_242, %mul3A_245 : vector<16xf32>
        %get3A_247 = arith.constant 64 : index
        %get3A_248 = tpu.vector_load %arg21[%get3A_247] {strides = array<i32>} : memref<128xf32, #tpu.memory_space<vmem>>, vector<16xf32>,
        %get3A_249 = vector.shape_cast %get3A_248 : vector<16xf32> to vector<16xf32>
        %mul3A_250 = arith.mulf %get3A_249, %max3A_246 : vector<16xf32>
        %add3A_251 = arith.addf %add3A_233, %mul3A_250 : vector<16xf32>
        %get3A_252 = arith.index_cast %scan3A_160 : i32 to index
        %get3A_253 = arith.constant 80 : index
        %get3A_254 = tpu.vector_load %arg17[%get3A_252, %get3A_253] {strides = array<i32>} : memref<64x128xf32, #tpu.memory_space<vmem>>, vector<1x16xf32>,
        %get3A_255 = vector.shape_cast %get3A_254 : vector<1x16xf32> to vector<16xf32>
        %get3A_256 = arith.index_cast %scan3A_160 : i32 to index
        %get3A_257 = arith.constant 80 : index
        %get3A_258 = tpu.vector_load %arg19[%get3A_256, %get3A_257] {strides = array<i32>} : memref<64x128xf32, #tpu.memory_space<vmem>>, vector<1x16xf32>,
        %get3A_259 = vector.shape_cast %get3A_258 : vector<1x16xf32> to vector<16xf32>
        %add3A_260 = arith.addf %get3A_255, %get3A_259 : vector<16xf32>
        %mul3A_261 = arith.constant 2.000000e-01 : f32
        %mul3A_262 = vector.broadcast %mul3A_261 : f32 to vector<16xf32>
        %mul3A_263 = arith.mulf %mul3A_262, %add3A_260 : vector<16xf32>
        %max3A_264 = arith.maximumf %add3A_260, %mul3A_263 : vector<16xf32>
        %get3A_265 = arith.constant 80 : index
        %get3A_266 = tpu.vector_load %arg21[%get3A_265] {strides = array<i32>} : memref<128xf32, #tpu.memory_space<vmem>>, vector<16xf32>,
        %get3A_267 = vector.shape_cast %get3A_266 : vector<16xf32> to vector<16xf32>
        %mul3A_268 = arith.mulf %get3A_267, %max3A_264 : vector<16xf32>
        %add3A_269 = arith.addf %add3A_251, %mul3A_268 : vector<16xf32>
        %get3A_270 = arith.index_cast %scan3A_160 : i32 to index
        %get3A_271 = arith.constant 96 : index
        %get3A_272 = tpu.vector_load %arg17[%get3A_270, %get3A_271] {strides = array<i32>} : memref<64x128xf32, #tpu.memory_space<vmem>>, vector<1x16xf32>,
        %get3A_273 = vector.shape_cast %get3A_272 : vector<1x16xf32> to vector<16xf32>
        %get3A_274 = arith.index_cast %scan3A_160 : i32 to index
        %get3A_275 = arith.constant 96 : index
        %get3A_276 = tpu.vector_load %arg19[%get3A_274, %get3A_275] {strides = array<i32>} : memref<64x128xf32, #tpu.memory_space<vmem>>, vector<1x16xf32>,
        %get3A_277 = vector.shape_cast %get3A_276 : vector<1x16xf32> to vector<16xf32>
        %add3A_278 = arith.addf %get3A_273, %get3A_277 : vector<16xf32>
        %mul3A_279 = arith.constant 2.000000e-01 : f32
        %mul3A_280 = vector.broadcast %mul3A_279 : f32 to vector<16xf32>
        %mul3A_281 = arith.mulf %mul3A_280, %add3A_278 : vector<16xf32>
        %max3A_282 = arith.maximumf %add3A_278, %mul3A_281 : vector<16xf32>
        %get3A_283 = arith.constant 96 : index
        %get3A_284 = tpu.vector_load %arg21[%get3A_283] {strides = array<i32>} : memref<128xf32, #tpu.memory_space<vmem>>, vector<16xf32>,
        %get3A_285 = vector.shape_cast %get3A_284 : vector<16xf32> to vector<16xf32>
        %mul3A_286 = arith.mulf %get3A_285, %max3A_282 : vector<16xf32>
        %add3A_287 = arith.addf %add3A_269, %mul3A_286 : vector<16xf32>
        %get3A_288 = arith.index_cast %scan3A_160 : i32 to index
        %get3A_289 = arith.constant 112 : index
        %get3A_290 = tpu.vector_load %arg17[%get3A_288, %get3A_289] {strides = array<i32>} : memref<64x128xf32, #tpu.memory_space<vmem>>, vector<1x16xf32>,
        %get3A_291 = vector.shape_cast %get3A_290 : vector<1x16xf32> to vector<16xf32>
        %get3A_292 = arith.index_cast %scan3A_160 : i32 to index
        %get3A_293 = arith.constant 112 : index
        %get3A_294 = tpu.vector_load %arg19[%get3A_292, %get3A_293] {strides = array<i32>} : memref<64x128xf32, #tpu.memory_space<vmem>>, vector<1x16xf32>,
        %get3A_295 = vector.shape_cast %get3A_294 : vector<1x16xf32> to vector<16xf32>
        %add3A_296 = arith.addf %get3A_291, %get3A_295 : vector<16xf32>
        %mul3A_297 = arith.constant 2.000000e-01 : f32
        %mul3A_298 = vector.broadcast %mul3A_297 : f32 to vector<16xf32>
        %mul3A_299 = arith.mulf %mul3A_298, %add3A_296 : vector<16xf32>
        %max3A_300 = arith.maximumf %add3A_296, %mul3A_299 : vector<16xf32>
        %get3A_301 = arith.constant 112 : index
        %get3A_302 = tpu.vector_load %arg21[%get3A_301] {strides = array<i32>} : memref<128xf32, #tpu.memory_space<vmem>>, vector<16xf32>,
        %get3A_303 = vector.shape_cast %get3A_302 : vector<16xf32> to vector<16xf32>
        %mul3A_304 = arith.mulf %get3A_303, %max3A_300 : vector<16xf32>
        %add3A_305 = arith.addf %add3A_287, %mul3A_304 : vector<16xf32>
        %xor3A = arith.constant 8 : i32
        %xor3A_306 = vector.broadcast %xor3A : i32 to vector<16xi32>
        %xor3A_307 = arith.xori %iota3A, %xor3A_306 : vector<16xi32>
        %broadcast_in_dim3A_308 = vector.shape_cast %xor3A_307 : vector<16xi32> to vector<16x1xi32>
        %gather3A = vector.shape_cast %broadcast_in_dim3A_308 : vector<16x1xi32> to vector<16xi32>
        %gather3A_309 = tpu.dynamic_gather %add3A_305[%gather3A] in [0] : vector<16xf32>, vector<16xi32> -> vector<16xf32>
        %add3A_310 = arith.addf %add3A_305, %gather3A_309 : vector<16xf32>
        %xor3A_311 = arith.constant 4 : i32
        %xor3A_312 = vector.broadcast %xor3A_311 : i32 to vector<16xi32>
        %xor3A_313 = arith.xori %iota3A, %xor3A_312 : vector<16xi32>
        %broadcast_in_dim3A_314 = vector.shape_cast %xor3A_313 : vector<16xi32> to vector<16x1xi32>
        %gather3A_315 = vector.shape_cast %broadcast_in_dim3A_314 : vector<16x1xi32> to vector<16xi32>
        %gather3A_316 = tpu.dynamic_gather %add3A_310[%gather3A_315] in [0] : vector<16xf32>, vector<16xi32> -> vector<16xf32>
        %add3A_317 = arith.addf %add3A_310, %gather3A_316 : vector<16xf32>
        %xor3A_318 = arith.constant 2 : i32
        %xor3A_319 = vector.broadcast %xor3A_318 : i32 to vector<16xi32>
        %xor3A_320 = arith.xori %iota3A, %xor3A_319 : vector<16xi32>
        %broadcast_in_dim3A_321 = vector.shape_cast %xor3A_320 : vector<16xi32> to vector<16x1xi32>
        %gather3A_322 = vector.shape_cast %broadcast_in_dim3A_321 : vector<16x1xi32> to vector<16xi32>
        %gather3A_323 = tpu.dynamic_gather %add3A_317[%gather3A_322] in [0] : vector<16xf32>, vector<16xi32> -> vector<16xf32>
        %add3A_324 = arith.addf %add3A_317, %gather3A_323 : vector<16xf32>
        %xor3A_325 = arith.constant 1 : i32
        %xor3A_326 = vector.broadcast %xor3A_325 : i32 to vector<16xi32>
        %xor3A_327 = arith.xori %iota3A, %xor3A_326 : vector<16xi32>
        %broadcast_in_dim3A_328 = vector.shape_cast %xor3A_327 : vector<16xi32> to vector<16x1xi32>
        %gather3A_329 = vector.shape_cast %broadcast_in_dim3A_328 : vector<16x1xi32> to vector<16xi32>
        %gather3A_330 = tpu.dynamic_gather %add3A_324[%gather3A_329] in [0] : vector<16xf32>, vector<16xi32> -> vector<16xf32>
        %add3A_331 = arith.addf %add3A_324, %gather3A_330 : vector<16xf32>
        %exp3A = math.exp %add3A_331 : vector<16xf32>
        %get3A_332 = arith.index_cast %scan3A_160 : i32 to index
        %get3A_333 = tpu.vector_load %arg10[%get3A_332] {strides = array<i32>} : memref<64xi32, #tpu.memory_space<vmem>>, vector<1xi32>,
        %get3A_334 = vector.shape_cast %get3A_333 : vector<1xi32> to vector<1xi32>
        %squeeze3A = vector.extract %get3A_334[0] : i32 from vector<1xi32>
        %and3A = arith.constant 7 : i32
        %and3A_335 = arith.andi %squeeze3A, %and3A : i32
        %get3A_336 = arith.index_cast %scan3A_160 : i32 to index
        %get3A_337 = arith.constant 0 : index
        %get3A_338 = tpu.vector_load %arg17[%get3A_336, %get3A_337] {strides = array<i32>} : memref<64x128xf32, #tpu.memory_space<vmem>>, vector<1x16xf32>,
        %get3A_339 = vector.shape_cast %get3A_338 : vector<1x16xf32> to vector<16xf32>
        %mul3A_340 = arith.mulf %exp3A, %get3A_339 : vector<16xf32>
        %swap3A_341 = arith.index_cast %scan3A_160 : i32 to index
        %swap3A_342 = arith.constant 0 : index
        %swap3A_343 = tpu.vector_load %arg17[%swap3A_341, %swap3A_342] {strides = array<i32>} : memref<64x128xf32, #tpu.memory_space<vmem>>, vector<1x16xf32>,
        %swap3A_344 = vector.shape_cast %swap3A_343 : vector<1x16xf32> to vector<16xf32>
        %swap3A_345 = vector.shape_cast %mul3A_340 : vector<16xf32> to vector<1x16xf32>
        tpu.vector_store %arg17[%swap3A_341, %swap3A_342], %swap3A_345 {strides = array<i32>} : memref<64x128xf32, #tpu.memory_space<vmem>>, vector<1x16xf32>,
        %eq3A = arith.constant 0 : i32
        %eq3A_346 = arith.cmpi eq, %and3A_335, %eq3A : i32
        %select_n3A = arith.select %eq3A_346, %exp3A, %broadcast_in_dim3A_1 : vector<16xf32>
        %swap3A_347 = arith.index_cast %scan3A_160 : i32 to index
        %swap3A_348 = arith.constant 0 : index
        %swap3A_349 = tpu.vector_load %arg19[%swap3A_347, %swap3A_348] {strides = array<i32>} : memref<64x128xf32, #tpu.memory_space<vmem>>, vector<1x16xf32>,
        %swap3A_350 = vector.shape_cast %swap3A_349 : vector<1x16xf32> to vector<16xf32>
        %swap3A_351 = vector.shape_cast %select_n3A : vector<16xf32> to vector<1x16xf32>
        tpu.vector_store %arg19[%swap3A_347, %swap3A_348], %swap3A_351 {strides = array<i32>} : memref<64x128xf32, #tpu.memory_space<vmem>>, vector<1x16xf32>,
        %get3A_352 = arith.index_cast %scan3A_160 : i32 to index
        %get3A_353 = arith.constant 16 : index
        %get3A_354 = tpu.vector_load %arg17[%get3A_352, %get3A_353] {strides = array<i32>} : memref<64x128xf32, #tpu.memory_space<vmem>>, vector<1x16xf32>,
        %get3A_355 = vector.shape_cast %get3A_354 : vector<1x16xf32> to vector<16xf32>
        %mul3A_356 = arith.mulf %exp3A, %get3A_355 : vector<16xf32>
        %swap3A_357 = arith.index_cast %scan3A_160 : i32 to index
        %swap3A_358 = arith.constant 16 : index
        %swap3A_359 = tpu.vector_load %arg17[%swap3A_357, %swap3A_358] {strides = array<i32>} : memref<64x128xf32, #tpu.memory_space<vmem>>, vector<1x16xf32>,
        %swap3A_360 = vector.shape_cast %swap3A_359 : vector<1x16xf32> to vector<16xf32>
        %swap3A_361 = vector.shape_cast %mul3A_356 : vector<16xf32> to vector<1x16xf32>
        tpu.vector_store %arg17[%swap3A_357, %swap3A_358], %swap3A_361 {strides = array<i32>} : memref<64x128xf32, #tpu.memory_space<vmem>>, vector<1x16xf32>,
        %eq3A_362 = arith.constant 1 : i32
        %eq3A_363 = arith.cmpi eq, %and3A_335, %eq3A_362 : i32
        %select_n3A_364 = arith.select %eq3A_363, %exp3A, %broadcast_in_dim3A_1 : vector<16xf32>
        %swap3A_365 = arith.index_cast %scan3A_160 : i32 to index
        %swap3A_366 = arith.constant 16 : index
        %swap3A_367 = tpu.vector_load %arg19[%swap3A_365, %swap3A_366] {strides = array<i32>} : memref<64x128xf32, #tpu.memory_space<vmem>>, vector<1x16xf32>,
        %swap3A_368 = vector.shape_cast %swap3A_367 : vector<1x16xf32> to vector<16xf32>
        %swap3A_369 = vector.shape_cast %select_n3A_364 : vector<16xf32> to vector<1x16xf32>
        tpu.vector_store %arg19[%swap3A_365, %swap3A_366], %swap3A_369 {strides = array<i32>} : memref<64x128xf32, #tpu.memory_space<vmem>>, vector<1x16xf32>,
        %get3A_370 = arith.index_cast %scan3A_160 : i32 to index
        %get3A_371 = arith.constant 32 : index
        %get3A_372 = tpu.vector_load %arg17[%get3A_370, %get3A_371] {strides = array<i32>} : memref<64x128xf32, #tpu.memory_space<vmem>>, vector<1x16xf32>,
        %get3A_373 = vector.shape_cast %get3A_372 : vector<1x16xf32> to vector<16xf32>
        %mul3A_374 = arith.mulf %exp3A, %get3A_373 : vector<16xf32>
        %swap3A_375 = arith.index_cast %scan3A_160 : i32 to index
        %swap3A_376 = arith.constant 32 : index
        %swap3A_377 = tpu.vector_load %arg17[%swap3A_375, %swap3A_376] {strides = array<i32>} : memref<64x128xf32, #tpu.memory_space<vmem>>, vector<1x16xf32>,
        %swap3A_378 = vector.shape_cast %swap3A_377 : vector<1x16xf32> to vector<16xf32>
        %swap3A_379 = vector.shape_cast %mul3A_374 : vector<16xf32> to vector<1x16xf32>
        tpu.vector_store %arg17[%swap3A_375, %swap3A_376], %swap3A_379 {strides = array<i32>} : memref<64x128xf32, #tpu.memory_space<vmem>>, vector<1x16xf32>,
        %eq3A_380 = arith.constant 2 : i32
        %eq3A_381 = arith.cmpi eq, %and3A_335, %eq3A_380 : i32
        %select_n3A_382 = arith.select %eq3A_381, %exp3A, %broadcast_in_dim3A_1 : vector<16xf32>
        %swap3A_383 = arith.index_cast %scan3A_160 : i32 to index
        %swap3A_384 = arith.constant 32 : index
        %swap3A_385 = tpu.vector_load %arg19[%swap3A_383, %swap3A_384] {strides = array<i32>} : memref<64x128xf32, #tpu.memory_space<vmem>>, vector<1x16xf32>,
        %swap3A_386 = vector.shape_cast %swap3A_385 : vector<1x16xf32> to vector<16xf32>
        %swap3A_387 = vector.shape_cast %select_n3A_382 : vector<16xf32> to vector<1x16xf32>
        tpu.vector_store %arg19[%swap3A_383, %swap3A_384], %swap3A_387 {strides = array<i32>} : memref<64x128xf32, #tpu.memory_space<vmem>>, vector<1x16xf32>,
        %get3A_388 = arith.index_cast %scan3A_160 : i32 to index
        %get3A_389 = arith.constant 48 : index
        %get3A_390 = tpu.vector_load %arg17[%get3A_388, %get3A_389] {strides = array<i32>} : memref<64x128xf32, #tpu.memory_space<vmem>>, vector<1x16xf32>,
        %get3A_391 = vector.shape_cast %get3A_390 : vector<1x16xf32> to vector<16xf32>
        %mul3A_392 = arith.mulf %exp3A, %get3A_391 : vector<16xf32>
        %swap3A_393 = arith.index_cast %scan3A_160 : i32 to index
        %swap3A_394 = arith.constant 48 : index
        %swap3A_395 = tpu.vector_load %arg17[%swap3A_393, %swap3A_394] {strides = array<i32>} : memref<64x128xf32, #tpu.memory_space<vmem>>, vector<1x16xf32>,
        %swap3A_396 = vector.shape_cast %swap3A_395 : vector<1x16xf32> to vector<16xf32>
        %swap3A_397 = vector.shape_cast %mul3A_392 : vector<16xf32> to vector<1x16xf32>
        tpu.vector_store %arg17[%swap3A_393, %swap3A_394], %swap3A_397 {strides = array<i32>} : memref<64x128xf32, #tpu.memory_space<vmem>>, vector<1x16xf32>,
        %eq3A_398 = arith.constant 3 : i32
        %eq3A_399 = arith.cmpi eq, %and3A_335, %eq3A_398 : i32
        %select_n3A_400 = arith.select %eq3A_399, %exp3A, %broadcast_in_dim3A_1 : vector<16xf32>
        %swap3A_401 = arith.index_cast %scan3A_160 : i32 to index
        %swap3A_402 = arith.constant 48 : index
        %swap3A_403 = tpu.vector_load %arg19[%swap3A_401, %swap3A_402] {strides = array<i32>} : memref<64x128xf32, #tpu.memory_space<vmem>>, vector<1x16xf32>,
        %swap3A_404 = vector.shape_cast %swap3A_403 : vector<1x16xf32> to vector<16xf32>
        %swap3A_405 = vector.shape_cast %select_n3A_400 : vector<16xf32> to vector<1x16xf32>
        tpu.vector_store %arg19[%swap3A_401, %swap3A_402], %swap3A_405 {strides = array<i32>} : memref<64x128xf32, #tpu.memory_space<vmem>>, vector<1x16xf32>,
        %get3A_406 = arith.index_cast %scan3A_160 : i32 to index
        %get3A_407 = arith.constant 64 : index
        %get3A_408 = tpu.vector_load %arg17[%get3A_406, %get3A_407] {strides = array<i32>} : memref<64x128xf32, #tpu.memory_space<vmem>>, vector<1x16xf32>,
        %get3A_409 = vector.shape_cast %get3A_408 : vector<1x16xf32> to vector<16xf32>
        %mul3A_410 = arith.mulf %exp3A, %get3A_409 : vector<16xf32>
        %swap3A_411 = arith.index_cast %scan3A_160 : i32 to index
        %swap3A_412 = arith.constant 64 : index
        %swap3A_413 = tpu.vector_load %arg17[%swap3A_411, %swap3A_412] {strides = array<i32>} : memref<64x128xf32, #tpu.memory_space<vmem>>, vector<1x16xf32>,
        %swap3A_414 = vector.shape_cast %swap3A_413 : vector<1x16xf32> to vector<16xf32>
        %swap3A_415 = vector.shape_cast %mul3A_410 : vector<16xf32> to vector<1x16xf32>
        tpu.vector_store %arg17[%swap3A_411, %swap3A_412], %swap3A_415 {strides = array<i32>} : memref<64x128xf32, #tpu.memory_space<vmem>>, vector<1x16xf32>,
        %eq3A_416 = arith.constant 4 : i32
        %eq3A_417 = arith.cmpi eq, %and3A_335, %eq3A_416 : i32
        %select_n3A_418 = arith.select %eq3A_417, %exp3A, %broadcast_in_dim3A_1 : vector<16xf32>
        %swap3A_419 = arith.index_cast %scan3A_160 : i32 to index
        %swap3A_420 = arith.constant 64 : index
        %swap3A_421 = tpu.vector_load %arg19[%swap3A_419, %swap3A_420] {strides = array<i32>} : memref<64x128xf32, #tpu.memory_space<vmem>>, vector<1x16xf32>,
        %swap3A_422 = vector.shape_cast %swap3A_421 : vector<1x16xf32> to vector<16xf32>
        %swap3A_423 = vector.shape_cast %select_n3A_418 : vector<16xf32> to vector<1x16xf32>
        tpu.vector_store %arg19[%swap3A_419, %swap3A_420], %swap3A_423 {strides = array<i32>} : memref<64x128xf32, #tpu.memory_space<vmem>>, vector<1x16xf32>,
        %get3A_424 = arith.index_cast %scan3A_160 : i32 to index
        %get3A_425 = arith.constant 80 : index
        %get3A_426 = tpu.vector_load %arg17[%get3A_424, %get3A_425] {strides = array<i32>} : memref<64x128xf32, #tpu.memory_space<vmem>>, vector<1x16xf32>,
        %get3A_427 = vector.shape_cast %get3A_426 : vector<1x16xf32> to vector<16xf32>
        %mul3A_428 = arith.mulf %exp3A, %get3A_427 : vector<16xf32>
        %swap3A_429 = arith.index_cast %scan3A_160 : i32 to index
        %swap3A_430 = arith.constant 80 : index
        %swap3A_431 = tpu.vector_load %arg17[%swap3A_429, %swap3A_430] {strides = array<i32>} : memref<64x128xf32, #tpu.memory_space<vmem>>, vector<1x16xf32>,
        %swap3A_432 = vector.shape_cast %swap3A_431 : vector<1x16xf32> to vector<16xf32>
        %swap3A_433 = vector.shape_cast %mul3A_428 : vector<16xf32> to vector<1x16xf32>
        tpu.vector_store %arg17[%swap3A_429, %swap3A_430], %swap3A_433 {strides = array<i32>} : memref<64x128xf32, #tpu.memory_space<vmem>>, vector<1x16xf32>,
        %eq3A_434 = arith.constant 5 : i32
        %eq3A_435 = arith.cmpi eq, %and3A_335, %eq3A_434 : i32
        %select_n3A_436 = arith.select %eq3A_435, %exp3A, %broadcast_in_dim3A_1 : vector<16xf32>
        %swap3A_437 = arith.index_cast %scan3A_160 : i32 to index
        %swap3A_438 = arith.constant 80 : index
        %swap3A_439 = tpu.vector_load %arg19[%swap3A_437, %swap3A_438] {strides = array<i32>} : memref<64x128xf32, #tpu.memory_space<vmem>>, vector<1x16xf32>,
        %swap3A_440 = vector.shape_cast %swap3A_439 : vector<1x16xf32> to vector<16xf32>
        %swap3A_441 = vector.shape_cast %select_n3A_436 : vector<16xf32> to vector<1x16xf32>
        tpu.vector_store %arg19[%swap3A_437, %swap3A_438], %swap3A_441 {strides = array<i32>} : memref<64x128xf32, #tpu.memory_space<vmem>>, vector<1x16xf32>,
        %get3A_442 = arith.index_cast %scan3A_160 : i32 to index
        %get3A_443 = arith.constant 96 : index
        %get3A_444 = tpu.vector_load %arg17[%get3A_442, %get3A_443] {strides = array<i32>} : memref<64x128xf32, #tpu.memory_space<vmem>>, vector<1x16xf32>,
        %get3A_445 = vector.shape_cast %get3A_444 : vector<1x16xf32> to vector<16xf32>
        %mul3A_446 = arith.mulf %exp3A, %get3A_445 : vector<16xf32>
        %swap3A_447 = arith.index_cast %scan3A_160 : i32 to index
        %swap3A_448 = arith.constant 96 : index
        %swap3A_449 = tpu.vector_load %arg17[%swap3A_447, %swap3A_448] {strides = array<i32>} : memref<64x128xf32, #tpu.memory_space<vmem>>, vector<1x16xf32>,
        %swap3A_450 = vector.shape_cast %swap3A_449 : vector<1x16xf32> to vector<16xf32>
        %swap3A_451 = vector.shape_cast %mul3A_446 : vector<16xf32> to vector<1x16xf32>
        tpu.vector_store %arg17[%swap3A_447, %swap3A_448], %swap3A_451 {strides = array<i32>} : memref<64x128xf32, #tpu.memory_space<vmem>>, vector<1x16xf32>,
        %eq3A_452 = arith.constant 6 : i32
        %eq3A_453 = arith.cmpi eq, %and3A_335, %eq3A_452 : i32
        %select_n3A_454 = arith.select %eq3A_453, %exp3A, %broadcast_in_dim3A_1 : vector<16xf32>
        %swap3A_455 = arith.index_cast %scan3A_160 : i32 to index
        %swap3A_456 = arith.constant 96 : index
        %swap3A_457 = tpu.vector_load %arg19[%swap3A_455, %swap3A_456] {strides = array<i32>} : memref<64x128xf32, #tpu.memory_space<vmem>>, vector<1x16xf32>,
        %swap3A_458 = vector.shape_cast %swap3A_457 : vector<1x16xf32> to vector<16xf32>
        %swap3A_459 = vector.shape_cast %select_n3A_454 : vector<16xf32> to vector<1x16xf32>
        tpu.vector_store %arg19[%swap3A_455, %swap3A_456], %swap3A_459 {strides = array<i32>} : memref<64x128xf32, #tpu.memory_space<vmem>>, vector<1x16xf32>,
        %get3A_460 = arith.index_cast %scan3A_160 : i32 to index
        %get3A_461 = arith.constant 112 : index
        %get3A_462 = tpu.vector_load %arg17[%get3A_460, %get3A_461] {strides = array<i32>} : memref<64x128xf32, #tpu.memory_space<vmem>>, vector<1x16xf32>,
        %get3A_463 = vector.shape_cast %get3A_462 : vector<1x16xf32> to vector<16xf32>
        %mul3A_464 = arith.mulf %exp3A, %get3A_463 : vector<16xf32>
        %swap3A_465 = arith.index_cast %scan3A_160 : i32 to index
        %swap3A_466 = arith.constant 112 : index
        %swap3A_467 = tpu.vector_load %arg17[%swap3A_465, %swap3A_466] {strides = array<i32>} : memref<64x128xf32, #tpu.memory_space<vmem>>, vector<1x16xf32>,
        %swap3A_468 = vector.shape_cast %swap3A_467 : vector<1x16xf32> to vector<16xf32>
        %swap3A_469 = vector.shape_cast %mul3A_464 : vector<16xf32> to vector<1x16xf32>
        tpu.vector_store %arg17[%swap3A_465, %swap3A_466], %swap3A_469 {strides = array<i32>} : memref<64x128xf32, #tpu.memory_space<vmem>>, vector<1x16xf32>,
        %eq3A_470 = arith.constant 7 : i32
        %eq3A_471 = arith.cmpi eq, %and3A_335, %eq3A_470 : i32
        %select_n3A_472 = arith.select %eq3A_471, %exp3A, %broadcast_in_dim3A_1 : vector<16xf32>
        %swap3A_473 = arith.index_cast %scan3A_160 : i32 to index
        %swap3A_474 = arith.constant 112 : index
        %swap3A_475 = tpu.vector_load %arg19[%swap3A_473, %swap3A_474] {strides = array<i32>} : memref<64x128xf32, #tpu.memory_space<vmem>>, vector<1x16xf32>,
        %swap3A_476 = vector.shape_cast %swap3A_475 : vector<1x16xf32> to vector<16xf32>
        %swap3A_477 = vector.shape_cast %select_n3A_472 : vector<16xf32> to vector<1x16xf32>
        tpu.vector_store %arg19[%swap3A_473, %swap3A_474], %swap3A_477 {strides = array<i32>} : memref<64x128xf32, #tpu.memory_space<vmem>>, vector<1x16xf32>,
      }
      %scan3A_126 = arith.constant 64 : i32
      %run_scoped3A_127 = arith.constant 0 : i32
      "tpu.region"() ({
        %run_scoped3A_160 = tpu.sem_alloc : memref<!tpu.dma_semaphore, #tpu.memory_space<semaphore_mem>>
        %dma_start3A_161 = arith.constant 0 : i32
        %dma_start3A_162 = tpu.memref_slice %arg12[%run_scoped3A_127, %dma_start3A_161] : memref<1x64xi32, #tpu.memory_space<vmem>> -> memref<1x64xi32, #tpu.memory_space<vmem>>
        %dma_start3A_163 = tpu.memref_squeeze %dma_start3A_162 : memref<1x64xi32, #tpu.memory_space<vmem>> -> memref<64xi32, #tpu.memory_space<vmem>>
        %dma_start3A_164 = arith.constant 0 : i32
        %dma_start3A_165 = arith.constant 0 : i32
        %dma_start3A_166 = tpu.memref_slice %arg22[%dma_start3A_164, %dma_start3A_165] : memref<11392x128xf32, #tpu.memory_space<vmem_shared>> -> memref<11392x128xf32, #tpu.memory_space<vmem_shared>>
        tpu.enqueue_indirect_dma source(%arg17 : memref<64x128xf32, #tpu.memory_space<vmem>>) target(%dma_start3A_166 : memref<11392x128xf32, #tpu.memory_space<vmem_shared>>) offsets(%dma_start3A_163 : memref<64xi32, #tpu.memory_space<vmem>>) semaphore(%run_scoped3A_160 : memref<!tpu.dma_semaphore, #tpu.memory_space<semaphore_mem>>) {add = true}
        %dma_wait3A_167 = arith.constant 0 : i32
        %dma_wait3A_168 = tpu.memref_slice %arg12[%run_scoped3A_127, %dma_wait3A_167] : memref<1x64xi32, #tpu.memory_space<vmem>> -> memref<1x64xi32, #tpu.memory_space<vmem>>
        %dma_wait3A_169 = tpu.memref_squeeze %dma_wait3A_168 : memref<1x64xi32, #tpu.memory_space<vmem>> -> memref<64xi32, #tpu.memory_space<vmem>>
        %dma_wait3A_170 = arith.constant 0 : i32
        %dma_wait3A_171 = arith.constant 0 : i32
        %dma_wait3A_172 = tpu.memref_slice %arg22[%dma_wait3A_170, %dma_wait3A_171] : memref<11392x128xf32, #tpu.memory_space<vmem_shared>> -> memref<11392x128xf32, #tpu.memory_space<vmem_shared>>
        tpu.wait_indirect_dma semaphore(%run_scoped3A_160 : memref<!tpu.dma_semaphore, #tpu.memory_space<semaphore_mem>>) src(%arg17 : memref<64x128xf32, #tpu.memory_space<vmem>>) dst(%dma_wait3A_172 : memref<11392x128xf32, #tpu.memory_space<vmem_shared>>)
        tpu.yield
      }) : () -> ()
      %run_scoped3A_128 = arith.constant 0 : i32
      "tpu.region"() ({
        %run_scoped3A_160 = tpu.sem_alloc : memref<!tpu.dma_semaphore, #tpu.memory_space<semaphore_mem>>
        %dma_start3A_161 = arith.constant 0 : i32
        %dma_start3A_162 = tpu.memref_slice %arg14[%run_scoped3A_128, %dma_start3A_161] : memref<1x64xi32, #tpu.memory_space<vmem>> -> memref<1x64xi32, #tpu.memory_space<vmem>>
        %dma_start3A_163 = tpu.memref_squeeze %dma_start3A_162 : memref<1x64xi32, #tpu.memory_space<vmem>> -> memref<64xi32, #tpu.memory_space<vmem>>
        %dma_start3A_164 = arith.constant 0 : i32
        %dma_start3A_165 = arith.constant 0 : i32
        %dma_start3A_166 = tpu.memref_slice %arg22[%dma_start3A_164, %dma_start3A_165] : memref<11392x128xf32, #tpu.memory_space<vmem_shared>> -> memref<11392x128xf32, #tpu.memory_space<vmem_shared>>
        tpu.enqueue_indirect_dma source(%arg19 : memref<64x128xf32, #tpu.memory_space<vmem>>) target(%dma_start3A_166 : memref<11392x128xf32, #tpu.memory_space<vmem_shared>>) offsets(%dma_start3A_163 : memref<64xi32, #tpu.memory_space<vmem>>) semaphore(%run_scoped3A_160 : memref<!tpu.dma_semaphore, #tpu.memory_space<semaphore_mem>>) {add = true}
        %dma_wait3A_167 = arith.constant 0 : i32
        %dma_wait3A_168 = tpu.memref_slice %arg14[%run_scoped3A_128, %dma_wait3A_167] : memref<1x64xi32, #tpu.memory_space<vmem>> -> memref<1x64xi32, #tpu.memory_space<vmem>>
        %dma_wait3A_169 = tpu.memref_squeeze %dma_wait3A_168 : memref<1x64xi32, #tpu.memory_space<vmem>> -> memref<64xi32, #tpu.memory_space<vmem>>
        %dma_wait3A_170 = arith.constant 0 : i32
        %dma_wait3A_171 = arith.constant 0 : i32
        %dma_wait3A_172 = tpu.memref_slice %arg22[%dma_wait3A_170, %dma_wait3A_171] : memref<11392x128xf32, #tpu.memory_space<vmem_shared>> -> memref<11392x128xf32, #tpu.memory_space<vmem_shared>>
        tpu.wait_indirect_dma semaphore(%run_scoped3A_160 : memref<!tpu.dma_semaphore, #tpu.memory_space<semaphore_mem>>) src(%arg19 : memref<64x128xf32, #tpu.memory_space<vmem>>) dst(%dma_wait3A_172 : memref<11392x128xf32, #tpu.memory_space<vmem_shared>>)
        tpu.yield
      }) : () -> ()
      %mul3A_129 = arith.constant 2 : i32
      %mul3A_130 = arith.muli %scan3A_101, %mul3A_129 : i32
      %add3A_131 = arith.constant 1 : i32
      %add3A_132 = arith.addi %mul3A_130, %add3A_131 : i32
      %add3A_133 = arith.constant 1 : i32
      %add3A_134 = arith.addi %add3A_132, %add3A_133 : i32
      %lt3A_135 = arith.constant 162 : i32
      %lt3A_136 = arith.cmpi slt, %add3A_134, %lt3A_135 : i32
      %convert_element_type3A_137 = arith.extui %lt3A_136 : i1 to i32
      %cond3A_138 = arith.constant 0 : i32
      %cond3A_139 = arith.cmpi ne, %convert_element_type3A_137, %cond3A_138 : i32
      scf.if %cond3A_139 {
        %add3A_160 = arith.constant 1 : i32
        %add3A_161 = arith.addi %add3A_132, %add3A_160 : i32
        %mul3A_162 = arith.constant 64 : i32
        %mul3A_163 = arith.muli %add3A_161, %mul3A_162 : i32
        %add3A_164 = arith.addi %mul3A_3, %mul3A_163 : i32
        "tpu.region"() ({
          %run_scoped3A_241 = tpu.sem_alloc : memref<!tpu.dma_semaphore, #tpu.memory_space<semaphore_mem>>
          %dma_start3A_242 = tpu.memref_slice %arg4[%add3A_164] : memref<331776xi32, #tpu.memory_space<hbm>> -> memref<64xi32, #tpu.memory_space<hbm>>
          %dma_start3A_243 = tpu.memref_slice %arg4[%add3A_164] : memref<331776xi32, #tpu.memory_space<hbm>> -> memref<64xi32, #tpu.memory_space<hbm>>
          tpu.enqueue_dma source(%dma_start3A_243 : memref<64xi32, #tpu.memory_space<hbm>>) target(%arg8 : memref<64xi32, #tpu.memory_space<vmem>>) target_semaphore(%run_scoped3A_241 : memref<!tpu.dma_semaphore, #tpu.memory_space<semaphore_mem>>)
          %dma_wait3A_244 = tpu.memref_slice %arg4[%add3A_164] : memref<331776xi32, #tpu.memory_space<hbm>> -> memref<64xi32, #tpu.memory_space<hbm>>
          %dma_wait3A_245 = tpu.memref_slice %arg4[%add3A_164] : memref<331776xi32, #tpu.memory_space<hbm>> -> memref<64xi32, #tpu.memory_space<hbm>>
          tpu.wait_dma2 semaphore(%run_scoped3A_241 : memref<!tpu.dma_semaphore, #tpu.memory_space<semaphore_mem>>) src(%dma_wait3A_245 : memref<64xi32, #tpu.memory_space<hbm>>) dst(%arg8 : memref<64xi32, #tpu.memory_space<vmem>>)
          tpu.yield
        }) : () -> ()
        "tpu.region"() ({
          %run_scoped3A_241 = tpu.sem_alloc : memref<!tpu.dma_semaphore, #tpu.memory_space<semaphore_mem>>
          %dma_start3A_242 = tpu.memref_slice %arg5[%add3A_164] : memref<331776xi32, #tpu.memory_space<hbm>> -> memref<64xi32, #tpu.memory_space<hbm>>
          %dma_start3A_243 = tpu.memref_slice %arg5[%add3A_164] : memref<331776xi32, #tpu.memory_space<hbm>> -> memref<64xi32, #tpu.memory_space<hbm>>
          tpu.enqueue_dma source(%dma_start3A_243 : memref<64xi32, #tpu.memory_space<hbm>>) target(%arg10 : memref<64xi32, #tpu.memory_space<vmem>>) target_semaphore(%run_scoped3A_241 : memref<!tpu.dma_semaphore, #tpu.memory_space<semaphore_mem>>)
          %dma_wait3A_244 = tpu.memref_slice %arg5[%add3A_164] : memref<331776xi32, #tpu.memory_space<hbm>> -> memref<64xi32, #tpu.memory_space<hbm>>
          %dma_wait3A_245 = tpu.memref_slice %arg5[%add3A_164] : memref<331776xi32, #tpu.memory_space<hbm>> -> memref<64xi32, #tpu.memory_space<hbm>>
          tpu.wait_dma2 semaphore(%run_scoped3A_241 : memref<!tpu.dma_semaphore, #tpu.memory_space<semaphore_mem>>) src(%dma_wait3A_245 : memref<64xi32, #tpu.memory_space<hbm>>) dst(%arg10 : memref<64xi32, #tpu.memory_space<vmem>>)
          tpu.yield
        }) : () -> ()
        %run_scoped3A_165 = arith.constant 0 : i32
        "tpu.region"() ({
          %run_scoped3A_241 = tpu.sem_alloc : memref<!tpu.dma_semaphore, #tpu.memory_space<semaphore_mem>>
          %dma_start3A_242 = arith.constant 0 : i32
          %dma_start3A_243 = tpu.memref_slice %arg12[%run_scoped3A_165, %dma_start3A_242] : memref<1x64xi32, #tpu.memory_space<vmem>> -> memref<1x64xi32, #tpu.memory_space<vmem>>
          %dma_start3A_244 = tpu.memref_squeeze %dma_start3A_243 : memref<1x64xi32, #tpu.memory_space<vmem>> -> memref<64xi32, #tpu.memory_space<vmem>>
          %dma_start3A_245 = tpu.memref_slice %arg5[%add3A_164] : memref<331776xi32, #tpu.memory_space<hbm>> -> memref<64xi32, #tpu.memory_space<hbm>>
          %dma_start3A_246 = arith.constant 0 : i32
          %dma_start3A_247 = tpu.memref_slice %arg12[%run_scoped3A_165, %dma_start3A_246] : memref<1x64xi32, #tpu.memory_space<vmem>> -> memref<1x64xi32, #tpu.memory_space<vmem>>
          %dma_start3A_248 = tpu.memref_squeeze %dma_start3A_247 : memref<1x64xi32, #tpu.memory_space<vmem>> -> memref<64xi32, #tpu.memory_space<vmem>>
          %dma_start3A_249 = tpu.memref_slice %arg5[%add3A_164] : memref<331776xi32, #tpu.memory_space<hbm>> -> memref<64xi32, #tpu.memory_space<hbm>>
          tpu.enqueue_dma source(%dma_start3A_249 : memref<64xi32, #tpu.memory_space<hbm>>) target(%dma_start3A_248 : memref<64xi32, #tpu.memory_space<vmem>>) target_semaphore(%run_scoped3A_241 : memref<!tpu.dma_semaphore, #tpu.memory_space<semaphore_mem>>)
          %dma_wait3A_250 = arith.constant 0 : i32
          %dma_wait3A_251 = tpu.memref_slice %arg12[%run_scoped3A_165, %dma_wait3A_250] : memref<1x64xi32, #tpu.memory_space<vmem>> -> memref<1x64xi32, #tpu.memory_space<vmem>>
          %dma_wait3A_252 = tpu.memref_squeeze %dma_wait3A_251 : memref<1x64xi32, #tpu.memory_space<vmem>> -> memref<64xi32, #tpu.memory_space<vmem>>
          %dma_wait3A_253 = tpu.memref_slice %arg5[%add3A_164] : memref<331776xi32, #tpu.memory_space<hbm>> -> memref<64xi32, #tpu.memory_space<hbm>>
          %dma_wait3A_254 = arith.constant 0 : i32
          %dma_wait3A_255 = tpu.memref_slice %arg12[%run_scoped3A_165, %dma_wait3A_254] : memref<1x64xi32, #tpu.memory_space<vmem>> -> memref<1x64xi32, #tpu.memory_space<vmem>>
          %dma_wait3A_256 = tpu.memref_squeeze %dma_wait3A_255 : memref<1x64xi32, #tpu.memory_space<vmem>> -> memref<64xi32, #tpu.memory_space<vmem>>
          %dma_wait3A_257 = tpu.memref_slice %arg5[%add3A_164] : memref<331776xi32, #tpu.memory_space<hbm>> -> memref<64xi32, #tpu.memory_space<hbm>>
          tpu.wait_dma2 semaphore(%run_scoped3A_241 : memref<!tpu.dma_semaphore, #tpu.memory_space<semaphore_mem>>) src(%dma_wait3A_257 : memref<64xi32, #tpu.memory_space<hbm>>) dst(%dma_wait3A_256 : memref<64xi32, #tpu.memory_space<vmem>>)
          tpu.yield
        }) : () -> ()
        %run_scoped3A_166 = arith.constant 0 : i32
        "tpu.region"() ({
          %run_scoped3A_241 = tpu.sem_alloc : memref<!tpu.dma_semaphore, #tpu.memory_space<semaphore_mem>>
          %dma_start3A_242 = arith.constant 0 : i32
          %dma_start3A_243 = tpu.memref_slice %arg14[%run_scoped3A_166, %dma_start3A_242] : memref<1x64xi32, #tpu.memory_space<vmem>> -> memref<1x64xi32, #tpu.memory_space<vmem>>
          %dma_start3A_244 = tpu.memref_squeeze %dma_start3A_243 : memref<1x64xi32, #tpu.memory_space<vmem>> -> memref<64xi32, #tpu.memory_space<vmem>>
          %dma_start3A_245 = tpu.memref_slice %arg5[%add3A_164] : memref<331776xi32, #tpu.memory_space<hbm>> -> memref<64xi32, #tpu.memory_space<hbm>>
          %dma_start3A_246 = arith.constant 0 : i32
          %dma_start3A_247 = tpu.memref_slice %arg14[%run_scoped3A_166, %dma_start3A_246] : memref<1x64xi32, #tpu.memory_space<vmem>> -> memref<1x64xi32, #tpu.memory_space<vmem>>
          %dma_start3A_248 = tpu.memref_squeeze %dma_start3A_247 : memref<1x64xi32, #tpu.memory_space<vmem>> -> memref<64xi32, #tpu.memory_space<vmem>>
          %dma_start3A_249 = tpu.memref_slice %arg5[%add3A_164] : memref<331776xi32, #tpu.memory_space<hbm>> -> memref<64xi32, #tpu.memory_space<hbm>>
          tpu.enqueue_dma source(%dma_start3A_249 : memref<64xi32, #tpu.memory_space<hbm>>) target(%dma_start3A_248 : memref<64xi32, #tpu.memory_space<vmem>>) target_semaphore(%run_scoped3A_241 : memref<!tpu.dma_semaphore, #tpu.memory_space<semaphore_mem>>)
          %dma_wait3A_250 = arith.constant 0 : i32
          %dma_wait3A_251 = tpu.memref_slice %arg14[%run_scoped3A_166, %dma_wait3A_250] : memref<1x64xi32, #tpu.memory_space<vmem>> -> memref<1x64xi32, #tpu.memory_space<vmem>>
          %dma_wait3A_252 = tpu.memref_squeeze %dma_wait3A_251 : memref<1x64xi32, #tpu.memory_space<vmem>> -> memref<64xi32, #tpu.memory_space<vmem>>
          %dma_wait3A_253 = tpu.memref_slice %arg5[%add3A_164] : memref<331776xi32, #tpu.memory_space<hbm>> -> memref<64xi32, #tpu.memory_space<hbm>>
          %dma_wait3A_254 = arith.constant 0 : i32
          %dma_wait3A_255 = tpu.memref_slice %arg14[%run_scoped3A_166, %dma_wait3A_254] : memref<1x64xi32, #tpu.memory_space<vmem>> -> memref<1x64xi32, #tpu.memory_space<vmem>>
          %dma_wait3A_256 = tpu.memref_squeeze %dma_wait3A_255 : memref<1x64xi32, #tpu.memory_space<vmem>> -> memref<64xi32, #tpu.memory_space<vmem>>
          %dma_wait3A_257 = tpu.memref_slice %arg5[%add3A_164] : memref<331776xi32, #tpu.memory_space<hbm>> -> memref<64xi32, #tpu.memory_space<hbm>>
          tpu.wait_dma2 semaphore(%run_scoped3A_241 : memref<!tpu.dma_semaphore, #tpu.memory_space<semaphore_mem>>) src(%dma_wait3A_257 : memref<64xi32, #tpu.memory_space<hbm>>) dst(%dma_wait3A_256 : memref<64xi32, #tpu.memory_space<vmem>>)
          tpu.yield
        }) : () -> ()
        %get3A_167 = arith.constant 0 : i32
        %get3A_168 = arith.index_cast %get3A_167 : i32 to index
        %get3A_169 = arith.constant 0 : index
        %get3A_170 = tpu.vector_load %arg14[%get3A_168, %get3A_169] {strides = array<i32>} : memref<1x64xi32, #tpu.memory_space<vmem>>, vector<1x16xi32>,
        %get3A_171 = vector.shape_cast %get3A_170 : vector<1x16xi32> to vector<16xi32>
        %shift_right_logical3A_172 = arith.constant 3 : i32
        %shift_right_logical3A_173 = vector.broadcast %shift_right_logical3A_172 : i32 to vector<16xi32>
        %shift_right_logical3A_174 = arith.shrui %get3A_171, %shift_right_logical3A_173 : vector<16xi32>
        %add3A_175 = arith.constant 10112 : i32
        %add3A_176 = vector.broadcast %add3A_175 : i32 to vector<16xi32>
        %add3A_177 = arith.addi %shift_right_logical3A_174, %add3A_176 : vector<16xi32>
        %swap3A_178 = arith.constant 0 : i32
        %swap3A_179 = arith.index_cast %swap3A_178 : i32 to index
        %swap3A_180 = arith.constant 0 : index
        %swap3A_181 = tpu.vector_load %arg14[%swap3A_179, %swap3A_180] {strides = array<i32>} : memref<1x64xi32, #tpu.memory_space<vmem>>, vector<1x16xi32>,
        %swap3A_182 = vector.shape_cast %swap3A_181 : vector<1x16xi32> to vector<16xi32>
        %swap3A_183 = vector.shape_cast %add3A_177 : vector<16xi32> to vector<1x16xi32>
        tpu.vector_store %arg14[%swap3A_179, %swap3A_180], %swap3A_183 {strides = array<i32>} : memref<1x64xi32, #tpu.memory_space<vmem>>, vector<1x16xi32>,
        %get3A_184 = arith.constant 0 : i32
        %get3A_185 = arith.index_cast %get3A_184 : i32 to index
        %get3A_186 = arith.constant 16 : index
        %get3A_187 = tpu.vector_load %arg14[%get3A_185, %get3A_186] {strides = array<i32>} : memref<1x64xi32, #tpu.memory_space<vmem>>, vector<1x16xi32>,
        %get3A_188 = vector.shape_cast %get3A_187 : vector<1x16xi32> to vector<16xi32>
        %shift_right_logical3A_189 = arith.constant 3 : i32
        %shift_right_logical3A_190 = vector.broadcast %shift_right_logical3A_189 : i32 to vector<16xi32>
        %shift_right_logical3A_191 = arith.shrui %get3A_188, %shift_right_logical3A_190 : vector<16xi32>
        %add3A_192 = arith.constant 10112 : i32
        %add3A_193 = vector.broadcast %add3A_192 : i32 to vector<16xi32>
        %add3A_194 = arith.addi %shift_right_logical3A_191, %add3A_193 : vector<16xi32>
        %swap3A_195 = arith.constant 0 : i32
        %swap3A_196 = arith.index_cast %swap3A_195 : i32 to index
        %swap3A_197 = arith.constant 16 : index
        %swap3A_198 = tpu.vector_load %arg14[%swap3A_196, %swap3A_197] {strides = array<i32>} : memref<1x64xi32, #tpu.memory_space<vmem>>, vector<1x16xi32>,
        %swap3A_199 = vector.shape_cast %swap3A_198 : vector<1x16xi32> to vector<16xi32>
        %swap3A_200 = vector.shape_cast %add3A_194 : vector<16xi32> to vector<1x16xi32>
        tpu.vector_store %arg14[%swap3A_196, %swap3A_197], %swap3A_200 {strides = array<i32>} : memref<1x64xi32, #tpu.memory_space<vmem>>, vector<1x16xi32>,
        %get3A_201 = arith.constant 0 : i32
        %get3A_202 = arith.index_cast %get3A_201 : i32 to index
        %get3A_203 = arith.constant 32 : index
        %get3A_204 = tpu.vector_load %arg14[%get3A_202, %get3A_203] {strides = array<i32>} : memref<1x64xi32, #tpu.memory_space<vmem>>, vector<1x16xi32>,
        %get3A_205 = vector.shape_cast %get3A_204 : vector<1x16xi32> to vector<16xi32>
        %shift_right_logical3A_206 = arith.constant 3 : i32
        %shift_right_logical3A_207 = vector.broadcast %shift_right_logical3A_206 : i32 to vector<16xi32>
        %shift_right_logical3A_208 = arith.shrui %get3A_205, %shift_right_logical3A_207 : vector<16xi32>
        %add3A_209 = arith.constant 10112 : i32
        %add3A_210 = vector.broadcast %add3A_209 : i32 to vector<16xi32>
        %add3A_211 = arith.addi %shift_right_logical3A_208, %add3A_210 : vector<16xi32>
        %swap3A_212 = arith.constant 0 : i32
        %swap3A_213 = arith.index_cast %swap3A_212 : i32 to index
        %swap3A_214 = arith.constant 32 : index
        %swap3A_215 = tpu.vector_load %arg14[%swap3A_213, %swap3A_214] {strides = array<i32>} : memref<1x64xi32, #tpu.memory_space<vmem>>, vector<1x16xi32>,
        %swap3A_216 = vector.shape_cast %swap3A_215 : vector<1x16xi32> to vector<16xi32>
        %swap3A_217 = vector.shape_cast %add3A_211 : vector<16xi32> to vector<1x16xi32>
        tpu.vector_store %arg14[%swap3A_213, %swap3A_214], %swap3A_217 {strides = array<i32>} : memref<1x64xi32, #tpu.memory_space<vmem>>, vector<1x16xi32>,
        %get3A_218 = arith.constant 0 : i32
        %get3A_219 = arith.index_cast %get3A_218 : i32 to index
        %get3A_220 = arith.constant 48 : index
        %get3A_221 = tpu.vector_load %arg14[%get3A_219, %get3A_220] {strides = array<i32>} : memref<1x64xi32, #tpu.memory_space<vmem>>, vector<1x16xi32>,
        %get3A_222 = vector.shape_cast %get3A_221 : vector<1x16xi32> to vector<16xi32>
        %shift_right_logical3A_223 = arith.constant 3 : i32
        %shift_right_logical3A_224 = vector.broadcast %shift_right_logical3A_223 : i32 to vector<16xi32>
        %shift_right_logical3A_225 = arith.shrui %get3A_222, %shift_right_logical3A_224 : vector<16xi32>
        %add3A_226 = arith.constant 10112 : i32
        %add3A_227 = vector.broadcast %add3A_226 : i32 to vector<16xi32>
        %add3A_228 = arith.addi %shift_right_logical3A_225, %add3A_227 : vector<16xi32>
        %swap3A_229 = arith.constant 0 : i32
        %swap3A_230 = arith.index_cast %swap3A_229 : i32 to index
        %swap3A_231 = arith.constant 48 : index
        %swap3A_232 = tpu.vector_load %arg14[%swap3A_230, %swap3A_231] {strides = array<i32>} : memref<1x64xi32, #tpu.memory_space<vmem>>, vector<1x16xi32>,
        %swap3A_233 = vector.shape_cast %swap3A_232 : vector<1x16xi32> to vector<16xi32>
        %swap3A_234 = vector.shape_cast %add3A_228 : vector<16xi32> to vector<1x16xi32>
        tpu.vector_store %arg14[%swap3A_230, %swap3A_231], %swap3A_234 {strides = array<i32>} : memref<1x64xi32, #tpu.memory_space<vmem>>, vector<1x16xi32>,
        %dma_start3A_235 = arith.constant 0 : i32
        %dma_start3A_236 = arith.constant 0 : i32
        %dma_start3A_237 = tpu.memref_slice %arg2[%dma_start3A_235, %dma_start3A_236] : memref<10112x128xf32, #tpu.memory_space<hbm>> -> memref<10112x128xf32, #tpu.memory_space<hbm>>
        tpu.enqueue_indirect_dma source(%dma_start3A_237 : memref<10112x128xf32, #tpu.memory_space<hbm>>) target(%arg17 : memref<64x128xf32, #tpu.memory_space<vmem>>) offsets(%arg8 : memref<64xi32, #tpu.memory_space<vmem>>) semaphore(%arg23 : memref<!tpu.dma_semaphore, #tpu.memory_space<semaphore_mem>>)
        %dma_start3A_238 = arith.constant 0 : i32
        %dma_start3A_239 = arith.constant 0 : i32
        %dma_start3A_240 = tpu.memref_slice %arg3[%dma_start3A_238, %dma_start3A_239] : memref<10112x128xf32, #tpu.memory_space<hbm>> -> memref<10112x128xf32, #tpu.memory_space<hbm>>
        tpu.enqueue_indirect_dma source(%dma_start3A_240 : memref<10112x128xf32, #tpu.memory_space<hbm>>) target(%arg19 : memref<64x128xf32, #tpu.memory_space<vmem>>) offsets(%arg10 : memref<64xi32, #tpu.memory_space<vmem>>) semaphore(%arg23 : memref<!tpu.dma_semaphore, #tpu.memory_space<semaphore_mem>>)
      } else {
      }
      %dma_wait3A_140 = arith.constant 0 : i32
      %dma_wait3A_141 = arith.constant 0 : i32
      %dma_wait3A_142 = tpu.memref_slice %arg2[%dma_wait3A_140, %dma_wait3A_141] : memref<10112x128xf32, #tpu.memory_space<hbm>> -> memref<64x128xf32, #tpu.memory_space<hbm>>
      %dma_wait3A_143 = arith.constant 0 : i32
      %dma_wait3A_144 = arith.constant 0 : i32
      %dma_wait3A_145 = tpu.memref_slice %arg2[%dma_wait3A_143, %dma_wait3A_144] : memref<10112x128xf32, #tpu.memory_space<hbm>> -> memref<64x128xf32, #tpu.memory_space<hbm>>
      tpu.wait_dma2 semaphore(%arg24 : memref<!tpu.dma_semaphore, #tpu.memory_space<semaphore_mem>>) src(%dma_wait3A_145 : memref<64x128xf32, #tpu.memory_space<hbm>>) dst(%arg18 : memref<64x128xf32, #tpu.memory_space<vmem>>)
      %dma_wait3A_146 = arith.constant 0 : i32
      %dma_wait3A_147 = arith.constant 0 : i32
      %dma_wait3A_148 = tpu.memref_slice %arg3[%dma_wait3A_146, %dma_wait3A_147] : memref<10112x128xf32, #tpu.memory_space<hbm>> -> memref<64x128xf32, #tpu.memory_space<hbm>>
      %dma_wait3A_149 = arith.constant 0 : i32
      %dma_wait3A_150 = arith.constant 0 : i32
      %dma_wait3A_151 = tpu.memref_slice %arg3[%dma_wait3A_149, %dma_wait3A_150] : memref<10112x128xf32, #tpu.memory_space<hbm>> -> memref<64x128xf32, #tpu.memory_space<hbm>>
      tpu.wait_dma2 semaphore(%arg24 : memref<!tpu.dma_semaphore, #tpu.memory_space<semaphore_mem>>) src(%dma_wait3A_151 : memref<64x128xf32, #tpu.memory_space<hbm>>) dst(%arg20 : memref<64x128xf32, #tpu.memory_space<vmem>>)
      %scan3A_152 = arith.constant 0 : i32
      %scan3A_153 = arith.constant 0 : i32
      %scan3A_154 = arith.constant 64 : i32
      %scan3A_155 = arith.addi %scan3A_153, %scan3A_154 : i32
      %scan3A_156 = arith.constant 1 : i32
      scf.for %scan3A_160 = %scan3A_153 to %scan3A_155 step %scan3A_156  : i32 {
        %broadcast_in_dim3A_161 = arith.constant 0.000000e+00 : f32
        %broadcast_in_dim3A_162 = vector.broadcast %broadcast_in_dim3A_161 : f32 to vector<16xf32>
        %get3A_163 = arith.index_cast %scan3A_160 : i32 to index
        %get3A_164 = arith.constant 0 : index
        %get3A_165 = tpu.vector_load %arg18[%get3A_163, %get3A_164] {strides = array<i32>} : memref<64x128xf32, #tpu.memory_space<vmem>>, vector<1x16xf32>,
        %get3A_166 = vector.shape_cast %get3A_165 : vector<1x16xf32> to vector<16xf32>
        %get3A_167 = arith.index_cast %scan3A_160 : i32 to index
        %get3A_168 = arith.constant 0 : index
        %get3A_169 = tpu.vector_load %arg20[%get3A_167, %get3A_168] {strides = array<i32>} : memref<64x128xf32, #tpu.memory_space<vmem>>, vector<1x16xf32>,
        %get3A_170 = vector.shape_cast %get3A_169 : vector<1x16xf32> to vector<16xf32>
        %add3A_171 = arith.addf %get3A_166, %get3A_170 : vector<16xf32>
        %mul3A_172 = arith.constant 2.000000e-01 : f32
        %mul3A_173 = vector.broadcast %mul3A_172 : f32 to vector<16xf32>
        %mul3A_174 = arith.mulf %mul3A_173, %add3A_171 : vector<16xf32>
        %max3A = arith.maximumf %add3A_171, %mul3A_174 : vector<16xf32>
        %get3A_175 = arith.constant 0 : index
        %get3A_176 = tpu.vector_load %arg21[%get3A_175] {strides = array<i32>} : memref<128xf32, #tpu.memory_space<vmem>>, vector<16xf32>,
        %get3A_177 = vector.shape_cast %get3A_176 : vector<16xf32> to vector<16xf32>
        %mul3A_178 = arith.mulf %get3A_177, %max3A : vector<16xf32>
        %add3A_179 = arith.addf %broadcast_in_dim3A_162, %mul3A_178 : vector<16xf32>
        %get3A_180 = arith.index_cast %scan3A_160 : i32 to index
        %get3A_181 = arith.constant 16 : index
        %get3A_182 = tpu.vector_load %arg18[%get3A_180, %get3A_181] {strides = array<i32>} : memref<64x128xf32, #tpu.memory_space<vmem>>, vector<1x16xf32>,
        %get3A_183 = vector.shape_cast %get3A_182 : vector<1x16xf32> to vector<16xf32>
        %get3A_184 = arith.index_cast %scan3A_160 : i32 to index
        %get3A_185 = arith.constant 16 : index
        %get3A_186 = tpu.vector_load %arg20[%get3A_184, %get3A_185] {strides = array<i32>} : memref<64x128xf32, #tpu.memory_space<vmem>>, vector<1x16xf32>,
        %get3A_187 = vector.shape_cast %get3A_186 : vector<1x16xf32> to vector<16xf32>
        %add3A_188 = arith.addf %get3A_183, %get3A_187 : vector<16xf32>
        %mul3A_189 = arith.constant 2.000000e-01 : f32
        %mul3A_190 = vector.broadcast %mul3A_189 : f32 to vector<16xf32>
        %mul3A_191 = arith.mulf %mul3A_190, %add3A_188 : vector<16xf32>
        %max3A_192 = arith.maximumf %add3A_188, %mul3A_191 : vector<16xf32>
        %get3A_193 = arith.constant 16 : index
        %get3A_194 = tpu.vector_load %arg21[%get3A_193] {strides = array<i32>} : memref<128xf32, #tpu.memory_space<vmem>>, vector<16xf32>,
        %get3A_195 = vector.shape_cast %get3A_194 : vector<16xf32> to vector<16xf32>
        %mul3A_196 = arith.mulf %get3A_195, %max3A_192 : vector<16xf32>
        %add3A_197 = arith.addf %add3A_179, %mul3A_196 : vector<16xf32>
        %get3A_198 = arith.index_cast %scan3A_160 : i32 to index
        %get3A_199 = arith.constant 32 : index
        %get3A_200 = tpu.vector_load %arg18[%get3A_198, %get3A_199] {strides = array<i32>} : memref<64x128xf32, #tpu.memory_space<vmem>>, vector<1x16xf32>,
        %get3A_201 = vector.shape_cast %get3A_200 : vector<1x16xf32> to vector<16xf32>
        %get3A_202 = arith.index_cast %scan3A_160 : i32 to index
        %get3A_203 = arith.constant 32 : index
        %get3A_204 = tpu.vector_load %arg20[%get3A_202, %get3A_203] {strides = array<i32>} : memref<64x128xf32, #tpu.memory_space<vmem>>, vector<1x16xf32>,
        %get3A_205 = vector.shape_cast %get3A_204 : vector<1x16xf32> to vector<16xf32>
        %add3A_206 = arith.addf %get3A_201, %get3A_205 : vector<16xf32>
        %mul3A_207 = arith.constant 2.000000e-01 : f32
        %mul3A_208 = vector.broadcast %mul3A_207 : f32 to vector<16xf32>
        %mul3A_209 = arith.mulf %mul3A_208, %add3A_206 : vector<16xf32>
        %max3A_210 = arith.maximumf %add3A_206, %mul3A_209 : vector<16xf32>
        %get3A_211 = arith.constant 32 : index
        %get3A_212 = tpu.vector_load %arg21[%get3A_211] {strides = array<i32>} : memref<128xf32, #tpu.memory_space<vmem>>, vector<16xf32>,
        %get3A_213 = vector.shape_cast %get3A_212 : vector<16xf32> to vector<16xf32>
        %mul3A_214 = arith.mulf %get3A_213, %max3A_210 : vector<16xf32>
        %add3A_215 = arith.addf %add3A_197, %mul3A_214 : vector<16xf32>
        %get3A_216 = arith.index_cast %scan3A_160 : i32 to index
        %get3A_217 = arith.constant 48 : index
        %get3A_218 = tpu.vector_load %arg18[%get3A_216, %get3A_217] {strides = array<i32>} : memref<64x128xf32, #tpu.memory_space<vmem>>, vector<1x16xf32>,
        %get3A_219 = vector.shape_cast %get3A_218 : vector<1x16xf32> to vector<16xf32>
        %get3A_220 = arith.index_cast %scan3A_160 : i32 to index
        %get3A_221 = arith.constant 48 : index
        %get3A_222 = tpu.vector_load %arg20[%get3A_220, %get3A_221] {strides = array<i32>} : memref<64x128xf32, #tpu.memory_space<vmem>>, vector<1x16xf32>,
        %get3A_223 = vector.shape_cast %get3A_222 : vector<1x16xf32> to vector<16xf32>
        %add3A_224 = arith.addf %get3A_219, %get3A_223 : vector<16xf32>
        %mul3A_225 = arith.constant 2.000000e-01 : f32
        %mul3A_226 = vector.broadcast %mul3A_225 : f32 to vector<16xf32>
        %mul3A_227 = arith.mulf %mul3A_226, %add3A_224 : vector<16xf32>
        %max3A_228 = arith.maximumf %add3A_224, %mul3A_227 : vector<16xf32>
        %get3A_229 = arith.constant 48 : index
        %get3A_230 = tpu.vector_load %arg21[%get3A_229] {strides = array<i32>} : memref<128xf32, #tpu.memory_space<vmem>>, vector<16xf32>,
        %get3A_231 = vector.shape_cast %get3A_230 : vector<16xf32> to vector<16xf32>
        %mul3A_232 = arith.mulf %get3A_231, %max3A_228 : vector<16xf32>
        %add3A_233 = arith.addf %add3A_215, %mul3A_232 : vector<16xf32>
        %get3A_234 = arith.index_cast %scan3A_160 : i32 to index
        %get3A_235 = arith.constant 64 : index
        %get3A_236 = tpu.vector_load %arg18[%get3A_234, %get3A_235] {strides = array<i32>} : memref<64x128xf32, #tpu.memory_space<vmem>>, vector<1x16xf32>,
        %get3A_237 = vector.shape_cast %get3A_236 : vector<1x16xf32> to vector<16xf32>
        %get3A_238 = arith.index_cast %scan3A_160 : i32 to index
        %get3A_239 = arith.constant 64 : index
        %get3A_240 = tpu.vector_load %arg20[%get3A_238, %get3A_239] {strides = array<i32>} : memref<64x128xf32, #tpu.memory_space<vmem>>, vector<1x16xf32>,
        %get3A_241 = vector.shape_cast %get3A_240 : vector<1x16xf32> to vector<16xf32>
        %add3A_242 = arith.addf %get3A_237, %get3A_241 : vector<16xf32>
        %mul3A_243 = arith.constant 2.000000e-01 : f32
        %mul3A_244 = vector.broadcast %mul3A_243 : f32 to vector<16xf32>
        %mul3A_245 = arith.mulf %mul3A_244, %add3A_242 : vector<16xf32>
        %max3A_246 = arith.maximumf %add3A_242, %mul3A_245 : vector<16xf32>
        %get3A_247 = arith.constant 64 : index
        %get3A_248 = tpu.vector_load %arg21[%get3A_247] {strides = array<i32>} : memref<128xf32, #tpu.memory_space<vmem>>, vector<16xf32>,
        %get3A_249 = vector.shape_cast %get3A_248 : vector<16xf32> to vector<16xf32>
        %mul3A_250 = arith.mulf %get3A_249, %max3A_246 : vector<16xf32>
        %add3A_251 = arith.addf %add3A_233, %mul3A_250 : vector<16xf32>
        %get3A_252 = arith.index_cast %scan3A_160 : i32 to index
        %get3A_253 = arith.constant 80 : index
        %get3A_254 = tpu.vector_load %arg18[%get3A_252, %get3A_253] {strides = array<i32>} : memref<64x128xf32, #tpu.memory_space<vmem>>, vector<1x16xf32>,
        %get3A_255 = vector.shape_cast %get3A_254 : vector<1x16xf32> to vector<16xf32>
        %get3A_256 = arith.index_cast %scan3A_160 : i32 to index
        %get3A_257 = arith.constant 80 : index
        %get3A_258 = tpu.vector_load %arg20[%get3A_256, %get3A_257] {strides = array<i32>} : memref<64x128xf32, #tpu.memory_space<vmem>>, vector<1x16xf32>,
        %get3A_259 = vector.shape_cast %get3A_258 : vector<1x16xf32> to vector<16xf32>
        %add3A_260 = arith.addf %get3A_255, %get3A_259 : vector<16xf32>
        %mul3A_261 = arith.constant 2.000000e-01 : f32
        %mul3A_262 = vector.broadcast %mul3A_261 : f32 to vector<16xf32>
        %mul3A_263 = arith.mulf %mul3A_262, %add3A_260 : vector<16xf32>
        %max3A_264 = arith.maximumf %add3A_260, %mul3A_263 : vector<16xf32>
        %get3A_265 = arith.constant 80 : index
        %get3A_266 = tpu.vector_load %arg21[%get3A_265] {strides = array<i32>} : memref<128xf32, #tpu.memory_space<vmem>>, vector<16xf32>,
        %get3A_267 = vector.shape_cast %get3A_266 : vector<16xf32> to vector<16xf32>
        %mul3A_268 = arith.mulf %get3A_267, %max3A_264 : vector<16xf32>
        %add3A_269 = arith.addf %add3A_251, %mul3A_268 : vector<16xf32>
        %get3A_270 = arith.index_cast %scan3A_160 : i32 to index
        %get3A_271 = arith.constant 96 : index
        %get3A_272 = tpu.vector_load %arg18[%get3A_270, %get3A_271] {strides = array<i32>} : memref<64x128xf32, #tpu.memory_space<vmem>>, vector<1x16xf32>,
        %get3A_273 = vector.shape_cast %get3A_272 : vector<1x16xf32> to vector<16xf32>
        %get3A_274 = arith.index_cast %scan3A_160 : i32 to index
        %get3A_275 = arith.constant 96 : index
        %get3A_276 = tpu.vector_load %arg20[%get3A_274, %get3A_275] {strides = array<i32>} : memref<64x128xf32, #tpu.memory_space<vmem>>, vector<1x16xf32>,
        %get3A_277 = vector.shape_cast %get3A_276 : vector<1x16xf32> to vector<16xf32>
        %add3A_278 = arith.addf %get3A_273, %get3A_277 : vector<16xf32>
        %mul3A_279 = arith.constant 2.000000e-01 : f32
        %mul3A_280 = vector.broadcast %mul3A_279 : f32 to vector<16xf32>
        %mul3A_281 = arith.mulf %mul3A_280, %add3A_278 : vector<16xf32>
        %max3A_282 = arith.maximumf %add3A_278, %mul3A_281 : vector<16xf32>
        %get3A_283 = arith.constant 96 : index
        %get3A_284 = tpu.vector_load %arg21[%get3A_283] {strides = array<i32>} : memref<128xf32, #tpu.memory_space<vmem>>, vector<16xf32>,
        %get3A_285 = vector.shape_cast %get3A_284 : vector<16xf32> to vector<16xf32>
        %mul3A_286 = arith.mulf %get3A_285, %max3A_282 : vector<16xf32>
        %add3A_287 = arith.addf %add3A_269, %mul3A_286 : vector<16xf32>
        %get3A_288 = arith.index_cast %scan3A_160 : i32 to index
        %get3A_289 = arith.constant 112 : index
        %get3A_290 = tpu.vector_load %arg18[%get3A_288, %get3A_289] {strides = array<i32>} : memref<64x128xf32, #tpu.memory_space<vmem>>, vector<1x16xf32>,
        %get3A_291 = vector.shape_cast %get3A_290 : vector<1x16xf32> to vector<16xf32>
        %get3A_292 = arith.index_cast %scan3A_160 : i32 to index
        %get3A_293 = arith.constant 112 : index
        %get3A_294 = tpu.vector_load %arg20[%get3A_292, %get3A_293] {strides = array<i32>} : memref<64x128xf32, #tpu.memory_space<vmem>>, vector<1x16xf32>,
        %get3A_295 = vector.shape_cast %get3A_294 : vector<1x16xf32> to vector<16xf32>
        %add3A_296 = arith.addf %get3A_291, %get3A_295 : vector<16xf32>
        %mul3A_297 = arith.constant 2.000000e-01 : f32
        %mul3A_298 = vector.broadcast %mul3A_297 : f32 to vector<16xf32>
        %mul3A_299 = arith.mulf %mul3A_298, %add3A_296 : vector<16xf32>
        %max3A_300 = arith.maximumf %add3A_296, %mul3A_299 : vector<16xf32>
        %get3A_301 = arith.constant 112 : index
        %get3A_302 = tpu.vector_load %arg21[%get3A_301] {strides = array<i32>} : memref<128xf32, #tpu.memory_space<vmem>>, vector<16xf32>,
        %get3A_303 = vector.shape_cast %get3A_302 : vector<16xf32> to vector<16xf32>
        %mul3A_304 = arith.mulf %get3A_303, %max3A_300 : vector<16xf32>
        %add3A_305 = arith.addf %add3A_287, %mul3A_304 : vector<16xf32>
        %xor3A = arith.constant 8 : i32
        %xor3A_306 = vector.broadcast %xor3A : i32 to vector<16xi32>
        %xor3A_307 = arith.xori %iota3A, %xor3A_306 : vector<16xi32>
        %broadcast_in_dim3A_308 = vector.shape_cast %xor3A_307 : vector<16xi32> to vector<16x1xi32>
        %gather3A = vector.shape_cast %broadcast_in_dim3A_308 : vector<16x1xi32> to vector<16xi32>
        %gather3A_309 = tpu.dynamic_gather %add3A_305[%gather3A] in [0] : vector<16xf32>, vector<16xi32> -> vector<16xf32>
        %add3A_310 = arith.addf %add3A_305, %gather3A_309 : vector<16xf32>
        %xor3A_311 = arith.constant 4 : i32
        %xor3A_312 = vector.broadcast %xor3A_311 : i32 to vector<16xi32>
        %xor3A_313 = arith.xori %iota3A, %xor3A_312 : vector<16xi32>
        %broadcast_in_dim3A_314 = vector.shape_cast %xor3A_313 : vector<16xi32> to vector<16x1xi32>
        %gather3A_315 = vector.shape_cast %broadcast_in_dim3A_314 : vector<16x1xi32> to vector<16xi32>
        %gather3A_316 = tpu.dynamic_gather %add3A_310[%gather3A_315] in [0] : vector<16xf32>, vector<16xi32> -> vector<16xf32>
        %add3A_317 = arith.addf %add3A_310, %gather3A_316 : vector<16xf32>
        %xor3A_318 = arith.constant 2 : i32
        %xor3A_319 = vector.broadcast %xor3A_318 : i32 to vector<16xi32>
        %xor3A_320 = arith.xori %iota3A, %xor3A_319 : vector<16xi32>
        %broadcast_in_dim3A_321 = vector.shape_cast %xor3A_320 : vector<16xi32> to vector<16x1xi32>
        %gather3A_322 = vector.shape_cast %broadcast_in_dim3A_321 : vector<16x1xi32> to vector<16xi32>
        %gather3A_323 = tpu.dynamic_gather %add3A_317[%gather3A_322] in [0] : vector<16xf32>, vector<16xi32> -> vector<16xf32>
        %add3A_324 = arith.addf %add3A_317, %gather3A_323 : vector<16xf32>
        %xor3A_325 = arith.constant 1 : i32
        %xor3A_326 = vector.broadcast %xor3A_325 : i32 to vector<16xi32>
        %xor3A_327 = arith.xori %iota3A, %xor3A_326 : vector<16xi32>
        %broadcast_in_dim3A_328 = vector.shape_cast %xor3A_327 : vector<16xi32> to vector<16x1xi32>
        %gather3A_329 = vector.shape_cast %broadcast_in_dim3A_328 : vector<16x1xi32> to vector<16xi32>
        %gather3A_330 = tpu.dynamic_gather %add3A_324[%gather3A_329] in [0] : vector<16xf32>, vector<16xi32> -> vector<16xf32>
        %add3A_331 = arith.addf %add3A_324, %gather3A_330 : vector<16xf32>
        %exp3A = math.exp %add3A_331 : vector<16xf32>
        %get3A_332 = arith.index_cast %scan3A_160 : i32 to index
        %get3A_333 = tpu.vector_load %arg11[%get3A_332] {strides = array<i32>} : memref<64xi32, #tpu.memory_space<vmem>>, vector<1xi32>,
        %get3A_334 = vector.shape_cast %get3A_333 : vector<1xi32> to vector<1xi32>
        %squeeze3A = vector.extract %get3A_334[0] : i32 from vector<1xi32>
        %and3A = arith.constant 7 : i32
        %and3A_335 = arith.andi %squeeze3A, %and3A : i32
        %get3A_336 = arith.index_cast %scan3A_160 : i32 to index
        %get3A_337 = arith.constant 0 : index
        %get3A_338 = tpu.vector_load %arg18[%get3A_336, %get3A_337] {strides = array<i32>} : memref<64x128xf32, #tpu.memory_space<vmem>>, vector<1x16xf32>,
        %get3A_339 = vector.shape_cast %get3A_338 : vector<1x16xf32> to vector<16xf32>
        %mul3A_340 = arith.mulf %exp3A, %get3A_339 : vector<16xf32>
        %swap3A_341 = arith.index_cast %scan3A_160 : i32 to index
        %swap3A_342 = arith.constant 0 : index
        %swap3A_343 = tpu.vector_load %arg18[%swap3A_341, %swap3A_342] {strides = array<i32>} : memref<64x128xf32, #tpu.memory_space<vmem>>, vector<1x16xf32>,
        %swap3A_344 = vector.shape_cast %swap3A_343 : vector<1x16xf32> to vector<16xf32>
        %swap3A_345 = vector.shape_cast %mul3A_340 : vector<16xf32> to vector<1x16xf32>
        tpu.vector_store %arg18[%swap3A_341, %swap3A_342], %swap3A_345 {strides = array<i32>} : memref<64x128xf32, #tpu.memory_space<vmem>>, vector<1x16xf32>,
        %eq3A = arith.constant 0 : i32
        %eq3A_346 = arith.cmpi eq, %and3A_335, %eq3A : i32
        %select_n3A = arith.select %eq3A_346, %exp3A, %broadcast_in_dim3A_1 : vector<16xf32>
        %swap3A_347 = arith.index_cast %scan3A_160 : i32 to index
        %swap3A_348 = arith.constant 0 : index
        %swap3A_349 = tpu.vector_load %arg20[%swap3A_347, %swap3A_348] {strides = array<i32>} : memref<64x128xf32, #tpu.memory_space<vmem>>, vector<1x16xf32>,
        %swap3A_350 = vector.shape_cast %swap3A_349 : vector<1x16xf32> to vector<16xf32>
        %swap3A_351 = vector.shape_cast %select_n3A : vector<16xf32> to vector<1x16xf32>
        tpu.vector_store %arg20[%swap3A_347, %swap3A_348], %swap3A_351 {strides = array<i32>} : memref<64x128xf32, #tpu.memory_space<vmem>>, vector<1x16xf32>,
        %get3A_352 = arith.index_cast %scan3A_160 : i32 to index
        %get3A_353 = arith.constant 16 : index
        %get3A_354 = tpu.vector_load %arg18[%get3A_352, %get3A_353] {strides = array<i32>} : memref<64x128xf32, #tpu.memory_space<vmem>>, vector<1x16xf32>,
        %get3A_355 = vector.shape_cast %get3A_354 : vector<1x16xf32> to vector<16xf32>
        %mul3A_356 = arith.mulf %exp3A, %get3A_355 : vector<16xf32>
        %swap3A_357 = arith.index_cast %scan3A_160 : i32 to index
        %swap3A_358 = arith.constant 16 : index
        %swap3A_359 = tpu.vector_load %arg18[%swap3A_357, %swap3A_358] {strides = array<i32>} : memref<64x128xf32, #tpu.memory_space<vmem>>, vector<1x16xf32>,
        %swap3A_360 = vector.shape_cast %swap3A_359 : vector<1x16xf32> to vector<16xf32>
        %swap3A_361 = vector.shape_cast %mul3A_356 : vector<16xf32> to vector<1x16xf32>
        tpu.vector_store %arg18[%swap3A_357, %swap3A_358], %swap3A_361 {strides = array<i32>} : memref<64x128xf32, #tpu.memory_space<vmem>>, vector<1x16xf32>,
        %eq3A_362 = arith.constant 1 : i32
        %eq3A_363 = arith.cmpi eq, %and3A_335, %eq3A_362 : i32
        %select_n3A_364 = arith.select %eq3A_363, %exp3A, %broadcast_in_dim3A_1 : vector<16xf32>
        %swap3A_365 = arith.index_cast %scan3A_160 : i32 to index
        %swap3A_366 = arith.constant 16 : index
        %swap3A_367 = tpu.vector_load %arg20[%swap3A_365, %swap3A_366] {strides = array<i32>} : memref<64x128xf32, #tpu.memory_space<vmem>>, vector<1x16xf32>,
        %swap3A_368 = vector.shape_cast %swap3A_367 : vector<1x16xf32> to vector<16xf32>
        %swap3A_369 = vector.shape_cast %select_n3A_364 : vector<16xf32> to vector<1x16xf32>
        tpu.vector_store %arg20[%swap3A_365, %swap3A_366], %swap3A_369 {strides = array<i32>} : memref<64x128xf32, #tpu.memory_space<vmem>>, vector<1x16xf32>,
        %get3A_370 = arith.index_cast %scan3A_160 : i32 to index
        %get3A_371 = arith.constant 32 : index
        %get3A_372 = tpu.vector_load %arg18[%get3A_370, %get3A_371] {strides = array<i32>} : memref<64x128xf32, #tpu.memory_space<vmem>>, vector<1x16xf32>,
        %get3A_373 = vector.shape_cast %get3A_372 : vector<1x16xf32> to vector<16xf32>
        %mul3A_374 = arith.mulf %exp3A, %get3A_373 : vector<16xf32>
        %swap3A_375 = arith.index_cast %scan3A_160 : i32 to index
        %swap3A_376 = arith.constant 32 : index
        %swap3A_377 = tpu.vector_load %arg18[%swap3A_375, %swap3A_376] {strides = array<i32>} : memref<64x128xf32, #tpu.memory_space<vmem>>, vector<1x16xf32>,
        %swap3A_378 = vector.shape_cast %swap3A_377 : vector<1x16xf32> to vector<16xf32>
        %swap3A_379 = vector.shape_cast %mul3A_374 : vector<16xf32> to vector<1x16xf32>
        tpu.vector_store %arg18[%swap3A_375, %swap3A_376], %swap3A_379 {strides = array<i32>} : memref<64x128xf32, #tpu.memory_space<vmem>>, vector<1x16xf32>,
        %eq3A_380 = arith.constant 2 : i32
        %eq3A_381 = arith.cmpi eq, %and3A_335, %eq3A_380 : i32
        %select_n3A_382 = arith.select %eq3A_381, %exp3A, %broadcast_in_dim3A_1 : vector<16xf32>
        %swap3A_383 = arith.index_cast %scan3A_160 : i32 to index
        %swap3A_384 = arith.constant 32 : index
        %swap3A_385 = tpu.vector_load %arg20[%swap3A_383, %swap3A_384] {strides = array<i32>} : memref<64x128xf32, #tpu.memory_space<vmem>>, vector<1x16xf32>,
        %swap3A_386 = vector.shape_cast %swap3A_385 : vector<1x16xf32> to vector<16xf32>
        %swap3A_387 = vector.shape_cast %select_n3A_382 : vector<16xf32> to vector<1x16xf32>
        tpu.vector_store %arg20[%swap3A_383, %swap3A_384], %swap3A_387 {strides = array<i32>} : memref<64x128xf32, #tpu.memory_space<vmem>>, vector<1x16xf32>,
        %get3A_388 = arith.index_cast %scan3A_160 : i32 to index
        %get3A_389 = arith.constant 48 : index
        %get3A_390 = tpu.vector_load %arg18[%get3A_388, %get3A_389] {strides = array<i32>} : memref<64x128xf32, #tpu.memory_space<vmem>>, vector<1x16xf32>,
        %get3A_391 = vector.shape_cast %get3A_390 : vector<1x16xf32> to vector<16xf32>
        %mul3A_392 = arith.mulf %exp3A, %get3A_391 : vector<16xf32>
        %swap3A_393 = arith.index_cast %scan3A_160 : i32 to index
        %swap3A_394 = arith.constant 48 : index
        %swap3A_395 = tpu.vector_load %arg18[%swap3A_393, %swap3A_394] {strides = array<i32>} : memref<64x128xf32, #tpu.memory_space<vmem>>, vector<1x16xf32>,
        %swap3A_396 = vector.shape_cast %swap3A_395 : vector<1x16xf32> to vector<16xf32>
        %swap3A_397 = vector.shape_cast %mul3A_392 : vector<16xf32> to vector<1x16xf32>
        tpu.vector_store %arg18[%swap3A_393, %swap3A_394], %swap3A_397 {strides = array<i32>} : memref<64x128xf32, #tpu.memory_space<vmem>>, vector<1x16xf32>,
        %eq3A_398 = arith.constant 3 : i32
        %eq3A_399 = arith.cmpi eq, %and3A_335, %eq3A_398 : i32
        %select_n3A_400 = arith.select %eq3A_399, %exp3A, %broadcast_in_dim3A_1 : vector<16xf32>
        %swap3A_401 = arith.index_cast %scan3A_160 : i32 to index
        %swap3A_402 = arith.constant 48 : index
        %swap3A_403 = tpu.vector_load %arg20[%swap3A_401, %swap3A_402] {strides = array<i32>} : memref<64x128xf32, #tpu.memory_space<vmem>>, vector<1x16xf32>,
        %swap3A_404 = vector.shape_cast %swap3A_403 : vector<1x16xf32> to vector<16xf32>
        %swap3A_405 = vector.shape_cast %select_n3A_400 : vector<16xf32> to vector<1x16xf32>
        tpu.vector_store %arg20[%swap3A_401, %swap3A_402], %swap3A_405 {strides = array<i32>} : memref<64x128xf32, #tpu.memory_space<vmem>>, vector<1x16xf32>,
        %get3A_406 = arith.index_cast %scan3A_160 : i32 to index
        %get3A_407 = arith.constant 64 : index
        %get3A_408 = tpu.vector_load %arg18[%get3A_406, %get3A_407] {strides = array<i32>} : memref<64x128xf32, #tpu.memory_space<vmem>>, vector<1x16xf32>,
        %get3A_409 = vector.shape_cast %get3A_408 : vector<1x16xf32> to vector<16xf32>
        %mul3A_410 = arith.mulf %exp3A, %get3A_409 : vector<16xf32>
        %swap3A_411 = arith.index_cast %scan3A_160 : i32 to index
        %swap3A_412 = arith.constant 64 : index
        %swap3A_413 = tpu.vector_load %arg18[%swap3A_411, %swap3A_412] {strides = array<i32>} : memref<64x128xf32, #tpu.memory_space<vmem>>, vector<1x16xf32>,
        %swap3A_414 = vector.shape_cast %swap3A_413 : vector<1x16xf32> to vector<16xf32>
        %swap3A_415 = vector.shape_cast %mul3A_410 : vector<16xf32> to vector<1x16xf32>
        tpu.vector_store %arg18[%swap3A_411, %swap3A_412], %swap3A_415 {strides = array<i32>} : memref<64x128xf32, #tpu.memory_space<vmem>>, vector<1x16xf32>,
        %eq3A_416 = arith.constant 4 : i32
        %eq3A_417 = arith.cmpi eq, %and3A_335, %eq3A_416 : i32
        %select_n3A_418 = arith.select %eq3A_417, %exp3A, %broadcast_in_dim3A_1 : vector<16xf32>
        %swap3A_419 = arith.index_cast %scan3A_160 : i32 to index
        %swap3A_420 = arith.constant 64 : index
        %swap3A_421 = tpu.vector_load %arg20[%swap3A_419, %swap3A_420] {strides = array<i32>} : memref<64x128xf32, #tpu.memory_space<vmem>>, vector<1x16xf32>,
        %swap3A_422 = vector.shape_cast %swap3A_421 : vector<1x16xf32> to vector<16xf32>
        %swap3A_423 = vector.shape_cast %select_n3A_418 : vector<16xf32> to vector<1x16xf32>
        tpu.vector_store %arg20[%swap3A_419, %swap3A_420], %swap3A_423 {strides = array<i32>} : memref<64x128xf32, #tpu.memory_space<vmem>>, vector<1x16xf32>,
        %get3A_424 = arith.index_cast %scan3A_160 : i32 to index
        %get3A_425 = arith.constant 80 : index
        %get3A_426 = tpu.vector_load %arg18[%get3A_424, %get3A_425] {strides = array<i32>} : memref<64x128xf32, #tpu.memory_space<vmem>>, vector<1x16xf32>,
        %get3A_427 = vector.shape_cast %get3A_426 : vector<1x16xf32> to vector<16xf32>
        %mul3A_428 = arith.mulf %exp3A, %get3A_427 : vector<16xf32>
        %swap3A_429 = arith.index_cast %scan3A_160 : i32 to index
        %swap3A_430 = arith.constant 80 : index
        %swap3A_431 = tpu.vector_load %arg18[%swap3A_429, %swap3A_430] {strides = array<i32>} : memref<64x128xf32, #tpu.memory_space<vmem>>, vector<1x16xf32>,
        %swap3A_432 = vector.shape_cast %swap3A_431 : vector<1x16xf32> to vector<16xf32>
        %swap3A_433 = vector.shape_cast %mul3A_428 : vector<16xf32> to vector<1x16xf32>
        tpu.vector_store %arg18[%swap3A_429, %swap3A_430], %swap3A_433 {strides = array<i32>} : memref<64x128xf32, #tpu.memory_space<vmem>>, vector<1x16xf32>,
        %eq3A_434 = arith.constant 5 : i32
        %eq3A_435 = arith.cmpi eq, %and3A_335, %eq3A_434 : i32
        %select_n3A_436 = arith.select %eq3A_435, %exp3A, %broadcast_in_dim3A_1 : vector<16xf32>
        %swap3A_437 = arith.index_cast %scan3A_160 : i32 to index
        %swap3A_438 = arith.constant 80 : index
        %swap3A_439 = tpu.vector_load %arg20[%swap3A_437, %swap3A_438] {strides = array<i32>} : memref<64x128xf32, #tpu.memory_space<vmem>>, vector<1x16xf32>,
        %swap3A_440 = vector.shape_cast %swap3A_439 : vector<1x16xf32> to vector<16xf32>
        %swap3A_441 = vector.shape_cast %select_n3A_436 : vector<16xf32> to vector<1x16xf32>
        tpu.vector_store %arg20[%swap3A_437, %swap3A_438], %swap3A_441 {strides = array<i32>} : memref<64x128xf32, #tpu.memory_space<vmem>>, vector<1x16xf32>,
        %get3A_442 = arith.index_cast %scan3A_160 : i32 to index
        %get3A_443 = arith.constant 96 : index
        %get3A_444 = tpu.vector_load %arg18[%get3A_442, %get3A_443] {strides = array<i32>} : memref<64x128xf32, #tpu.memory_space<vmem>>, vector<1x16xf32>,
        %get3A_445 = vector.shape_cast %get3A_444 : vector<1x16xf32> to vector<16xf32>
        %mul3A_446 = arith.mulf %exp3A, %get3A_445 : vector<16xf32>
        %swap3A_447 = arith.index_cast %scan3A_160 : i32 to index
        %swap3A_448 = arith.constant 96 : index
        %swap3A_449 = tpu.vector_load %arg18[%swap3A_447, %swap3A_448] {strides = array<i32>} : memref<64x128xf32, #tpu.memory_space<vmem>>, vector<1x16xf32>,
        %swap3A_450 = vector.shape_cast %swap3A_449 : vector<1x16xf32> to vector<16xf32>
        %swap3A_451 = vector.shape_cast %mul3A_446 : vector<16xf32> to vector<1x16xf32>
        tpu.vector_store %arg18[%swap3A_447, %swap3A_448], %swap3A_451 {strides = array<i32>} : memref<64x128xf32, #tpu.memory_space<vmem>>, vector<1x16xf32>,
        %eq3A_452 = arith.constant 6 : i32
        %eq3A_453 = arith.cmpi eq, %and3A_335, %eq3A_452 : i32
        %select_n3A_454 = arith.select %eq3A_453, %exp3A, %broadcast_in_dim3A_1 : vector<16xf32>
        %swap3A_455 = arith.index_cast %scan3A_160 : i32 to index
        %swap3A_456 = arith.constant 96 : index
        %swap3A_457 = tpu.vector_load %arg20[%swap3A_455, %swap3A_456] {strides = array<i32>} : memref<64x128xf32, #tpu.memory_space<vmem>>, vector<1x16xf32>,
        %swap3A_458 = vector.shape_cast %swap3A_457 : vector<1x16xf32> to vector<16xf32>
        %swap3A_459 = vector.shape_cast %select_n3A_454 : vector<16xf32> to vector<1x16xf32>
        tpu.vector_store %arg20[%swap3A_455, %swap3A_456], %swap3A_459 {strides = array<i32>} : memref<64x128xf32, #tpu.memory_space<vmem>>, vector<1x16xf32>,
        %get3A_460 = arith.index_cast %scan3A_160 : i32 to index
        %get3A_461 = arith.constant 112 : index
        %get3A_462 = tpu.vector_load %arg18[%get3A_460, %get3A_461] {strides = array<i32>} : memref<64x128xf32, #tpu.memory_space<vmem>>, vector<1x16xf32>,
        %get3A_463 = vector.shape_cast %get3A_462 : vector<1x16xf32> to vector<16xf32>
        %mul3A_464 = arith.mulf %exp3A, %get3A_463 : vector<16xf32>
        %swap3A_465 = arith.index_cast %scan3A_160 : i32 to index
        %swap3A_466 = arith.constant 112 : index
        %swap3A_467 = tpu.vector_load %arg18[%swap3A_465, %swap3A_466] {strides = array<i32>} : memref<64x128xf32, #tpu.memory_space<vmem>>, vector<1x16xf32>,
        %swap3A_468 = vector.shape_cast %swap3A_467 : vector<1x16xf32> to vector<16xf32>
        %swap3A_469 = vector.shape_cast %mul3A_464 : vector<16xf32> to vector<1x16xf32>
        tpu.vector_store %arg18[%swap3A_465, %swap3A_466], %swap3A_469 {strides = array<i32>} : memref<64x128xf32, #tpu.memory_space<vmem>>, vector<1x16xf32>,
        %eq3A_470 = arith.constant 7 : i32
        %eq3A_471 = arith.cmpi eq, %and3A_335, %eq3A_470 : i32
        %select_n3A_472 = arith.select %eq3A_471, %exp3A, %broadcast_in_dim3A_1 : vector<16xf32>
        %swap3A_473 = arith.index_cast %scan3A_160 : i32 to index
        %swap3A_474 = arith.constant 112 : index
        %swap3A_475 = tpu.vector_load %arg20[%swap3A_473, %swap3A_474] {strides = array<i32>} : memref<64x128xf32, #tpu.memory_space<vmem>>, vector<1x16xf32>,
        %swap3A_476 = vector.shape_cast %swap3A_475 : vector<1x16xf32> to vector<16xf32>
        %swap3A_477 = vector.shape_cast %select_n3A_472 : vector<16xf32> to vector<1x16xf32>
        tpu.vector_store %arg20[%swap3A_473, %swap3A_474], %swap3A_477 {strides = array<i32>} : memref<64x128xf32, #tpu.memory_space<vmem>>, vector<1x16xf32>,
      }
      %scan3A_157 = arith.constant 64 : i32
      %run_scoped3A_158 = arith.constant 0 : i32
      "tpu.region"() ({
        %run_scoped3A_160 = tpu.sem_alloc : memref<!tpu.dma_semaphore, #tpu.memory_space<semaphore_mem>>
        %dma_start3A_161 = arith.constant 0 : i32
        %dma_start3A_162 = tpu.memref_slice %arg13[%run_scoped3A_158, %dma_start3A_161] : memref<1x64xi32, #tpu.memory_space<vmem>> -> memref<1x64xi32, #tpu.memory_space<vmem>>
        %dma_start3A_163 = tpu.memref_squeeze %dma_start3A_162 : memref<1x64xi32, #tpu.memory_space<vmem>> -> memref<64xi32, #tpu.memory_space<vmem>>
        %dma_start3A_164 = arith.constant 0 : i32
        %dma_start3A_165 = arith.constant 0 : i32
        %dma_start3A_166 = tpu.memref_slice %arg22[%dma_start3A_164, %dma_start3A_165] : memref<11392x128xf32, #tpu.memory_space<vmem_shared>> -> memref<11392x128xf32, #tpu.memory_space<vmem_shared>>
        tpu.enqueue_indirect_dma source(%arg18 : memref<64x128xf32, #tpu.memory_space<vmem>>) target(%dma_start3A_166 : memref<11392x128xf32, #tpu.memory_space<vmem_shared>>) offsets(%dma_start3A_163 : memref<64xi32, #tpu.memory_space<vmem>>) semaphore(%run_scoped3A_160 : memref<!tpu.dma_semaphore, #tpu.memory_space<semaphore_mem>>) {add = true}
        %dma_wait3A_167 = arith.constant 0 : i32
        %dma_wait3A_168 = tpu.memref_slice %arg13[%run_scoped3A_158, %dma_wait3A_167] : memref<1x64xi32, #tpu.memory_space<vmem>> -> memref<1x64xi32, #tpu.memory_space<vmem>>
        %dma_wait3A_169 = tpu.memref_squeeze %dma_wait3A_168 : memref<1x64xi32, #tpu.memory_space<vmem>> -> memref<64xi32, #tpu.memory_space<vmem>>
        %dma_wait3A_170 = arith.constant 0 : i32
        %dma_wait3A_171 = arith.constant 0 : i32
        %dma_wait3A_172 = tpu.memref_slice %arg22[%dma_wait3A_170, %dma_wait3A_171] : memref<11392x128xf32, #tpu.memory_space<vmem_shared>> -> memref<11392x128xf32, #tpu.memory_space<vmem_shared>>
        tpu.wait_indirect_dma semaphore(%run_scoped3A_160 : memref<!tpu.dma_semaphore, #tpu.memory_space<semaphore_mem>>) src(%arg18 : memref<64x128xf32, #tpu.memory_space<vmem>>) dst(%dma_wait3A_172 : memref<11392x128xf32, #tpu.memory_space<vmem_shared>>)
        tpu.yield
      }) : () -> ()
      %run_scoped3A_159 = arith.constant 0 : i32
      "tpu.region"() ({
        %run_scoped3A_160 = tpu.sem_alloc : memref<!tpu.dma_semaphore, #tpu.memory_space<semaphore_mem>>
        %dma_start3A_161 = arith.constant 0 : i32
        %dma_start3A_162 = tpu.memref_slice %arg15[%run_scoped3A_159, %dma_start3A_161] : memref<1x64xi32, #tpu.memory_space<vmem>> -> memref<1x64xi32, #tpu.memory_space<vmem>>
        %dma_start3A_163 = tpu.memref_squeeze %dma_start3A_162 : memref<1x64xi32, #tpu.memory_space<vmem>> -> memref<64xi32, #tpu.memory_space<vmem>>
        %dma_start3A_164 = arith.constant 0 : i32
        %dma_start3A_165 = arith.constant 0 : i32
        %dma_start3A_166 = tpu.memref_slice %arg22[%dma_start3A_164, %dma_start3A_165] : memref<11392x128xf32, #tpu.memory_space<vmem_shared>> -> memref<11392x128xf32, #tpu.memory_space<vmem_shared>>
        tpu.enqueue_indirect_dma source(%arg20 : memref<64x128xf32, #tpu.memory_space<vmem>>) target(%dma_start3A_166 : memref<11392x128xf32, #tpu.memory_space<vmem_shared>>) offsets(%dma_start3A_163 : memref<64xi32, #tpu.memory_space<vmem>>) semaphore(%run_scoped3A_160 : memref<!tpu.dma_semaphore, #tpu.memory_space<semaphore_mem>>) {add = true}
        %dma_wait3A_167 = arith.constant 0 : i32
        %dma_wait3A_168 = tpu.memref_slice %arg15[%run_scoped3A_159, %dma_wait3A_167] : memref<1x64xi32, #tpu.memory_space<vmem>> -> memref<1x64xi32, #tpu.memory_space<vmem>>
        %dma_wait3A_169 = tpu.memref_squeeze %dma_wait3A_168 : memref<1x64xi32, #tpu.memory_space<vmem>> -> memref<64xi32, #tpu.memory_space<vmem>>
        %dma_wait3A_170 = arith.constant 0 : i32
        %dma_wait3A_171 = arith.constant 0 : i32
        %dma_wait3A_172 = tpu.memref_slice %arg22[%dma_wait3A_170, %dma_wait3A_171] : memref<11392x128xf32, #tpu.memory_space<vmem_shared>> -> memref<11392x128xf32, #tpu.memory_space<vmem_shared>>
        tpu.wait_indirect_dma semaphore(%run_scoped3A_160 : memref<!tpu.dma_semaphore, #tpu.memory_space<semaphore_mem>>) src(%arg20 : memref<64x128xf32, #tpu.memory_space<vmem>>) dst(%dma_wait3A_172 : memref<11392x128xf32, #tpu.memory_space<vmem_shared>>)
        tpu.yield
      }) : () -> ()
    }
    %scan3A_93 = arith.constant 81 : i32
    %barrier3A_94 = arith.constant 0 : index
    tpu.barrier barrier_id(%barrier3A_94)
    %scan3A_95 = arith.constant 0 : i32
    %scan3A_96 = arith.constant 0 : i32
    %scan3A_97 = arith.constant 12 : i32
    %scan3A_98 = arith.addi %scan3A_96, %scan3A_97 : i32
    %scan3A_99 = arith.constant 1 : i32
    scf.for %scan3A_101 = %scan3A_96 to %scan3A_98 step %scan3A_99  : i32 {
      %mul3A_102 = arith.constant 16 : i32
      %mul3A_103 = arith.muli %scan3A_101, %mul3A_102 : i32
      %add3A_104 = arith.addi %arg1, %mul3A_103 : i32
      %lt3A = arith.constant 178 : i32
      %lt3A_105 = arith.cmpi slt, %add3A_104, %lt3A : i32
      %convert_element_type3A = arith.extui %lt3A_105 : i1 to i32
      %cond3A = arith.constant 0 : i32
      %cond3A_106 = arith.cmpi ne, %convert_element_type3A, %cond3A : i32
      scf.if %cond3A_106 {
        %mul3A_107 = arith.constant 64 : i32
        %mul3A_108 = arith.muli %add3A_104, %mul3A_107 : i32
        %add3A_109 = arith.constant 0 : i32
        %add3A_110 = arith.addi %mul3A_108, %add3A_109 : i32
        %add3A_111 = vector.broadcast %add3A_110 : i32 to vector<16xi32>
        %add3A_112 = arith.addi %add3A_111, %iota3A : vector<16xi32>
        %swap3A_113 = arith.constant 0 : i32
        %swap3A_114 = arith.index_cast %swap3A_113 : i32 to index
        %swap3A_115 = arith.constant 0 : index
        %swap3A_116 = tpu.vector_load %arg16[%swap3A_114, %swap3A_115] {strides = array<i32>} : memref<1x64xi32, #tpu.memory_space<vmem>>, vector<1x16xi32>,
        %swap3A_117 = vector.shape_cast %swap3A_116 : vector<1x16xi32> to vector<16xi32>
        %swap3A_118 = vector.shape_cast %add3A_112 : vector<16xi32> to vector<1x16xi32>
        tpu.vector_store %arg16[%swap3A_114, %swap3A_115], %swap3A_118 {strides = array<i32>} : memref<1x64xi32, #tpu.memory_space<vmem>>, vector<1x16xi32>,
        %mul3A_119 = arith.constant 64 : i32
        %mul3A_120 = arith.muli %add3A_104, %mul3A_119 : i32
        %add3A_121 = arith.constant 16 : i32
        %add3A_122 = arith.addi %mul3A_120, %add3A_121 : i32
        %add3A_123 = vector.broadcast %add3A_122 : i32 to vector<16xi32>
        %add3A_124 = arith.addi %add3A_123, %iota3A : vector<16xi32>
        %swap3A_125 = arith.constant 0 : i32
        %swap3A_126 = arith.index_cast %swap3A_125 : i32 to index
        %swap3A_127 = arith.constant 16 : index
        %swap3A_128 = tpu.vector_load %arg16[%swap3A_126, %swap3A_127] {strides = array<i32>} : memref<1x64xi32, #tpu.memory_space<vmem>>, vector<1x16xi32>,
        %swap3A_129 = vector.shape_cast %swap3A_128 : vector<1x16xi32> to vector<16xi32>
        %swap3A_130 = vector.shape_cast %add3A_124 : vector<16xi32> to vector<1x16xi32>
        tpu.vector_store %arg16[%swap3A_126, %swap3A_127], %swap3A_130 {strides = array<i32>} : memref<1x64xi32, #tpu.memory_space<vmem>>, vector<1x16xi32>,
        %mul3A_131 = arith.constant 64 : i32
        %mul3A_132 = arith.muli %add3A_104, %mul3A_131 : i32
        %add3A_133 = arith.constant 32 : i32
        %add3A_134 = arith.addi %mul3A_132, %add3A_133 : i32
        %add3A_135 = vector.broadcast %add3A_134 : i32 to vector<16xi32>
        %add3A_136 = arith.addi %add3A_135, %iota3A : vector<16xi32>
        %swap3A_137 = arith.constant 0 : i32
        %swap3A_138 = arith.index_cast %swap3A_137 : i32 to index
        %swap3A_139 = arith.constant 32 : index
        %swap3A_140 = tpu.vector_load %arg16[%swap3A_138, %swap3A_139] {strides = array<i32>} : memref<1x64xi32, #tpu.memory_space<vmem>>, vector<1x16xi32>,
        %swap3A_141 = vector.shape_cast %swap3A_140 : vector<1x16xi32> to vector<16xi32>
        %swap3A_142 = vector.shape_cast %add3A_136 : vector<16xi32> to vector<1x16xi32>
        tpu.vector_store %arg16[%swap3A_138, %swap3A_139], %swap3A_142 {strides = array<i32>} : memref<1x64xi32, #tpu.memory_space<vmem>>, vector<1x16xi32>,
        %mul3A_143 = arith.constant 64 : i32
        %mul3A_144 = arith.muli %add3A_104, %mul3A_143 : i32
        %add3A_145 = arith.constant 48 : i32
        %add3A_146 = arith.addi %mul3A_144, %add3A_145 : i32
        %add3A_147 = vector.broadcast %add3A_146 : i32 to vector<16xi32>
        %add3A_148 = arith.addi %add3A_147, %iota3A : vector<16xi32>
        %swap3A_149 = arith.constant 0 : i32
        %swap3A_150 = arith.index_cast %swap3A_149 : i32 to index
        %swap3A_151 = arith.constant 48 : index
        %swap3A_152 = tpu.vector_load %arg16[%swap3A_150, %swap3A_151] {strides = array<i32>} : memref<1x64xi32, #tpu.memory_space<vmem>>, vector<1x16xi32>,
        %swap3A_153 = vector.shape_cast %swap3A_152 : vector<1x16xi32> to vector<16xi32>
        %swap3A_154 = vector.shape_cast %add3A_148 : vector<16xi32> to vector<1x16xi32>
        tpu.vector_store %arg16[%swap3A_150, %swap3A_151], %swap3A_154 {strides = array<i32>} : memref<1x64xi32, #tpu.memory_space<vmem>>, vector<1x16xi32>,
        %dma_start3A_155 = arith.constant 0 : i32
        %dma_start3A_156 = arith.constant 0 : i32
        %dma_start3A_157 = tpu.memref_slice %arg16[%dma_start3A_155, %dma_start3A_156] : memref<1x64xi32, #tpu.memory_space<vmem>> -> memref<1x64xi32, #tpu.memory_space<vmem>>
        %dma_start3A_158 = tpu.memref_squeeze %dma_start3A_157 : memref<1x64xi32, #tpu.memory_space<vmem>> -> memref<64xi32, #tpu.memory_space<vmem>>
        %dma_start3A_159 = arith.constant 0 : i32
        %dma_start3A_160 = arith.constant 0 : i32
        %dma_start3A_161 = tpu.memref_slice %arg22[%dma_start3A_159, %dma_start3A_160] : memref<11392x128xf32, #tpu.memory_space<vmem_shared>> -> memref<11392x128xf32, #tpu.memory_space<vmem_shared>>
        tpu.enqueue_indirect_dma source(%dma_start3A_161 : memref<11392x128xf32, #tpu.memory_space<vmem_shared>>) target(%arg17 : memref<64x128xf32, #tpu.memory_space<vmem>>) offsets(%dma_start3A_158 : memref<64xi32, #tpu.memory_space<vmem>>) semaphore(%arg25 : memref<!tpu.dma_semaphore, #tpu.memory_space<semaphore_mem>>)
        %dma_wait3A = arith.constant 0 : i32
        %dma_wait3A_162 = arith.constant 0 : i32
        %dma_wait3A_163 = tpu.memref_slice %arg16[%dma_wait3A, %dma_wait3A_162] : memref<1x64xi32, #tpu.memory_space<vmem>> -> memref<1x64xi32, #tpu.memory_space<vmem>>
        %dma_wait3A_164 = tpu.memref_squeeze %dma_wait3A_163 : memref<1x64xi32, #tpu.memory_space<vmem>> -> memref<64xi32, #tpu.memory_space<vmem>>
        %dma_wait3A_165 = arith.constant 0 : i32
        %dma_wait3A_166 = arith.constant 0 : i32
        %dma_wait3A_167 = tpu.memref_slice %arg22[%dma_wait3A_165, %dma_wait3A_166] : memref<11392x128xf32, #tpu.memory_space<vmem_shared>> -> memref<11392x128xf32, #tpu.memory_space<vmem_shared>>
        tpu.wait_indirect_dma semaphore(%arg25 : memref<!tpu.dma_semaphore, #tpu.memory_space<semaphore_mem>>) src(%dma_wait3A_167 : memref<11392x128xf32, #tpu.memory_space<vmem_shared>>) dst(%arg17 : memref<64x128xf32, #tpu.memory_space<vmem>>)
        %mul3A_168 = arith.constant 11392 : i32
        %mul3A_169 = arith.muli %arg0, %mul3A_168 : i32
        %mul3A_170 = arith.constant 64 : i32
        %mul3A_171 = arith.muli %add3A_104, %mul3A_170 : i32
        %add3A_172 = arith.addi %mul3A_169, %mul3A_171 : i32
        "tpu.region"() ({
          %run_scoped3A_173 = tpu.sem_alloc : memref<!tpu.dma_semaphore, #tpu.memory_space<semaphore_mem>>
          %dma_start3A_174 = arith.constant 0 : i32
          %dma_start3A_175 = tpu.memref_slice %arg7[%add3A_172, %dma_start3A_174] : memref<22784x128xf32, #tpu.memory_space<hbm>> -> memref<64x128xf32, #tpu.memory_space<hbm>>
          %dma_start3A_176 = arith.constant 0 : i32
          %dma_start3A_177 = tpu.memref_slice %arg7[%add3A_172, %dma_start3A_176] : memref<22784x128xf32, #tpu.memory_space<hbm>> -> memref<64x128xf32, #tpu.memory_space<hbm>>
          tpu.enqueue_dma source(%arg17 : memref<64x128xf32, #tpu.memory_space<vmem>>) target(%dma_start3A_177 : memref<64x128xf32, #tpu.memory_space<hbm>>) target_semaphore(%run_scoped3A_173 : memref<!tpu.dma_semaphore, #tpu.memory_space<semaphore_mem>>)
          %dma_wait3A_178 = arith.constant 0 : i32
          %dma_wait3A_179 = tpu.memref_slice %arg7[%add3A_172, %dma_wait3A_178] : memref<22784x128xf32, #tpu.memory_space<hbm>> -> memref<64x128xf32, #tpu.memory_space<hbm>>
          %dma_wait3A_180 = arith.constant 0 : i32
          %dma_wait3A_181 = tpu.memref_slice %arg7[%add3A_172, %dma_wait3A_180] : memref<22784x128xf32, #tpu.memory_space<hbm>> -> memref<64x128xf32, #tpu.memory_space<hbm>>
          tpu.wait_dma2 semaphore(%run_scoped3A_173 : memref<!tpu.dma_semaphore, #tpu.memory_space<semaphore_mem>>) src(%arg17 : memref<64x128xf32, #tpu.memory_space<vmem>>) dst(%dma_wait3A_181 : memref<64x128xf32, #tpu.memory_space<hbm>>)
          tpu.yield
        }) : () -> ()
      } else {
      }
    }
    %scan3A_100 = arith.constant 12 : i32
    return
  }
}

module attributes {stable_mosaic.version = 14 : i64} {
  func.func @_pre_body(%arg0: i32, %arg1: memref<632x128xf32, #tpu.memory_space<vmem>>, %arg2: memref<128x128xf32, #tpu.memory_space<vmem>>, %arg3: memref<128x128xf32, #tpu.memory_space<vmem>>, %arg4: memref<1x128xf32, #tpu.memory_space<vmem>>, %arg5: memref<1x128xf32, #tpu.memory_space<vmem>>, %arg6: memref<632x128xf32, #tpu.memory_space<vmem>>, %arg7: memref<632x128xf32, #tpu.memory_space<vmem>>) attributes {dimension_semantics = [#tpu.dimension_semantics<arbitrary>], iteration_bounds = array<i64: 16>, scalar_prefetch = 0 : i64, scratch_operands = 0 : i64, tpu.core_type = #tpu.core_type<tc>, window_params = [{transform_indices = @transform_0, window_bounds = array<i64: 632, 128>}, {pipeline_mode = #tpu.pipeline_mode<synchronous>, transform_indices = @transform_1, window_bounds = array<i64: 128, 128>}, {pipeline_mode = #tpu.pipeline_mode<synchronous>, transform_indices = @transform_2, window_bounds = array<i64: 128, 128>}, {pipeline_mode = #tpu.pipeline_mode<synchronous>, transform_indices = @transform_3, window_bounds = array<i64: 1, 128>}, {pipeline_mode = #tpu.pipeline_mode<synchronous>, transform_indices = @transform_4, window_bounds = array<i64: 1, 128>}, {transform_indices = @transform_5, window_bounds = array<i64: 632, 128>}, {transform_indices = @transform_6, window_bounds = array<i64: 632, 128>}]} {
    %get3A = arith.constant 0 : index
    %get3A_0 = arith.constant 0 : index
    %get3A_1 = vector.load %arg1[%get3A, %get3A_0] : memref<632x128xf32, #tpu.memory_space<vmem>>, vector<632x128xf32>
    %get3A_2 = arith.constant 0 : index
    %get3A_3 = arith.constant 0 : index
    %get3A_4 = vector.load %arg2[%get3A_2, %get3A_3] : memref<128x128xf32, #tpu.memory_space<vmem>>, vector<128x128xf32>
    %dot_general3A = arith.constant dense<0.000000e+00> : vector<632x128xf32>
    %dot_general3A_5 = tpu.matmul %get3A_1, %get3A_4, %dot_general3A {dimension_numbers = #tpu.dot_dimension_numbers<[1], [0], [0], [1], [0, 0, 1, 1], [], []>, transpose_lhs_hint = false} : vector<632x128xf32>, vector<128x128xf32>, vector<632x128xf32> -> vector<632x128xf32>
    %get3A_6 = arith.constant 0 : index
    %get3A_7 = arith.constant 0 : index
    %get3A_8 = vector.load %arg4[%get3A_6, %get3A_7] : memref<1x128xf32, #tpu.memory_space<vmem>>, vector<1x128xf32>
    %add3A = vector.broadcast %get3A_8 : vector<1x128xf32> to vector<632x128xf32>
    %add3A_9 = arith.addf %dot_general3A_5, %add3A : vector<632x128xf32>
    %swap3A = arith.constant 0 : index
    %swap3A_10 = arith.constant 0 : index
    %swap3A_11 = vector.load %arg6[%swap3A, %swap3A_10] : memref<632x128xf32, #tpu.memory_space<vmem>>, vector<632x128xf32>
    tpu.vector_store %arg6[%swap3A, %swap3A_10], %add3A_9 {strides = array<i32>} : memref<632x128xf32, #tpu.memory_space<vmem>>, vector<632x128xf32>,
    %get3A_12 = arith.constant 0 : index
    %get3A_13 = arith.constant 0 : index
    %get3A_14 = vector.load %arg3[%get3A_12, %get3A_13] : memref<128x128xf32, #tpu.memory_space<vmem>>, vector<128x128xf32>
    %dot_general3A_15 = arith.constant dense<0.000000e+00> : vector<632x128xf32>
    %dot_general3A_16 = tpu.matmul %get3A_1, %get3A_14, %dot_general3A_15 {dimension_numbers = #tpu.dot_dimension_numbers<[1], [0], [0], [1], [0, 0, 1, 1], [], []>, transpose_lhs_hint = false} : vector<632x128xf32>, vector<128x128xf32>, vector<632x128xf32> -> vector<632x128xf32>
    %get3A_17 = arith.constant 0 : index
    %get3A_18 = arith.constant 0 : index
    %get3A_19 = vector.load %arg5[%get3A_17, %get3A_18] : memref<1x128xf32, #tpu.memory_space<vmem>>, vector<1x128xf32>
    %add3A_20 = vector.broadcast %get3A_19 : vector<1x128xf32> to vector<632x128xf32>
    %add3A_21 = arith.addf %dot_general3A_16, %add3A_20 : vector<632x128xf32>
    %swap3A_22 = arith.constant 0 : index
    %swap3A_23 = arith.constant 0 : index
    %swap3A_24 = vector.load %arg7[%swap3A_22, %swap3A_23] : memref<632x128xf32, #tpu.memory_space<vmem>>, vector<632x128xf32>
    tpu.vector_store %arg7[%swap3A_22, %swap3A_23], %add3A_21 {strides = array<i32>} : memref<632x128xf32, #tpu.memory_space<vmem>>, vector<632x128xf32>,
    return
  }
  func.func @transform_0(%arg0: i32) -> (i32, i32) {
    %c0_i32 = arith.constant 0 : i32
    %c0_i32_0 = arith.constant 0 : i32
    return %arg0, %c0_i32 : i32, i32
  }
  func.func @transform_1(%arg0: i32) -> (i32, i32) {
    %c0_i32 = arith.constant 0 : i32
    %c0_i32_0 = arith.constant 0 : i32
    %c0_i32_1 = arith.constant 0 : i32
    return %c0_i32, %c0_i32_0 : i32, i32
  }
  func.func @transform_2(%arg0: i32) -> (i32, i32) {
    %c0_i32 = arith.constant 0 : i32
    %c0_i32_0 = arith.constant 0 : i32
    %c0_i32_1 = arith.constant 0 : i32
    return %c0_i32, %c0_i32_0 : i32, i32
  }
  func.func @transform_3(%arg0: i32) -> (i32, i32) {
    %c0_i32 = arith.constant 0 : i32
    %c0_i32_0 = arith.constant 0 : i32
    %c0_i32_1 = arith.constant 0 : i32
    return %c0_i32, %c0_i32_0 : i32, i32
  }
  func.func @transform_4(%arg0: i32) -> (i32, i32) {
    %c0_i32 = arith.constant 0 : i32
    %c0_i32_0 = arith.constant 0 : i32
    %c0_i32_1 = arith.constant 0 : i32
    return %c0_i32, %c0_i32_0 : i32, i32
  }
  func.func @transform_5(%arg0: i32) -> (i32, i32) {
    %c0_i32 = arith.constant 0 : i32
    %c0_i32_0 = arith.constant 0 : i32
    return %arg0, %c0_i32 : i32, i32
  }
  func.func @transform_6(%arg0: i32) -> (i32, i32) {
    %c0_i32 = arith.constant 0 : i32
    %c0_i32_0 = arith.constant 0 : i32
    return %arg0, %c0_i32 : i32, i32
  }
}

module attributes {stable_mosaic.version = 14 : i64} {
  func.func @_post_body(%arg0: i32, %arg1: memref<632x128xf32, #tpu.memory_space<vmem>>, %arg2: memref<632x128xf32, #tpu.memory_space<vmem>>, %arg3: memref<632x16xf32, #tpu.memory_space<vmem>>, %arg4: memref<632x16xf32, #tpu.memory_space<vmem>>, %arg5: memref<1x128xf32, #tpu.memory_space<vmem>>, %arg6: memref<128x128xf32, #tpu.memory_space<vmem>>, %arg7: memref<1x128xf32, #tpu.memory_space<vmem>>, %arg8: memref<128x128xf32, #tpu.memory_space<vmem>>, %arg9: memref<1x128xf32, #tpu.memory_space<vmem>>, %arg10: memref<632x128xf32, #tpu.memory_space<vmem>>, %arg11: memref<632x128xf32, #tpu.memory_space<vmem>>, %arg12: memref<632x128xf32, #tpu.memory_space<vmem>>, %arg13: memref<632x128xf32, #tpu.memory_space<vmem>>) attributes {dimension_semantics = [#tpu.dimension_semantics<arbitrary>], iteration_bounds = array<i64: 16>, scalar_prefetch = 0 : i64, scratch_operands = 0 : i64, tpu.core_type = #tpu.core_type<tc>, window_params = [{transform_indices = @transform_0, window_bounds = array<i64: 632, 128>}, {transform_indices = @transform_1, window_bounds = array<i64: 632, 128>}, {transform_indices = @transform_2, window_bounds = array<i64: 632, 16>}, {transform_indices = @transform_3, window_bounds = array<i64: 632, 16>}, {pipeline_mode = #tpu.pipeline_mode<synchronous>, transform_indices = @transform_4, window_bounds = array<i64: 1, 128>}, {pipeline_mode = #tpu.pipeline_mode<synchronous>, transform_indices = @transform_5, window_bounds = array<i64: 128, 128>}, {pipeline_mode = #tpu.pipeline_mode<synchronous>, transform_indices = @transform_6, window_bounds = array<i64: 1, 128>}, {pipeline_mode = #tpu.pipeline_mode<synchronous>, transform_indices = @transform_7, window_bounds = array<i64: 128, 128>}, {pipeline_mode = #tpu.pipeline_mode<synchronous>, transform_indices = @transform_8, window_bounds = array<i64: 1, 128>}, {transform_indices = @transform_9, window_bounds = array<i64: 632, 128>}, {transform_indices = @transform_10, window_bounds = array<i64: 632, 128>}, {transform_indices = @transform_11, window_bounds = array<i64: 632, 128>}, {transform_indices = @transform_12, window_bounds = array<i64: 632, 128>}]} {
    %get3A = arith.constant 0 : index
    %get3A_0 = arith.constant 0 : index
    %get3A_1 = vector.load %arg1[%get3A, %get3A_0] : memref<632x128xf32, #tpu.memory_space<vmem>>, vector<632x128xf32>
    %get3A_2 = arith.constant 0 : index
    %get3A_3 = arith.constant 0 : index
    %get3A_4 = vector.load %arg2[%get3A_2, %get3A_3] : memref<632x128xf32, #tpu.memory_space<vmem>>, vector<632x128xf32>
    %add3A = arith.addf %get3A_1, %get3A_4 : vector<632x128xf32>
    %get3A_5 = arith.constant 0 : index
    %get3A_6 = arith.constant 0 : index
    %get3A_7 = vector.load %arg3[%get3A_5, %get3A_6] : memref<632x16xf32, #tpu.memory_space<vmem>>, vector<632x16xf32>
    %get3A_8 = arith.constant 0 : index
    %get3A_9 = arith.constant 0 : index
    %get3A_10 = vector.load %arg4[%get3A_8, %get3A_9] : memref<632x16xf32, #tpu.memory_space<vmem>>, vector<632x16xf32>
    %add3A_11 = arith.addf %get3A_7, %get3A_10 : vector<632x16xf32>
    %slice3A = vector.extract_strided_slice %add3A_11 {offsets = [0, 0], sizes = [632, 1], strides = [1, 1]} : vector<632x16xf32> to vector<632x1xf32>
    %add3A_12 = arith.constant 1.000000e-16 : f32
    %add3A_13 = vector.broadcast %add3A_12 : f32 to vector<632x1xf32>
    %add3A_14 = arith.addf %slice3A, %add3A_13 : vector<632x1xf32>
    %div3A = vector.broadcast %add3A_14 : vector<632x1xf32> to vector<632x128xf32>
    %div3A_15 = arith.divf %add3A, %div3A : vector<632x128xf32>
    %get3A_16 = arith.constant 0 : index
    %get3A_17 = arith.constant 0 : index
    %get3A_18 = vector.load %arg5[%get3A_16, %get3A_17] : memref<1x128xf32, #tpu.memory_space<vmem>>, vector<1x128xf32>
    %add3A_19 = vector.broadcast %get3A_18 : vector<1x128xf32> to vector<632x128xf32>
    %add3A_20 = arith.addf %div3A_15, %add3A_19 : vector<632x128xf32>
    %get3A_21 = arith.constant 0 : index
    %get3A_22 = arith.constant 0 : index
    %get3A_23 = vector.load %arg6[%get3A_21, %get3A_22] : memref<128x128xf32, #tpu.memory_space<vmem>>, vector<128x128xf32>
    %dot_general3A = arith.constant dense<0.000000e+00> : vector<632x128xf32>
    %dot_general3A_24 = tpu.matmul %add3A_20, %get3A_23, %dot_general3A {dimension_numbers = #tpu.dot_dimension_numbers<[1], [0], [0], [1], [0, 0, 1, 1], [], []>, transpose_lhs_hint = false} : vector<632x128xf32>, vector<128x128xf32>, vector<632x128xf32> -> vector<632x128xf32>
    %get3A_25 = arith.constant 0 : index
    %get3A_26 = arith.constant 0 : index
    %get3A_27 = vector.load %arg7[%get3A_25, %get3A_26] : memref<1x128xf32, #tpu.memory_space<vmem>>, vector<1x128xf32>
    %add3A_28 = vector.broadcast %get3A_27 : vector<1x128xf32> to vector<632x128xf32>
    %add3A_29 = arith.addf %dot_general3A_24, %add3A_28 : vector<632x128xf32>
    %get3A_30 = arith.constant 0 : index
    %get3A_31 = arith.constant 0 : index
    %get3A_32 = vector.load %arg8[%get3A_30, %get3A_31] : memref<128x128xf32, #tpu.memory_space<vmem>>, vector<128x128xf32>
    %dot_general3A_33 = arith.constant dense<0.000000e+00> : vector<632x128xf32>
    %dot_general3A_34 = tpu.matmul %add3A_20, %get3A_32, %dot_general3A_33 {dimension_numbers = #tpu.dot_dimension_numbers<[1], [0], [0], [1], [0, 0, 1, 1], [], []>, transpose_lhs_hint = false} : vector<632x128xf32>, vector<128x128xf32>, vector<632x128xf32> -> vector<632x128xf32>
    %get3A_35 = arith.constant 0 : index
    %get3A_36 = arith.constant 0 : index
    %get3A_37 = vector.load %arg9[%get3A_35, %get3A_36] : memref<1x128xf32, #tpu.memory_space<vmem>>, vector<1x128xf32>
    %add3A_38 = vector.broadcast %get3A_37 : vector<1x128xf32> to vector<632x128xf32>
    %add3A_39 = arith.addf %dot_general3A_34, %add3A_38 : vector<632x128xf32>
    %exp3A = math.exp %add3A_39 : vector<632x128xf32>
    %add3A_40 = arith.constant 9.99999974E-5 : f32
    %add3A_41 = vector.broadcast %add3A_40 : f32 to vector<632x128xf32>
    %add3A_42 = arith.addf %exp3A, %add3A_41 : vector<632x128xf32>
    %swap3A = arith.constant 0 : index
    %swap3A_43 = arith.constant 0 : index
    %swap3A_44 = vector.load %arg11[%swap3A, %swap3A_43] : memref<632x128xf32, #tpu.memory_space<vmem>>, vector<632x128xf32>
    tpu.vector_store %arg11[%swap3A, %swap3A_43], %add3A_29 {strides = array<i32>} : memref<632x128xf32, #tpu.memory_space<vmem>>, vector<632x128xf32>,
    %swap3A_45 = arith.constant 0 : index
    %swap3A_46 = arith.constant 0 : index
    %swap3A_47 = vector.load %arg12[%swap3A_45, %swap3A_46] : memref<632x128xf32, #tpu.memory_space<vmem>>, vector<632x128xf32>
    tpu.vector_store %arg12[%swap3A_45, %swap3A_46], %add3A_42 {strides = array<i32>} : memref<632x128xf32, #tpu.memory_space<vmem>>, vector<632x128xf32>,
    %sqrt3A = math.sqrt %add3A_42 : vector<632x128xf32>
    %get3A_48 = arith.constant 0 : index
    %get3A_49 = arith.constant 0 : index
    %get3A_50 = vector.load %arg10[%get3A_48, %get3A_49] : memref<632x128xf32, #tpu.memory_space<vmem>>, vector<632x128xf32>
    %mul3A = arith.mulf %sqrt3A, %get3A_50 : vector<632x128xf32>
    %add3A_51 = arith.addf %add3A_29, %mul3A : vector<632x128xf32>
    %swap3A_52 = arith.constant 0 : index
    %swap3A_53 = arith.constant 0 : index
    %swap3A_54 = vector.load %arg13[%swap3A_52, %swap3A_53] : memref<632x128xf32, #tpu.memory_space<vmem>>, vector<632x128xf32>
    tpu.vector_store %arg13[%swap3A_52, %swap3A_53], %add3A_51 {strides = array<i32>} : memref<632x128xf32, #tpu.memory_space<vmem>>, vector<632x128xf32>,
    return
  }
  func.func @transform_0(%arg0: i32) -> (i32, i32) {
    %c0_i32 = arith.constant 0 : i32
    %c0_i32_0 = arith.constant 0 : i32
    return %arg0, %c0_i32 : i32, i32
  }
  func.func @transform_1(%arg0: i32) -> (i32, i32) {
    %c0_i32 = arith.constant 0 : i32
    %c0_i32_0 = arith.constant 0 : i32
    return %arg0, %c0_i32 : i32, i32
  }
  func.func @transform_2(%arg0: i32) -> (i32, i32) {
    %c0_i32 = arith.constant 0 : i32
    %c0_i32_0 = arith.constant 0 : i32
    return %arg0, %c0_i32 : i32, i32
  }
  func.func @transform_3(%arg0: i32) -> (i32, i32) {
    %c0_i32 = arith.constant 0 : i32
    %c0_i32_0 = arith.constant 0 : i32
    return %arg0, %c0_i32 : i32, i32
  }
  func.func @transform_4(%arg0: i32) -> (i32, i32) {
    %c0_i32 = arith.constant 0 : i32
    %c0_i32_0 = arith.constant 0 : i32
    %c0_i32_1 = arith.constant 0 : i32
    return %c0_i32, %c0_i32_0 : i32, i32
  }
  func.func @transform_5(%arg0: i32) -> (i32, i32) {
    %c0_i32 = arith.constant 0 : i32
    %c0_i32_0 = arith.constant 0 : i32
    %c0_i32_1 = arith.constant 0 : i32
    return %c0_i32, %c0_i32_0 : i32, i32
  }
  func.func @transform_6(%arg0: i32) -> (i32, i32) {
    %c0_i32 = arith.constant 0 : i32
    %c0_i32_0 = arith.constant 0 : i32
    %c0_i32_1 = arith.constant 0 : i32
    return %c0_i32, %c0_i32_0 : i32, i32
  }
  func.func @transform_7(%arg0: i32) -> (i32, i32) {
    %c0_i32 = arith.constant 0 : i32
    %c0_i32_0 = arith.constant 0 : i32
    %c0_i32_1 = arith.constant 0 : i32
    return %c0_i32, %c0_i32_0 : i32, i32
  }
  func.func @transform_8(%arg0: i32) -> (i32, i32) {
    %c0_i32 = arith.constant 0 : i32
    %c0_i32_0 = arith.constant 0 : i32
    %c0_i32_1 = arith.constant 0 : i32
    return %c0_i32, %c0_i32_0 : i32, i32
  }
  func.func @transform_9(%arg0: i32) -> (i32, i32) {
    %c0_i32 = arith.constant 0 : i32
    %c0_i32_0 = arith.constant 0 : i32
    return %arg0, %c0_i32 : i32, i32
  }
  func.func @transform_10(%arg0: i32) -> (i32, i32) {
    %c0_i32 = arith.constant 0 : i32
    %c0_i32_0 = arith.constant 0 : i32
    return %arg0, %c0_i32 : i32, i32
  }
  func.func @transform_11(%arg0: i32) -> (i32, i32) {
    %c0_i32 = arith.constant 0 : i32
    %c0_i32_0 = arith.constant 0 : i32
    return %arg0, %c0_i32 : i32, i32
  }
  func.func @transform_12(%arg0: i32) -> (i32, i32) {
    %c0_i32 = arith.constant 0 : i32
    %c0_i32_0 = arith.constant 0 : i32
    return %arg0, %c0_i32 : i32, i32
  }
}

</mosaic_0001>

<sc_bundles>
// kernel: kernel.5.cloned.1.call-start
scs
__scs_entry_jumppad:
0x0: {  	(pc) =	sbr.rel $0x88, $3  }
0x1: {  	(tag) =	ssettag $0x0;
	lr =	simm.s32 $0x1  }
0x2: {  	[smem:$0x3F95] =	sst lr;
	_ =	strace $0xD0000000  }
0x3: {  	_ = 	snop  }
0x4: {  	_ = 	snop  }
0x5: {  	_ = 	snop  }
0x6: {  	_ = 	snop  }
0x7: {  	_ = 	snop  }
__scs_overlays_trampoline_lowered:
0x8: {  	[smem:$0x3FA4] =	sst s0  }
0x9: {  	[smem:$0x3FA5] =	sst s1  }
0xa: {  	[smem:$0x3FA6] =	sst s2  }
0xb: {  	[smem:$0x3FA7] =	sst s3  }
0xc: {  	[smem:$0x3FA8] =	sst s4  }
0xd: {  	[smem:$0x3FA9] =	sst s5  }
0xe: {  	[smem:$0x3FAA] =	sst s6  }
0xf: {  	[smem:$0x3FAB] =	sst s7  }
0x10: {  	[smem:$0x3FAC] =	sst s8  }
0x11: {  	[smem:$0x3FAD] =	sst s9;
	s0 =	simm.s32 @!p0 $0x0  }
0x12: {  	s1 =	sld [smem:$0x3F93];
	s0 =	simm.s32 @p0 $0x1  }
0x13: {  	[smem:$0x3FAE] =	sst s0;
	s0 =	simm.s32 @!p1 $0x0  }
0x14: {  	s2 =	sld [smem:$0x3F92];
	s0 =	simm.s32 @p1 $0x1  }
0x15: {  	[smem:$0x3FAF] =	sst s0;
	s0 =	simm.s32 @!p2 $0x0  }
0x16: {  	s3 =	sld [smem:$0x3FDB];
	s0 =	simm.s32 @p2 $0x1  }
0x17: {  	s4 =	simm.s32 $0x1BF5;
	[smem:$0x3FB1] =	sst s0  }
0x18: {  	s0 =	sld [smem:$0x3F94];
	_ =	swait.ge [sflag:s4], $0x0  }
0x19: {  	s7 =	sld [smem:$0x3F95]  }
0x1a: {  	s8 =	sadd.s32 $0xFFFFE003, lr  }
0x1b: {  	s9 =	sadd.s32 $0xFFFFFEF7, lr;
	s5 =	simm.s32 $0xFFFFFFFF;
	p2 =	slt.u32 s8, $0xFFFFF086  }
0x1c: {  	p1 =	slt.u32 s9, $0xF7A;
	s5 =	simm.s32 @!p2 $0x0  }
0x1d: {  	s5 =	simm.s32 @p1 $0x1;
	p0 =	seq.s32 s7, s2  }
0x1e: {  	s7 =	smul.u32 @!p0 $0xF7A, s2;
	p2 =	seq.s32 @!p0 s5, $0x0  }
0x1f: {  	s9 =	smul.u32 $0xF7A, s1;
	s8 =	simm.s32 @!p0 $0x1BF5;
	p2 =	por !p2, p0  }
0x20: {  	[sflag:s8] =	ssyncset.s32 @!p0 $0xFFFFF086;
	s6 =	sadd.s32 @!p0 s3, s7;
	s7 =	simm.s32 @!p0 $0x108  }
0x21: {  	s3 =	sadd.s32 s3, s9;
	s6 =	sadd.s32 @!p0 $0x88, s6;
	s7 =	simm.s32 @p2 $0x1082  }
0x22: {  	[simem:s7], [sflag:s8] =	dma.local @!p0 [hbm:s6], $0xF7A  }
0x23: {  	s9 =	sor.u32 $0xD0000000, s2;
	s6 =	simm.s32 $0x108;
	_ =	swait.ge @!p0 [sflag:s8], $0x0  }
0x24: {  	s3 =	sadd.s32 $0x88, s3;
	s6 =	simm.s32 @!p1 $0x1082;
	[sflag:s4] =	ssyncset.s32 $0xFFFFF086  }
0x25: {  	[simem:s6], [sflag:s4] =	dma.local [hbm:s3], $0xF7A  }
0x26: {  	[smem:$0x3F95] =	sst s1;
	(tag) =	ssettag s2;
	_ =	strace s9  }
0x27: {  	s1 =	sld [smem:$0x3FA5]  }
0x28: {  	s2 =	sld [smem:$0x3FA6]  }
0x29: {  	s4 =	sld [smem:$0x3FA8]  }
0x2a: {  	p0 =	seq.s32 s5, $0x0;
	s5 =	sld [smem:$0x3FA9]  }
0x2b: {  	s6 =	sld [smem:$0x3FAA]  }
0x2c: {  	s7 =	sld [smem:$0x3FAB]  }
0x2d: {  	s3 =	simm.s32 $0x108;
	s8 =	sld [smem:$0x3FAC]  }
0x2e: {  	s3 =	simm.s32 @!p0 $0x1082;
	s9 =	sld [smem:$0x3FAD]  }
0x2f: {  	lr =	sadd.s32 s0, s3;
	s0 =	sld [smem:$0x3FA4]  }
0x30: {  	s3 =	sld [smem:$0x3FA7]  }
0x31: {  	[smem:$0x3FB0] =	sst s10  }
0x32: {  	s10 =	sld [smem:$0x3FAE];
	_ =	sdelay $0x3  }
0x33: {  	p0 =	seq.s32 s10, $0x1;
	s10 =	sld [smem:$0x3FB0];
	_ =	sdelay $0x3  }
0x34: {  	[smem:$0x3FB0] =	sst s10  }
0x35: {  	s10 =	sld [smem:$0x3FAF];
	_ =	sdelay $0x3  }
0x36: {  	p1 =	seq.s32 s10, $0x1;
	s10 =	sld [smem:$0x3FB0];
	_ =	sdelay $0x3  }
0x37: {  	[smem:$0x3FB0] =	sst s10  }
0x38: {  	s10 =	sld [smem:$0x3FB1]  }
0x39: {  	_ = 	snop;
	(pc) =	sbr.ind lr, $3  }
0x3a: {  	_ = 	snop  }
0x3b: {  	_ = 	snop  }
0x3c: {  	p2 =	seq.s32 s10, $0x1;
	s10 =	sld [smem:$0x3FB0]  }
0x3d: {  	_ =	shalt  }
0x3e: {  	_ =	shalt  }
0x3f: {  	_ =	shalt  }
0x40: {  	_ =	shalt  }
0x41: {  	_ =	shalt  }
0x42: {  	_ =	shalt  }
0x43: {  	_ =	shalt  }
0x44: {  	_ =	shalt  }
0x45: {  	_ =	shalt  }
0x46: {  	_ =	shalt  }
0x47: {  	_ =	shalt  }
0x48: {  	_ =	shalt  }
0x49: {  	_ =	shalt  }
0x4a: {  	_ =	shalt  }
0x4b: {  	_ =	shalt  }
0x4c: {  	_ =	shalt  }
0x4d: {  	_ =	shalt  }
0x4e: {  	_ =	shalt  }
0x4f: {  	_ =	shalt  }
0x50: {  	_ =	shalt  }
0x51: {  	_ =	shalt  }
0x52: {  	_ =	shalt  }
0x53: {  	_ =	shalt  }
0x54: {  	_ =	shalt  }
0x55: {  	_ =	shalt  }
0x56: {  	_ =	shalt  }
0x57: {  	_ =	shalt  }
0x58: {  	_ =	shalt  }
0x59: {  	_ =	shalt  }
0x5a: {  	_ =	shalt  }
0x5b: {  	_ =	shalt  }
0x5c: {  	_ =	shalt  }
0x5d: {  	_ =	shalt  }
0x5e: {  	_ =	shalt  }
0x5f: {  	_ =	shalt  }
0x60: {  	_ =	shalt  }
0x61: {  	_ =	shalt  }
0x62: {  	_ =	shalt  }
0x63: {  	_ =	shalt  }
0x64: {  	_ =	shalt  }
0x65: {  	_ =	shalt  }
0x66: {  	_ =	shalt  }
0x67: {  	_ =	shalt  }
0x68: {  	_ =	shalt  }
0x69: {  	_ =	shalt  }
0x6a: {  	_ =	shalt  }
0x6b: {  	_ =	shalt  }
0x6c: {  	_ =	shalt  }
0x6d: {  	_ =	shalt  }
0x6e: {  	_ =	shalt  }
0x6f: {  	_ =	shalt  }
0x70: {  	_ =	shalt  }
0x71: {  	_ =	shalt  }
0x72: {  	_ =	shalt  }
0x73: {  	_ =	shalt  }
0x74: {  	_ =	shalt  }
0x75: {  	_ =	shalt  }
0x76: {  	_ =	shalt  }
0x77: {  	_ =	shalt  }
0x78: {  	_ =	shalt  }
0x79: {  	_ =	shalt  }
0x7a: {  	_ =	shalt  }
0x7b: {  	_ =	shalt  }
0x7c: {  	_ =	shalt  }
0x7d: {  	_ =	shalt  }
0x7e: {  	_ =	shalt  }
0x7f: {  	_ =	shalt  }
0x80: {  	_ =	shalt  }
0x81: {  	_ =	shalt  }
0x82: {  	_ =	shalt  }
0x83: {  	_ =	shalt  }
0x84: {  	_ =	shalt  }
0x85: {  	_ =	shalt  }
0x86: {  	_ =	shalt  }
0x87: {  	_ =	shalt  }
.Lfunc_end0:
.L_simem_size_0:
called_computation_lowered:
.L_overlay_start_0:
0x88: {  	s2 =	sld [smem:$0x3FD9]  }
0x89: {  	s3 =	sld [smem:$0x3FFE];
	_ =	sdelay $0x1  }
0x8a: {  	s1 =	srdreg.scid  }
0x8b: {  	s0 =	sand.u32 $0x1, s1  }
0x8c: {  	s14 =	sshll.u32 s0, $0xA;
	s2 =	sadd.s32 s3, s2  }
0x8d: {  	s2 =	sadd.s32 s2, s14  }
0x8e: {  	[smem:$0x3FBC] =	sst s2  }
0x8f: {  	_ = 	snop  }
0x90: {  	s2 =	sld [smem:$0x3FD0];
	_ =	sdelay $0x2  }
0x91: {  	s4 =	simm.s32 $0xA;
	s5 =	simm.s32 $0x10;
	s15 =	sld [smem:$0x3FC3]  }
0x92: {  	[smem:s5], [sflag:s4] =	dma.local [hbm:s2], $0x1  }
0x93: {  	_ =	swait.eq [sflag:s4], $0x1  }
0x94: {  	[sflag:s4] =	ssyncset.done $0x0  }
0x95: {  	s16 =	sld [smem:$0x11];
	[sflag:s4] =	ssyncadd.s32 $0xFFFFFFFF  }
0x96: {  	s17 =	sld [smem:$0x12];
	(tm) =	ssettm $0x1  }
0x97: {  	s18 =	sld [smem:$0x3FFB];
	_ =	sdelay $0x3  }
0x98: {  	_ =	strace s18  }
0x99: {  	s5 =	sld [smem:$0x3FFC];
	_ =	sdelay $0x3  }
0x9a: {  	_ =	strace s5  }
0x9b: {  	s5 =	sld [smem:$0x3FFD];
	_ =	sdelay $0x3  }
0x9c: {  	_ =	strace s5  }
0x9d: {  	_ =	strace $0x8FFFFFFF  }
0x9e: {  	s19 =	sld [smem:$0x3FDB];
	_ =	sdelay $0x1  }
0x9f: {  	s6 =	simm.s32 $_scs_section_size  }
0xa0: {  	s7 =	simm.s32 $_size__tile_overlayer_lowered;
	s8 =	simm.s32 $_tile_overlayer_lowered  }
0xa1: {  	s22 =	simm.s32 $0x1BFF;
	s21 =	sshll.u32 s8, $0x1;
	s5 =	sadd.s32 s6, s19  }
0xa2: {  	s9 =	simm.s32 $0x0;
	s20 =	sshll.u32 s7, $0x1;
	s7 =	sadd.s32 s21, s5  }
0xa3: {  	[timem:s9], [sflag:s22] =	dma.local [hbm:s7], s20  }
0xa4: {  	_ =	swait.ge [sflag:s22], s20  }
0xa5: {  	s6 =	ssub.s32 $0x0, s20;
	[sflag:s22] =	ssyncset.done $0x0  }
0xa6: {  	[sflag:s22] =	ssyncadd.s32 s6;
	_ =	sdelay $0x1  }
0xa7: {  	s23 =	simm.s32 $0x1B8B  }
0xa8: {  	_ =	swait.ge [sflag:s23], $0x1  }
0xa9: {  	[sflag:s23] =	ssyncset.done $0x0  }
0xaa: {  	s25 =	simm.s32 $0x1B8E;
	s24 =	sld [smem:$0x3FFE];
	[sflag:s23] =	ssyncadd.s32 $0xFFFFFFFF  }
0xab: {  	s26 =	simm.s32 $execute0_lowered;
	[smem:$0x3FD2] =	sst s25  }
0xac: {  	s7 =	sshll.u32 s26, $0x1;
	_ =	strace $0x80000046;
	[dreg:$0x1] =	wrdreg $0xFFFFFFFF  }
0xad: {  	s28 =	simm.s32 $_size_execute0_lowered;
	s5 =	sadd.s32 s5, s7;
	[dreg:$0x0] =	wrdreg $0x0  }
0xae: {  	s7 =	sshll.u32 s28, $0x1;
	[dreg:$0x2] =	wrdreg s5  }
0xaf: {  	[dreg:$0x3] =	wrdreg s7  }
0xb0: {  	[dreg:$0x4] =	wrdreg $0xC0  }
0xb1: {  	_ =	task [dreg:s9], $0x5FFFF  }
0xb2: {  	[dreg:$0x1] =	wrdreg $0xFFFFFFFF  }
0xb3: {  	[dreg:$0x0] =	wrdreg $0x60  }
0xb4: {  	[dreg:$0x2] =	wrdreg s24  }
0xb5: {  	[dreg:$0x3] =	wrdreg s17  }
0xb6: {  	[dreg:$0x4] =	wrdreg s16  }
0xb7: {  	[dreg:$0x5] =	wrdreg s15  }
0xb8: {  	[dreg:$0x6] =	wrdreg $0x85000  }
0xb9: {  	[dreg:$0x7] =	wrdreg $0x9  }
0xba: {  	_ =	task.clear_ibuf [dreg:s9], $0x8FFFF;
	_ =	strace $0x90000046  }
0xbb: {  	s29 =	simm.s32 $0x9;
	_ =	strace $0x80000048  }
0xbc: {  	_ =	swait.ge [sflag:s29], $0x1  }
0xbd: {  	[sflag:s29] =	ssyncadd.s32 $0xFFFFFFFF  }
0xbe: {  	_ =	strace $0x90000048  }
0xbf: {  	_ =	sfence  }
0xc0: {  	s30 =	sld [smem:$0x0];
	_ =	sdelay $0x2  }
0xc1: {  	s31 =	sshll.u32 s1, $0xD;
	s1 =	sshrl.u32 s1, $0x2  }
0xc2: {  	s3 =	sand.u32 $0x4000, s31;
	s1 =	sadd.s32 s1, s30  }
0xc3: {  	s0 =	sor.u32 s3, s0;
	s1 =	sshll.u32 s1, $0x11  }
0xc4: {  	s0 =	sor.u32 s1, s0  }
0xc5: {  	s0 =	sadd.s32 $0x8F2B, s0  }
0xc6: {  	[sflag:s0] =	ssyncadd.remote.s32 $0x1  }
0xc7: {  	_ =	sfence.sel $0xFFFF  }
0xc8: {  	[dreg:$0x0] =	wrdreg $0xFFFFFFFF;
	(pc) =	sbr.abs _section_cstart, $3  }
0xc9: {  	[dreg:$0x1] =	wrdreg $0xFFFFFFFF  }
0xca: {  	_ =	task.clear_ibuf [dreg:s9], $0x2FFFF;
	_ =	strace $0x9FFFFFFF  }
0xcb: {  	(tm) =	ssettm $0x7FFFFFFF  }
tec
execute0_lowered:
.L_overlay_start_1:
0x0: {  	(tag) =	ssettag $0x1  }
0x1: {  	s0 =	rddreg [dreg:$0x0]  }
0x2: {  	s1 =	rddreg [dreg:$0x1]  }
0x3: {  	s2 =	rddreg [dreg:$0x2]  }
0x4: {  	s4 =	rddreg [dreg:$0x4];
	s3 =	srdreg.scid  }
0x5: {  	s13 =	simm.s32 $0x0;
	s5 =	stileid.u32;
	s18 =	simm.s32 $0x4  }
0x6: {  	s20 =	simm.s32 $0x200;
	s21 =	simm.s32 $0x300;
	s28 =	simm.s32 $0x280  }
0x7: {  	s29 =	simm.s32 $0x380;
	s30 =	simm.s32 $0x2480;
	s31 =	simm.s32 $0x6480  }
0x8: {  	v0 =	vimm.s32 $0xFEDCBA98;
	s3 =	sand.u32 $0x1, s3;
	[smem:$0x7FF] =	sst s13;
	s7 =	sadd.s32 $0x2000, s0  }
0x9: {  	v1 =	vimm.s32 $0x76543210;
	v2 =	vimm.s32 $0xBA98FEDC;
	s8 =	sadd.s32 $0x29800, s0;
	s24 =	sshll.u32 s5, $0xA;
	s12 =	sshll.u32 s5, $0x6  }
0xa: {  	v3 =	vimm.s32 $0x32107654;
	s6 =	sshll.u32 s3, $0x4;
	s9 =	smul.u32 $0x2C800, s3;
	_ =	strace $0x80000047  }
0xb: {  	v4 =	vimm.s32 $0xDCFE98BA;
	v5 =	vimm.s32 $0x54761032;
	v6 =	vimm.s32 $0xEFCDAB89;
	s3 =	ssub.s32 $0x2, s3;
	s26 =	sor.u32 $0x30, s12;
	s6 =	sor.u32 s5, s6  }
0xc: {  	v7 =	vimm.s32 $0x67452301;
	v0 =	vunpack.c.l.s4.s8 v0;
	v1 =	vunpack.c.l.s4.s8 v1;
	s22 =	sshrl.u32 s3, $0x1;
	[dreg:$0xb] =	wrdreg s26;
	s26 =	simm.s32 $0x180  }
0xd: {  	v2 =	vunpack.c.l.s4.s8 v2;
	v3 =	vunpack.c.l.s4.s8 v3;
	v4 =	vunpack.c.l.s4.s8 v4;
	s6 =	smul.u32 $0x2880, s6;
	s0 =	sadd.s32 s9, s0;
	s3 =	ssub.s32 s3, s22  }
0xe: {  	v5 =	vunpack.c.l.s4.s8 v5;
	v6 =	vunpack.c.l.s4.s8 v6;
	v7 =	vunpack.c.l.s4.s8 v7;
	s22 =	simm.s32 $0x40;
	s0 =	sadd.s32 s24, s0;
	s25 =	smax.u32 s3, $0x1  }
0xf: {  	v0 =	vunpack.c.0.s8.s32 v0;
	v1 =	vunpack.c.0.s8.s32 v1;
	v2 =	vunpack.c.0.s8.s32 v2;
	s24 =	simm.s32 $0x4480;
	s3 =	simm.s32 $0x2;
	s10 =	sshrl.u32 s6, $0x3  }
0x10: {  	v3 =	vunpack.c.0.s8.s32 v3;
	v4 =	vunpack.c.0.s8.s32 v4;
	v5 =	vunpack.c.0.s8.s32 v5;
	s11 =	sor.u32 $0x40, s6;
	s0 =	sadd.s32 $0x51000, s0;
	[dreg:$0xa] =	wrdreg s25  }
0x11: {  	v6 =	vunpack.c.0.s8.s32 v6;
	v7 =	vunpack.c.0.s8.s32 v7;
	v0 =	vand.u32 $0xF, v0;
	s15 =	sadd.s32 $0x80, s6;
	s23 =	sadd.s32 s1, s10;
	[dreg:$0x9] =	wrdreg s0  }
0x12: {  	s25 =	simm.s32 $0x80;
	v0 =	vcombine.low v0, v1;
	v1 =	vcombine.low v3, v2;
	s10 =	sadd.s32 s2, s10;
	[dreg:$0x7] =	wrdreg s23  }
0x13: {  	v2 =	vcombine.low v5, v4;
	v3 =	vimm.f32 $0.0e+00;
	v4 =	vcombine.low v7, v6;
	s0 =	simm.s32 $0x1;
	[dreg:$0x8] =	wrdreg s10;
	s23 =	simm.s32 $0x480  }
.LBB2_1:
0x14: {  	[dreg:$0x6] =	wrdreg s13;
	s9 =	simm.s32 $0x0;
	s6 =	simm.s32 $0x200  }
.LBB2_2:
0x15: {  	p0 =	sne.s32 s6, $0x7E00;
	[tilespmem:s9+$0x4F0] =	vst v3  }
0x16: {  	[tilespmem:s9+$0x480] =	vst v3  }
0x17: {  	[tilespmem:s9+$0x490] =	vst v3  }
.Ltmp0:
0x18: {  	[tilespmem:s9+$0x4A0] =	vst v3;
	(pc) =	sbr.rel @p0 .LBB2_2-.Ltmp0, $4  }
0x19: {  	[tilespmem:s9+$0x4B0] =	vst v3  }
0x1a: {  	[tilespmem:s9+$0x4C0] =	vst v3  }
0x1b: {  	[tilespmem:s9+$0x4D0] =	vst v3  }
0x1c: {  	[tilespmem:s9+$0x4E0] =	vst v3;
	s9 =	sshra.s32 s6, $0x2;
	s6 =	sadd.s32 $0x200, s6  }
0x1d: {  	[tilespmem:s9+$0x4F0] =	vst v3  }
0x1e: {  	[tilespmem:s9+$0x480] =	vst v3  }
0x1f: {  	[tilespmem:s9+$0x490] =	vst v3  }
0x20: {  	[tilespmem:s9+$0x4A0] =	vst v3  }
0x21: {  	[tilespmem:s9+$0x4B0] =	vst v3;
	s6 =	sadd.s32 $0x0, s5  }
0x22: {  	[tilespmem:s9+$0x4C0] =	vst v3;
	s10 =	rddreg [dreg:$0xb];
	p1 =	sgt.u32 s6, $0xB1  }
0x23: {  	[tilespmem:s9+$0x4D0] =	vst v3;
	s6 =	sadd.s32 @!p1 $0xFFFFFFD0, s10;
	v5 =	vlaneseq.u32 @!p1  }
0x24: {  	[tilespmem:s9+$0x4E0] =	vst v3;
	v6 =	vor.u32 @!p1 s6, v5  }
0x25: {  	p0 =	por p1, p1;
	s6 =	sadd.s32 @!p1 $0xFFFFFFF0, s10;
	v7 =	vor.u32 @!p1 s10, v5;
	[tilespmem:$0x400] =	vst @!p1 v6  }
0x26: {  	s13 =	sadd.s32 $0x10, s5;
	v6 =	vor.u32 @!p1 s6, v5;
	s6 =	sadd.s32 @!p1 $0xFFFFFFE0, s10;
	[tilespmem:$0x430] =	vst @!p0 v7  }
0x27: {  	s14 =	simm.s32 $0x20;
	s9 =	simm.s32 @!p1 $0x4;
	s16 =	simm.s32 @!p0 $0x400;
	[tilespmem:$0x420] =	vst @!p0 v6;
	v5 =	vor.u32 @!p1 s6, v5  }
0x28: {  	s17 =	simm.s32 @!p0 $0x480;
	s10 =	sadd.s32 $0x400, s10;
	s6 =	simm.s32 @!p0 $0x40;
	[tilespmem:$0x410] =	vst @!p0 v5  }
.LBB2_4:
0x29: {  	[spmem:s4] =	stream.indirect.scatter @!p0 [tilespmem:s17], [sflag:$0x4], $0x80, s16, s6, $0xb8;
	[tilespmem:$0x1E900] =	vst v63  }
0x2a: {  	p1 =	sgt.u32 s13, $0xB1  }
0x2b: {  	s13 =	sadd.s32 s14, s5;
	s14 =	sadd.s32 $0x10, s14;
	_ =	swait.ge @!p0 [sflag:s9], $0x2000  }
0x2c: {  	s6 =	sadd.s32 @!p1 $0xFFFFFFD0, s10;
	v5 =	vlaneseq.u32 @!p1;
	s16 =	sadd.s32 @!p1 $0xFFFFFFE0, s10;
	[sflag:s9] =	ssyncset.done @!p0 $0x0  }
0x2d: {  	v6 =	vor.u32 @!p1 s6, v5;
	v7 =	vor.u32 @!p1 s16, v5;
	s6 =	sadd.s32 @!p1 $0xFFFFFFF0, s10;
	[sflag:s9] =	ssyncadd.s32 @!p0 $0xFFFFE000;
	s9 =	simm.s32 @!p1 $0x4  }
0x2e: {  	p0 =	por p1, p1;
	[tilespmem:$0x400] =	vst @!p1 v6;
	v6 =	vor.u32 @!p1 s6, v5;
	v5 =	vor.u32 @!p1 s10, v5;
	p1 =	sne.s32 s14, $0xC0  }
.Ltmp1:
0x2f: {  	_ = 	snop;
	(pc) =	sbr.rel @p1 .LBB2_4-.Ltmp1, $4  }
0x30: {  	_ = 	snop  }
0x31: {  	[tilespmem:$0x420] =	vst @!p0 v6  }
0x32: {  	s10 =	sadd.s32 $0x400, s10;
	[tilespmem:$0x430] =	vst @!p0 v5  }
0x33: {  	s6 =	simm.s32 @!p0 $0x40;
	s16 =	simm.s32 @!p0 $0x400;
	s17 =	simm.s32 @!p0 $0x480;
	[tilespmem:$0x410] =	vst @!p0 v7  }
0x34: {  	[spmem:s4] =	stream.indirect.scatter @!p0 [tilespmem:s17], [sflag:$0x4], $0x80, s16, s6, $0xb8;
	[tilespmem:$0x1E900] =	vst v63  }
0x35: {  	p1 =	sgt.u32 s13, $0xB1;
	_ =	swait.ge @!p0 [sflag:s9], $0x2000  }
0x36: {  	s6 =	sadd.s32 @!p1 $0xFFFFFFD0, s10;
	v5 =	vlaneseq.u32 @!p1;
	[sflag:s9] =	ssyncset.done @!p0 $0x0  }
0x37: {  	v6 =	vor.u32 @!p1 s6, v5;
	[sflag:s9] =	ssyncadd.s32 @!p0 $0xFFFFE000  }
0x38: {  	s6 =	sadd.s32 @!p1 $0xFFFFFFF0, s10;
	v7 =	vor.u32 @!p1 s10, v5;
	p0 =	por p1, p1;
	[tilespmem:$0x400] =	vst @!p1 v6  }
0x39: {  	v6 =	vor.u32 @!p1 s6, v5;
	s6 =	sadd.s32 @!p1 $0xFFFFFFE0, s10;
	[tilespmem:$0x430] =	vst @!p0 v7  }
0x3a: {  	s9 =	simm.s32 @!p0 $0x40;
	[tilespmem:$0x420] =	vst @!p0 v6;
	v5 =	vor.u32 @!p1 s6, v5  }
0x3b: {  	s10 =	simm.s32 @!p0 $0x400;
	s13 =	simm.s32 @!p0 $0x480;
	s6 =	simm.s32 @!p1 $0x4;
	[tilespmem:$0x410] =	vst @!p0 v5  }
0x3c: {  	[spmem:s4] =	stream.indirect.scatter @!p0 [tilespmem:s13], [sflag:$0x4], $0x80, s10, s9, $0xb8;
	[tilespmem:$0x1E900] =	vst v63  }
0x3d: {  	_ =	swait.ge @!p0 [sflag:s6], $0x2000  }
0x3e: {  	[sflag:s6] =	ssyncset.done @!p0 $0x0  }
0x3f: {  	[sflag:s6] =	ssyncadd.s32 @!p0 $0xFFFFE000  }
0x40: {  	s14 =	simm.s32 $0x0;
	s13 =	simm.s32 $0x8480;
	s6 =	rddreg [dreg:$0x3]  }
0x41: {  	[tilespmem:s13], [sflag:$0x4] =	stream.linear.gather [hbm4b:s6+s14], $0x80, $0x38;
	[tilespmem:$0x1E900] =	vst v63  }
0x42: {  	_ =	swait.ge [sflag:s18], $0x80  }
0x43: {  	[sflag:s18] =	ssyncset.done $0x0  }
0x44: {  	[sflag:s18] =	ssyncadd.s32 $0xFFFFFF80  }
0x45: {  	[bflag:$0x0] =	sbarrier.arrive $0xFFFF  }
0x46: {  	s16 =	rddreg [dreg:$0x7]  }
0x47: {  	[tilespmem:s14], [sflag:$0x4] =	stream.linear.gather [hbm4b:s16+s14], $0x40, $0x38;
	[tilespmem:$0x1E900] =	vst v63  }
0x48: {  	_ =	swait.ge [sflag:s18], $0x40  }
0x49: {  	[sflag:s18] =	ssyncset.done $0x0  }
0x4a: {  	s19 =	simm.s32 $0x100;
	s17 =	rddreg [dreg:$0x8];
	[sflag:s18] =	ssyncadd.s32 $0xFFFFFFC0  }
0x4b: {  	[tilespmem:s19], [sflag:$0x4] =	stream.linear.gather [hbm4b:s17+s14], $0x40, $0x38;
	[tilespmem:$0x1E900] =	vst v63  }
0x4c: {  	_ =	swait.ge [sflag:s18], $0x40  }
0x4d: {  	[sflag:s18] =	ssyncset.done $0x0  }
0x4e: {  	[sflag:s18] =	ssyncadd.s32 $0xFFFFFFC0  }
0x4f: {  	[tilespmem:s20], [sflag:$0x4] =	stream.linear.gather [hbm4b:s17+s14], $0x40, $0x38;
	[tilespmem:$0x1E900] =	vst v63  }
0x50: {  	_ =	swait.ge [sflag:s18], $0x40  }
0x51: {  	[sflag:s18] =	ssyncset.done $0x0  }
0x52: {  	[sflag:s18] =	ssyncadd.s32 $0xFFFFFFC0  }
0x53: {  	[tilespmem:s21], [sflag:$0x4] =	stream.linear.gather [hbm4b:s17+s14], $0x40, $0x38;
	[tilespmem:$0x1E900] =	vst v63  }
0x54: {  	_ =	swait.ge [sflag:s18], $0x40  }
0x55: {  	[sflag:s18] =	ssyncset.done $0x0  }
0x56: {  	[sflag:s18] =	ssyncadd.s32 $0xFFFFFFC0  }
0x57: {  	v5 =	vld [tilespmem:$0x300]  }
0x58: {  	v6 =	vld [tilespmem:$0x310]  }
0x59: {  	v7 =	vld [tilespmem:$0x320]  }
0x5a: {  	v8 =	vld [tilespmem:$0x330];
	_ =	sdelay $0x1  }
0x5b: {  	v5 =	vshrl.u32 v5, $0x3  }
0x5c: {  	v6 =	vshrl.u32 v6, $0x3;
	v5 =	vadd.s32 $0x2780, v5  }
0x5d: {  	[tilespmem:$0x300] =	vst v5;
	v5 =	vadd.s32 $0x2780, v6;
	v6 =	vshrl.u32 v7, $0x3  }
0x5e: {  	[tilespmem:$0x310] =	vst v5;
	v5 =	vadd.s32 $0x2780, v6;
	v6 =	vshrl.u32 v8, $0x3  }
0x5f: {  	[tilespmem:$0x320] =	vst v5;
	v5 =	vadd.s32 $0x2780, v6  }
0x60: {  	[tilespmem:$0x330] =	vst v5  }
0x61: {  	[tilespmem:s23], [sflag:$0x1] =	stream.indirect.gather [hbm4b:s7+s22], $0x80, s14, s22, $0xb8;
	[tilespmem:$0x1E900] =	vst v63  }
0x62: {  	s9 =	simm.s32 $0x0  }
0x63: {  	[tilespmem:s24], [sflag:$0x1] =	stream.indirect.gather [hbm4b:s8+s22], $0x80, s19, s22, $0xb8;
	[tilespmem:$0x1E900] =	vst v63  }
.LBB2_6:
0x64: {  	s19 =	sshll.u32 s9, $0x7  }
0x65: {  	s6 =	sadd.s32 s19, s11  }
0x66: {  	s6 =	sshrl.u32 s6, $0x3  }
0x67: {  	s10 =	sadd.s32 s1, s6  }
0x68: {  	[tilespmem:s25], [sflag:$0x4] =	stream.linear.gather [hbm4b:s10+s14], $0x40, $0x38;
	[tilespmem:$0x1E900] =	vst v63  }
0x69: {  	_ =	swait.ge [sflag:s18], $0x40  }
0x6a: {  	[sflag:s18] =	ssyncset.done $0x0  }
0x6b: {  	s6 =	sadd.s32 s2, s6;
	[sflag:s18] =	ssyncadd.s32 $0xFFFFFFC0  }
0x6c: {  	[tilespmem:s26], [sflag:$0x4] =	stream.linear.gather [hbm4b:s6+s14], $0x40, $0x38;
	[tilespmem:$0x1E900] =	vst v63  }
0x6d: {  	_ =	swait.ge [sflag:s18], $0x40  }
0x6e: {  	[sflag:s18] =	ssyncset.done $0x0  }
0x6f: {  	[sflag:s18] =	ssyncadd.s32 $0xFFFFFFC0  }
0x70: {  	[tilespmem:s28], [sflag:$0x4] =	stream.linear.gather [hbm4b:s6+s14], $0x40, $0x38;
	[tilespmem:$0x1E900] =	vst v63  }
0x71: {  	_ =	swait.ge [sflag:s18], $0x40  }
0x72: {  	[sflag:s18] =	ssyncset.done $0x0  }
0x73: {  	[sflag:s18] =	ssyncadd.s32 $0xFFFFFFC0  }
0x74: {  	[tilespmem:s29], [sflag:$0x4] =	stream.linear.gather [hbm4b:s6+s14], $0x40, $0x38;
	[tilespmem:$0x1E900] =	vst v63  }
0x75: {  	_ =	swait.ge [sflag:s18], $0x40  }
0x76: {  	[sflag:s18] =	ssyncset.done $0x0  }
0x77: {  	[sflag:s18] =	ssyncadd.s32 $0xFFFFFFC0  }
0x78: {  	v5 =	vld [tilespmem:$0x380]  }
0x79: {  	v6 =	vld [tilespmem:$0x390]  }
0x7a: {  	v7 =	vld [tilespmem:$0x3A0]  }
0x7b: {  	v8 =	vld [tilespmem:$0x3B0];
	_ =	sdelay $0x1  }
0x7c: {  	v5 =	vshrl.u32 v5, $0x3  }
0x7d: {  	v6 =	vshrl.u32 v6, $0x3;
	v5 =	vadd.s32 $0x2780, v5  }
0x7e: {  	[tilespmem:$0x380] =	vst v5;
	v5 =	vadd.s32 $0x2780, v6;
	v6 =	vshrl.u32 v7, $0x3  }
0x7f: {  	[tilespmem:$0x390] =	vst v5;
	v5 =	vadd.s32 $0x2780, v6;
	v6 =	vshrl.u32 v8, $0x3  }
0x80: {  	[tilespmem:$0x3A0] =	vst v5;
	v5 =	vadd.s32 $0x2780, v6  }
0x81: {  	[tilespmem:$0x3B0] =	vst v5  }
0x82: {  	[tilespmem:s30], [sflag:$0x2] =	stream.indirect.gather [hbm4b:s7+s22], $0x80, s25, s22, $0xb8;
	[tilespmem:$0x1E900] =	vst v63  }
0x83: {  	_ = 	snop  }
0x84: {  	[tilespmem:s31], [sflag:$0x2] =	stream.indirect.gather [hbm4b:s8+s22], $0x80, s26, s22, $0xb8;
	[tilespmem:$0x1E900] =	vst v63  }
0x85: {  	_ =	swait.ge [sflag:s0], $0x2000  }
0x86: {  	[sflag:s0] =	ssyncset.done $0x0  }
0x87: {  	[sflag:s0] =	ssyncadd.s32 $0xFFFFE000  }
0x88: {  	_ =	swait.ge [sflag:s0], $0x2000  }
0x89: {  	[sflag:s0] =	ssyncset.done $0x0  }
0x8a: {  	s16 =	simm.s32 $0x0;
	[sflag:s0] =	ssyncadd.s32 $0xFFFFE000  }
0x8b: {  	v6 =	vld [tilespmem:s16+$0x4490]  }
0x8c: {  	v7 =	vld [tilespmem:s16+$0x44A0]  }
0x8d: {  	v5 =	vld [tilespmem:s16+$0x480]  }
0x8e: {  	v8 =	vld [tilespmem:s16+$0x44E0]  }
0x8f: {  	v9 =	vld [tilespmem:s16+$0x44B0]  }
0x90: {  	v10 =	vld [tilespmem:s16+$0x490]  }
0x91: {  	v11 =	vld [tilespmem:s16+$0x4480]  }
0x92: {  	v12 =	vld [tilespmem:s16+$0x4A0]  }
0x93: {  	v13 =	vld [tilespmem:s16+$0x4B0]  }
0x94: {  	v14 =	vld [tilespmem:$0x8480]  }
0x95: {  	v15 =	vld [tilespmem:$0x8490]  }
0x96: {  	v16 =	vld [tilespmem:s16+$0x4C0];
	v11 =	vadd.f32 v11, v5  }
0x97: {  	v17 =	vld [tilespmem:s16+$0x44C0]  }
0x98: {  	v18 =	vld [tilespmem:s16+$0x44D0];
	v6 =	vadd.f32 v6, v10;
	v10 =	vmul.f32 $2.000000030e-01, v11  }
0x99: {  	v19 =	vld [tilespmem:$0x84A0]  }
0x9a: {  	v53 =	vld [tilespmem:$0x84C0];
	v7 =	vadd.f32 v7, v12;
	v52 =	vmul.f32 $2.000000030e-01, v6;
	v10 =	vmax.f32 v11, v10  }
0x9b: {  	v11 =	vld [tilespmem:s16+$0x4D0];
	v10 =	vmul.f32 v10, v14  }
0x9c: {  	v55 =	vld [tilespmem:$0x84B0];
	v9 =	vadd.f32 v9, v13;
	v54 =	vmul.f32 $2.000000030e-01, v7;
	v6 =	vmax.f32 v6, v52  }
0x9d: {  	v56 =	vld [tilespmem:s16+$0x4E0];
	v6 =	vmul.f32 v6, v15;
	v10 =	vadd.f32 $0.0e+00, v10  }
0x9e: {  	v58 =	vld [tilespmem:s16+$0x44F0];
	v16 =	vadd.f32 v17, v16;
	v57 =	vmul.f32 $2.000000030e-01, v9;
	v7 =	vmax.f32 v7, v54  }
0x9f: {  	v7 =	vmul.f32 v7, v19;
	v6 =	vadd.f32 v6, v10;
	v10 =	vld [tilespmem:s16+$0x4F0]  }
0xa0: {  	v60 =	vld [tilespmem:$0x84D0];
	v59 =	vmul.f32 $2.000000030e-01, v16;
	v9 =	vmax.f32 v9, v57;
	v11 =	vadd.f32 v18, v11  }
0xa1: {  	v6 =	vadd.f32 v7, v6;
	v7 =	vmul.f32 v9, v55  }
0xa2: {  	v62 =	vld [tilespmem:$0x84E0];
	v8 =	vadd.f32 v8, v56;
	v9 =	vmax.f32 v16, v59;
	v61 =	vmul.f32 $2.000000030e-01, v11  }
0xa3: {  	v9 =	vmul.f32 v9, v53;
	v6 =	vadd.f32 v7, v6  }
0xa4: {  	v63 =	vld [tilespmem:$0x84F0];
	v7 =	vmax.f32 v11, v61;
	v11 =	vmul.f32 $2.000000030e-01, v8;
	v10 =	vadd.f32 v58, v10  }
0xa5: {  	v7 =	vmul.f32 v7, v60;
	v6 =	vadd.f32 v9, v6  }
0xa6: {  	v8 =	vmax.f32 v8, v11;
	v9 =	vmul.f32 $2.000000030e-01, v10  }
0xa7: {  	v6 =	vadd.f32 v7, v6;
	v7 =	vmul.f32 v8, v62  }
0xa8: {  	v8 =	vmax.f32 v10, v9  }
0xa9: {  	v6 =	vadd.f32 v7, v6;
	v7 =	vmul.f32 v8, v63;
	_ =	sdelay $0x1  }
0xaa: {  	v6 =	vadd.f32 v7, v6;
	_ =	sdelay $0x1  }
0xab: {  	v7 =	vperm.xlane v6, v0;
	_ =	sdelay $0x1  }
0xac: {  	v6 =	vadd.f32 v6, v7;
	_ =	sdelay $0x1  }
0xad: {  	s13 =	simm.s32 $0x100;
	v7 =	vperm.xlane v6, v1  }
0xae: {  	v8 =	vld.msk [tilespmem:s13+$0x0], $0x1  }
0xaf: {  	v6 =	vadd.f32 v6, v7;
	_ =	sdelay $0x1  }
0xb0: {  	v7 =	vperm.xlane v6, v2;
	_ =	sdelay $0x1  }
0xb1: {  	(v2sf) =	vpush v8, $0x0;
	v6 =	vadd.f32 v6, v7;
	_ =	sdelay $0x1  }
0xb2: {  	v7 =	vperm.xlane v6, v4;
	_ =	sdelay $0x1  }
0xb3: {  	v7 =	vadd.f32 v6, v7;
	_ =	sdelay $0x1  }
0xb4: {  	v9 =	vmul.f32 $1.442695020e+00, v7;
	_ =	sdelay $0x1  }
0xb5: {  	(erf) = vpow2.f32 v9  }
0xb6: {  	v8 =	vld [tilespmem:s16+$0x490]  }
0xb7: {  	v6 =	vld [tilespmem:s16+$0x4C0]  }
0xb8: {  	s10 =	simm.s32 $0x200;
	v7 =	vld [tilespmem:s16+$0x4B0]  }
.LBB2_7:
0xb9: {  	p0 =	sne.s32 s10, $0x7E00  }
0xba: {  	v9 =	vld [tilespmem:s16+$0x4D0];
	s13 =	sadd.s32 $0x1, s13;
	s6 =	smov.u32 s10;
	s10 =	sadd.s32 $0x200, s10  }
0xbb: {  	v10 =	vld [tilespmem:s16+$0x4A0]  }
0xbc: {  	v11 =	vld [tilespmem:s16+$0x4E0];
	s17 =	spop (v2sf)  }
0xbd: {  	s17 =	sand.u32 $0x7, s17;
	v12 =	vld [tilespmem:s16+$0x4F0]  }
0xbe: {  	p1 =	seq.s32 s17, $0x1;
	v13 =	vpop (erf)  }
0xbf: {  	v5 =	vmul.f32 v13, v5;
	v14 =	vpsel !p1, $0x0, v13;
	p1 =	seq.s32 s17, $0x2;
	v6 =	vmul.f32 v6, v13  }
0xc0: {  	v8 =	vmul.f32 v13, v8;
	[tilespmem:s16+$0x4490] =	vst v14;
	v10 =	vmul.f32 v10, v13;
	v14 =	vpsel !p1, $0x0, v13;
	p1 =	seq.s32 s17, $0x4  }
0xc1: {  	p2 =	seq.s32 s17, $0x0;
	v7 =	vmul.f32 v7, v13;
	v9 =	vmul.f32 v9, v13;
	[tilespmem:s16+$0x44A0] =	vst v14;
	v14 =	vpsel !p1, $0x0, v13  }
0xc2: {  	p3 =	seq.s32 s17, $0x6;
	v15 =	vpsel !p2, $0x0, v13;
	p2 =	seq.s32 s17, $0x5;
	p1 =	seq.s32 s17, $0x3;
	[tilespmem:s16+$0x490] =	vst v8;
	v8 =	vmul.f32 v11, v13;
	v11 =	vmul.f32 v12, v13  }
0xc3: {  	v16 =	vpsel !p3, $0x0, v13;
	v12 =	vpsel !p2, $0x0, v13;
	[tilespmem:s16+$0x4B0] =	vst v7;
	v7 =	vpsel !p1, $0x0, v13;
	p1 =	seq.s32 s17, $0x7  }
0xc4: {  	[tilespmem:s16+$0x44E0] =	vst v16;
	v13 =	vpsel !p1, $0x0, v13  }
0xc5: {  	s6 =	sshra.s32 s6, $0x2;
	[tilespmem:s16+$0x4480] =	vst v15  }
0xc6: {  	[tilespmem:s16+$0x44B0] =	vst v7  }
0xc7: {  	v7 =	vld [tilespmem:s6+$0x4490];
	[tilespmem:s16+$0x4C0] =	vst v6  }
0xc8: {  	v6 =	vld [tilespmem:s6+$0x44A0];
	[tilespmem:s16+$0x480] =	vst v5  }
0xc9: {  	v5 =	vld [tilespmem:s6+$0x480];
	[tilespmem:s16+$0x44D0] =	vst v12  }
0xca: {  	v12 =	vld [tilespmem:s6+$0x44E0];
	[tilespmem:s16+$0x4D0] =	vst v9  }
0xcb: {  	v9 =	vld [tilespmem:s6+$0x44B0];
	[tilespmem:s16+$0x44F0] =	vst v13  }
0xcc: {  	v13 =	vld [tilespmem:s6+$0x490];
	[tilespmem:s16+$0x44C0] =	vst v14  }
0xcd: {  	v14 =	vld [tilespmem:s6+$0x4480];
	[tilespmem:s16+$0x4A0] =	vst v10  }
0xce: {  	v10 =	vld [tilespmem:s6+$0x4A0];
	[tilespmem:s16+$0x4E0] =	vst v8  }
0xcf: {  	v8 =	vld [tilespmem:s6+$0x4B0];
	[tilespmem:s16+$0x4F0] =	vst v11;
	s16 =	smov.u32 s6  }
0xd0: {  	v11 =	vld [tilespmem:$0x8480]  }
0xd1: {  	v7 =	vadd.f32 v7, v13;
	v13 =	vld [tilespmem:$0x8490]  }
0xd2: {  	v14 =	vadd.f32 v14, v5;
	v15 =	vld [tilespmem:s16+$0x4C0]  }
0xd3: {  	v16 =	vmul.f32 $2.000000030e-01, v7;
	v6 =	vadd.f32 v6, v10;
	v10 =	vld [tilespmem:s16+$0x44C0]  }
0xd4: {  	v17 =	vmul.f32 $2.000000030e-01, v14;
	v8 =	vadd.f32 v9, v8;
	v9 =	vld [tilespmem:s16+$0x44D0]  }
0xd5: {  	v7 =	vmax.f32 v7, v16;
	v16 =	vmul.f32 $2.000000030e-01, v6;
	v18 =	vld [tilespmem:$0x84A0]  }
0xd6: {  	v14 =	vmax.f32 v14, v17;
	v7 =	vmul.f32 v7, v13;
	v13 =	vmul.f32 $2.000000030e-01, v8;
	v17 =	vld [tilespmem:s16+$0x4D0]  }
0xd7: {  	v11 =	vmul.f32 v14, v11;
	v6 =	vmax.f32 v6, v16;
	v14 =	vld [tilespmem:$0x84C0]  }
0xd8: {  	v8 =	vmax.f32 v8, v13;
	v13 =	vld [tilespmem:$0x84B0];
	v10 =	vadd.f32 v10, v15  }
0xd9: {  	v11 =	vadd.f32 $0.0e+00, v11;
	v15 =	vld [tilespmem:s16+$0x4E0]  }
0xda: {  	v6 =	vmul.f32 v6, v18;
	v16 =	vmul.f32 $2.000000030e-01, v10;
	v18 =	vld [tilespmem:s16+$0x44F0]  }
0xdb: {  	v7 =	vadd.f32 v7, v11;
	v9 =	vadd.f32 v9, v17;
	v11 =	vld [tilespmem:s16+$0x4F0]  }
0xdc: {  	v10 =	vmax.f32 v10, v16;
	v16 =	vld [tilespmem:$0x84D0]  }
0xdd: {  	v7 =	vadd.f32 v6, v7;
	v8 =	vmul.f32 v8, v13;
	v10 =	vmul.f32 v10, v14;
	v6 =	vld [tilespmem:s16+$0x4C0]  }
0xde: {  	v13 =	vmul.f32 $2.000000030e-01, v9;
	v12 =	vadd.f32 v12, v15;
	v14 =	vld [tilespmem:$0x84E0]  }
0xdf: {  	v7 =	vadd.f32 v8, v7  }
0xe0: {  	v8 =	vmax.f32 v9, v13;
	v9 =	vmul.f32 $2.000000030e-01, v12;
	v11 =	vadd.f32 v18, v11;
	v13 =	vld [tilespmem:$0x84F0]  }
0xe1: {  	v7 =	vadd.f32 v10, v7;
	v8 =	vmul.f32 v8, v16  }
0xe2: {  	v9 =	vmax.f32 v12, v9;
	v10 =	vmul.f32 $2.000000030e-01, v11  }
0xe3: {  	v7 =	vadd.f32 v8, v7;
	v8 =	vmul.f32 v9, v14  }
0xe4: {  	v9 =	vmax.f32 v11, v10  }
0xe5: {  	v7 =	vadd.f32 v8, v7;
	v8 =	vmul.f32 v9, v13;
	_ =	sdelay $0x1  }
0xe6: {  	v7 =	vadd.f32 v8, v7;
	_ =	sdelay $0x1  }
0xe7: {  	v8 =	vperm.xlane v7, v0;
	_ =	sdelay $0x1  }
0xe8: {  	v7 =	vadd.f32 v7, v8;
	_ =	sdelay $0x1  }
0xe9: {  	v8 =	vperm.xlane v7, v1  }
0xea: {  	v9 =	vld.msk [tilespmem:s13+$0x0], $0x1  }
0xeb: {  	v7 =	vadd.f32 v7, v8;
	_ =	sdelay $0x1  }
0xec: {  	v8 =	vperm.xlane v7, v2;
	_ =	sdelay $0x1  }
0xed: {  	v7 =	vadd.f32 v7, v8;
	(v2sf) =	vpush v9, $0x0;
	_ =	sdelay $0x1  }
0xee: {  	v8 =	vperm.xlane v7, v4;
	_ =	sdelay $0x1  }
0xef: {  	v7 =	vadd.f32 v7, v8;
	_ =	sdelay $0x1  }
0xf0: {  	v7 =	vmul.f32 $1.442695020e+00, v7;
	_ =	sdelay $0x1  }
.Ltmp2:
0xf1: {  	(erf) = vpow2.f32 v7;
	(pc) =	sbr.rel @p0 .LBB2_7-.Ltmp2, $3  }
0xf2: {  	_ =	sdelay $0x1  }
0xf3: {  	v7 =	vld [tilespmem:s16+$0x4B0]  }
0xf4: {  	v8 =	vld [tilespmem:s16+$0x490]  }
0xf5: {  	_ =	sdelay $0x1  }
0xf6: {  	s6 =	spop (v2sf)  }
0xf7: {  	s6 =	sand.u32 $0x7, s6  }
0xf8: {  	p0 =	seq.s32 s6, $0x1;
	v12 =	vpop (erf)  }
0xf9: {  	p1 =	seq.s32 s6, $0x2;
	v14 =	vpsel !p0, $0x0, v12  }
0xfa: {  	v8 =	vmul.f32 v12, v8;
	v48 =	vpsel !p1, $0x0, v12;
	[tilespmem:s16+$0x4490] =	vst v14  }
0xfb: {  	v7 =	vmul.f32 v7, v12;
	[tilespmem:s16+$0x44A0] =	vst v48  }
0xfc: {  	v6 =	vmul.f32 v6, v12;
	[tilespmem:s16+$0x490] =	vst v8  }
0xfd: {  	v9 =	vld [tilespmem:s16+$0x4D0];
	v5 =	vmul.f32 v12, v5;
	[tilespmem:s16+$0x4B0] =	vst v7  }
0xfe: {  	p2 =	seq.s32 s6, $0x6;
	[tilespmem:s16+$0x4C0] =	vst v6  }
0xff: {  	v11 =	vld [tilespmem:s16+$0x4E0];
	p1 =	seq.s32 s6, $0x0;
	v7 =	vpsel !p2, $0x0, v12;
	[tilespmem:s16+$0x480] =	vst v5  }
0x100: {  	p5 =	seq.s32 s6, $0x7;
	v8 =	vpsel !p1, $0x0, v12;
	[tilespmem:s16+$0x44E0] =	vst v7  }
0x101: {  	v10 =	vld [tilespmem:s16+$0x4A0];
	p3 =	seq.s32 s6, $0x3;
	v5 =	vpsel !p5, $0x0, v12;
	[tilespmem:s16+$0x4480] =	vst v8  }
0x102: {  	v13 =	vld [tilespmem:s16+$0x4F0];
	v6 =	vmul.f32 v9, v12;
	v7 =	vpsel !p3, $0x0, v12;
	[tilespmem:s16+$0x44F0] =	vst v5  }
0x103: {  	p4 =	seq.s32 s6, $0x5;
	[tilespmem:s16+$0x44B0] =	vst v7  }
0x104: {  	v5 =	vmul.f32 v11, v12;
	v7 =	vpsel !p4, $0x0, v12;
	[tilespmem:s16+$0x4D0] =	vst v6  }
0x105: {  	p6 =	seq.s32 s6, $0x4;
	[tilespmem:s16+$0x44D0] =	vst v7  }
0x106: {  	v6 =	vmul.f32 v10, v12;
	v7 =	vpsel !p6, $0x0, v12;
	[tilespmem:s16+$0x4E0] =	vst v5  }
0x107: {  	[tilespmem:s16+$0x44C0] =	vst v7;
	v7 =	vmul.f32 v13, v12  }
0x108: {  	[tilespmem:s16+$0x4A0] =	vst v6  }
0x109: {  	[tilespmem:s16+$0x4F0] =	vst v7  }
0x10a: {  	[spmem:s4] =	stream.indirect.scatter.add.f32 [tilespmem:s23], [sflag:$0x4], $0x80, s20, s22, $0xb8;
	[tilespmem:$0x1E900] =	vst v63  }
0x10b: {  	_ =	swait.ge [sflag:s18], $0x2000  }
0x10c: {  	[sflag:s18] =	ssyncset.done $0x0  }
0x10d: {  	p0 =	seq.s32 s9, $0x50;
	[sflag:s18] =	ssyncadd.s32 $0xFFFFE000  }
0x10e: {  	[spmem:s4] =	stream.indirect.scatter.add.f32 [tilespmem:s24], [sflag:$0x4], $0x80, s21, s22, $0xb8;
	[tilespmem:$0x1E900] =	vst v63  }
0x10f: {  	s6 =	sadd.s32 @!p0 s19, s15;
	_ =	swait.ge [sflag:s18], $0x2000  }
0x110: {  	s6 =	sshrl.u32 @!p0 s6, $0x3;
	[sflag:s18] =	ssyncset.done $0x0  }
0x111: {  	s13 =	simm.s32 @!p0 $0x0;
	s10 =	sadd.s32 @!p0 s1, s6;
	[sflag:s18] =	ssyncadd.s32 $0xFFFFE000  }
0x112: {  	[tilespmem:s13], [sflag:$0x4] =	stream.linear.gather @!p0 [hbm4b:s10+s13], $0x40, $0x38;
	[tilespmem:$0x1E900] =	vst v63  }
0x113: {  	s10 =	simm.s32 @!p0 $0x4  }
0x114: {  	_ =	swait.ge @!p0 [sflag:s10], $0x40  }
0x115: {  	[sflag:s10] =	ssyncset.done @!p0 $0x0  }
0x116: {  	s6 =	sadd.s32 @!p0 s2, s6;
	s16 =	simm.s32 @!p0 $0x100;
	[sflag:s10] =	ssyncadd.s32 @!p0 $0xFFFFFFC0  }
0x117: {  	[tilespmem:s16], [sflag:$0x4] =	stream.linear.gather @!p0 [hbm4b:s6+s13], $0x40, $0x38;
	[tilespmem:$0x1E900] =	vst v63  }
0x118: {  	_ =	swait.ge @!p0 [sflag:s10], $0x40  }
0x119: {  	[sflag:s10] =	ssyncset.done @!p0 $0x0  }
0x11a: {  	s17 =	simm.s32 @!p0 $0x200;
	[sflag:s10] =	ssyncadd.s32 @!p0 $0xFFFFFFC0  }
0x11b: {  	[tilespmem:s17], [sflag:$0x4] =	stream.linear.gather @!p0 [hbm4b:s6+s13], $0x40, $0x38;
	[tilespmem:$0x1E900] =	vst v63  }
0x11c: {  	_ =	swait.ge @!p0 [sflag:s10], $0x40  }
0x11d: {  	[sflag:s10] =	ssyncset.done @!p0 $0x0  }
0x11e: {  	s17 =	simm.s32 @!p0 $0x300;
	[sflag:s10] =	ssyncadd.s32 @!p0 $0xFFFFFFC0  }
0x11f: {  	[tilespmem:s17], [sflag:$0x4] =	stream.linear.gather @!p0 [hbm4b:s6+s13], $0x40, $0x38;
	[tilespmem:$0x1E900] =	vst v63  }
0x120: {  	_ =	swait.ge @!p0 [sflag:s10], $0x40  }
0x121: {  	[sflag:s10] =	ssyncset.done @!p0 $0x0  }
0x122: {  	[sflag:s10] =	ssyncadd.s32 @!p0 $0xFFFFFFC0  }
0x123: {  	v5 =	vld @!p0 [tilespmem:$0x300]  }
0x124: {  	v6 =	vld @!p0 [tilespmem:$0x310]  }
0x125: {  	v7 =	vld @!p0 [tilespmem:$0x320]  }
0x126: {  	v8 =	vld @!p0 [tilespmem:$0x330];
	_ =	sdelay $0x1  }
0x127: {  	v5 =	vshrl.u32 @!p0 v5, $0x3  }
0x128: {  	v6 =	vshrl.u32 @!p0 v6, $0x3;
	v5 =	vadd.s32 @!p0 $0x2780, v5  }
0x129: {  	[tilespmem:$0x300] =	vst @!p0 v5;
	v5 =	vadd.s32 @!p0 $0x2780, v6;
	v6 =	vshrl.u32 @!p0 v7, $0x3  }
0x12a: {  	[tilespmem:$0x310] =	vst @!p0 v5;
	v5 =	vadd.s32 @!p0 $0x2780, v6;
	v6 =	vshrl.u32 @!p0 v8, $0x3  }
0x12b: {  	[tilespmem:$0x320] =	vst @!p0 v5;
	v5 =	vadd.s32 @!p0 $0x2780, v6  }
0x12c: {  	s6 =	simm.s32 @!p0 $0x40;
	s10 =	simm.s32 @!p0 $0x480;
	[tilespmem:$0x330] =	vst @!p0 v5  }
0x12d: {  	[tilespmem:s10], [sflag:$0x1] =	stream.indirect.gather @!p0 [hbm4b:s7+s6], $0x80, s13, s6, $0xb8;
	[tilespmem:$0x1E900] =	vst v63  }
0x12e: {  	s10 =	simm.s32 @!p0 $0x4480  }
0x12f: {  	[tilespmem:s10], [sflag:$0x1] =	stream.indirect.gather @!p0 [hbm4b:s8+s6], $0x80, s16, s6, $0xb8;
	[tilespmem:$0x1E900] =	vst v63  }
0x130: {  	_ =	swait.ge [sflag:s3], $0x2000  }
0x131: {  	[sflag:s3] =	ssyncset.done $0x0  }
0x132: {  	[sflag:s3] =	ssyncadd.s32 $0xFFFFE000  }
0x133: {  	_ =	swait.ge [sflag:s3], $0x2000  }
0x134: {  	[sflag:s3] =	ssyncset.done $0x0  }
0x135: {  	s16 =	simm.s32 $0x0;
	[sflag:s3] =	ssyncadd.s32 $0xFFFFE000  }
0x136: {  	v6 =	vld [tilespmem:s16+$0x6490]  }
0x137: {  	v7 =	vld [tilespmem:s16+$0x64A0]  }
0x138: {  	v5 =	vld [tilespmem:s16+$0x2480]  }
0x139: {  	v8 =	vld [tilespmem:s16+$0x64E0]  }
0x13a: {  	v9 =	vld [tilespmem:s16+$0x64B0]  }
0x13b: {  	v10 =	vld [tilespmem:s16+$0x2490]  }
0x13c: {  	v11 =	vld [tilespmem:s16+$0x6480]  }
0x13d: {  	v49 =	vld [tilespmem:s16+$0x24A0]  }
0x13e: {  	v50 =	vld [tilespmem:s16+$0x24B0]  }
0x13f: {  	v51 =	vld [tilespmem:$0x8480]  }
0x140: {  	v15 =	vld [tilespmem:$0x8490]  }
0x141: {  	v16 =	vld [tilespmem:s16+$0x24C0];
	v11 =	vadd.f32 v11, v5  }
0x142: {  	v17 =	vld [tilespmem:s16+$0x64C0]  }
0x143: {  	v18 =	vld [tilespmem:s16+$0x64D0];
	v6 =	vadd.f32 v6, v10;
	v10 =	vmul.f32 $2.000000030e-01, v11  }
0x144: {  	v19 =	vld [tilespmem:$0x84A0]  }
0x145: {  	v53 =	vld [tilespmem:$0x84C0];
	v7 =	vadd.f32 v7, v49;
	v52 =	vmul.f32 $2.000000030e-01, v6;
	v10 =	vmax.f32 v11, v10  }
0x146: {  	v11 =	vld [tilespmem:s16+$0x24D0];
	v10 =	vmul.f32 v10, v51  }
0x147: {  	v55 =	vld [tilespmem:$0x84B0];
	v9 =	vadd.f32 v9, v50;
	v54 =	vmul.f32 $2.000000030e-01, v7;
	v6 =	vmax.f32 v6, v52  }
0x148: {  	v56 =	vld [tilespmem:s16+$0x24E0];
	v6 =	vmul.f32 v6, v15;
	v10 =	vadd.f32 $0.0e+00, v10  }
0x149: {  	v58 =	vld [tilespmem:s16+$0x64F0];
	v16 =	vadd.f32 v17, v16;
	v57 =	vmul.f32 $2.000000030e-01, v9;
	v7 =	vmax.f32 v7, v54  }
0x14a: {  	v7 =	vmul.f32 v7, v19;
	v6 =	vadd.f32 v6, v10;
	v10 =	vld [tilespmem:s16+$0x24F0]  }
0x14b: {  	v60 =	vld [tilespmem:$0x84D0];
	v59 =	vmul.f32 $2.000000030e-01, v16;
	v9 =	vmax.f32 v9, v57;
	v11 =	vadd.f32 v18, v11  }
0x14c: {  	v6 =	vadd.f32 v7, v6;
	v7 =	vmul.f32 v9, v55  }
0x14d: {  	v62 =	vld [tilespmem:$0x84E0];
	v8 =	vadd.f32 v8, v56;
	v9 =	vmax.f32 v16, v59;
	v61 =	vmul.f32 $2.000000030e-01, v11  }
0x14e: {  	v9 =	vmul.f32 v9, v53;
	v6 =	vadd.f32 v7, v6  }
0x14f: {  	v63 =	vld [tilespmem:$0x84F0];
	v7 =	vmax.f32 v11, v61;
	v11 =	vmul.f32 $2.000000030e-01, v8;
	v10 =	vadd.f32 v58, v10  }
0x150: {  	v7 =	vmul.f32 v7, v60;
	v6 =	vadd.f32 v9, v6  }
0x151: {  	v8 =	vmax.f32 v8, v11;
	v9 =	vmul.f32 $2.000000030e-01, v10  }
0x152: {  	v6 =	vadd.f32 v7, v6;
	v7 =	vmul.f32 v8, v62  }
0x153: {  	v8 =	vmax.f32 v10, v9  }
0x154: {  	v6 =	vadd.f32 v7, v6;
	v7 =	vmul.f32 v8, v63;
	_ =	sdelay $0x1  }
0x155: {  	v6 =	vadd.f32 v7, v6;
	_ =	sdelay $0x1  }
0x156: {  	v7 =	vperm.xlane v6, v0;
	_ =	sdelay $0x1  }
0x157: {  	v6 =	vadd.f32 v6, v7;
	_ =	sdelay $0x1  }
0x158: {  	s13 =	simm.s32 $0x180;
	v7 =	vperm.xlane v6, v1  }
0x159: {  	v8 =	vld.msk [tilespmem:s13+$0x0], $0x1  }
0x15a: {  	v6 =	vadd.f32 v6, v7;
	_ =	sdelay $0x1  }
0x15b: {  	v7 =	vperm.xlane v6, v2;
	_ =	sdelay $0x1  }
0x15c: {  	(v2sf) =	vpush v8, $0x0;
	v6 =	vadd.f32 v6, v7;
	_ =	sdelay $0x1  }
0x15d: {  	v7 =	vperm.xlane v6, v4;
	_ =	sdelay $0x1  }
0x15e: {  	v7 =	vadd.f32 v6, v7;
	_ =	sdelay $0x1  }
0x15f: {  	v9 =	vmul.f32 $1.442695020e+00, v7;
	_ =	sdelay $0x1  }
0x160: {  	(erf) = vpow2.f32 v9  }
0x161: {  	v8 =	vld [tilespmem:s16+$0x2490]  }
0x162: {  	v6 =	vld [tilespmem:s16+$0x24C0]  }
0x163: {  	s10 =	simm.s32 $0x200;
	v7 =	vld [tilespmem:s16+$0x24B0]  }
.LBB2_9:
0x164: {  	p0 =	sne.s32 s10, $0x7E00  }
0x165: {  	v9 =	vld [tilespmem:s16+$0x24D0];
	s13 =	sadd.s32 $0x1, s13;
	s6 =	smov.u32 s10;
	s10 =	sadd.s32 $0x200, s10  }
0x166: {  	v10 =	vld [tilespmem:s16+$0x24A0]  }
0x167: {  	v11 =	vld [tilespmem:s16+$0x24E0];
	s17 =	spop (v2sf)  }
0x168: {  	s17 =	sand.u32 $0x7, s17;
	v12 =	vld [tilespmem:s16+$0x24F0]  }
0x169: {  	p1 =	seq.s32 s17, $0x1;
	v13 =	vpop (erf)  }
0x16a: {  	v5 =	vmul.f32 v13, v5;
	v14 =	vpsel !p1, $0x0, v13;
	p1 =	seq.s32 s17, $0x2;
	v6 =	vmul.f32 v6, v13  }
0x16b: {  	v8 =	vmul.f32 v13, v8;
	[tilespmem:s16+$0x6490] =	vst v14;
	v10 =	vmul.f32 v10, v13;
	v14 =	vpsel !p1, $0x0, v13;
	p1 =	seq.s32 s17, $0x4  }
0x16c: {  	p2 =	seq.s32 s17, $0x0;
	v7 =	vmul.f32 v7, v13;
	v9 =	vmul.f32 v9, v13;
	[tilespmem:s16+$0x64A0] =	vst v14;
	v14 =	vpsel !p1, $0x0, v13  }
0x16d: {  	p3 =	seq.s32 s17, $0x6;
	v15 =	vpsel !p2, $0x0, v13;
	p2 =	seq.s32 s17, $0x5;
	p1 =	seq.s32 s17, $0x3;
	[tilespmem:s16+$0x2490] =	vst v8;
	v8 =	vmul.f32 v11, v13;
	v11 =	vmul.f32 v12, v13  }
0x16e: {  	v16 =	vpsel !p3, $0x0, v13;
	v12 =	vpsel !p2, $0x0, v13;
	[tilespmem:s16+$0x24B0] =	vst v7;
	v7 =	vpsel !p1, $0x0, v13;
	p1 =	seq.s32 s17, $0x7  }
0x16f: {  	[tilespmem:s16+$0x64E0] =	vst v16;
	v13 =	vpsel !p1, $0x0, v13  }
0x170: {  	s6 =	sshra.s32 s6, $0x2;
	[tilespmem:s16+$0x6480] =	vst v15  }
0x171: {  	[tilespmem:s16+$0x64B0] =	vst v7  }
0x172: {  	v7 =	vld [tilespmem:s6+$0x6490];
	[tilespmem:s16+$0x24C0] =	vst v6  }
0x173: {  	v6 =	vld [tilespmem:s6+$0x64A0];
	[tilespmem:s16+$0x2480] =	vst v5  }
0x174: {  	v5 =	vld [tilespmem:s6+$0x2480];
	[tilespmem:s16+$0x64D0] =	vst v12  }
0x175: {  	v12 =	vld [tilespmem:s6+$0x64E0];
	[tilespmem:s16+$0x24D0] =	vst v9  }
0x176: {  	v9 =	vld [tilespmem:s6+$0x64B0];
	[tilespmem:s16+$0x64F0] =	vst v13  }
0x177: {  	v13 =	vld [tilespmem:s6+$0x2490];
	[tilespmem:s16+$0x64C0] =	vst v14  }
0x178: {  	v14 =	vld [tilespmem:s6+$0x6480];
	[tilespmem:s16+$0x24A0] =	vst v10  }
0x179: {  	v10 =	vld [tilespmem:s6+$0x24A0];
	[tilespmem:s16+$0x24E0] =	vst v8  }
0x17a: {  	v8 =	vld [tilespmem:s6+$0x24B0];
	[tilespmem:s16+$0x24F0] =	vst v11;
	s16 =	smov.u32 s6  }
0x17b: {  	v11 =	vld [tilespmem:$0x8480]  }
0x17c: {  	v7 =	vadd.f32 v7, v13;
	v13 =	vld [tilespmem:$0x8490]  }
0x17d: {  	v14 =	vadd.f32 v14, v5;
	v15 =	vld [tilespmem:s16+$0x24C0]  }
0x17e: {  	v16 =	vmul.f32 $2.000000030e-01, v7;
	v6 =	vadd.f32 v6, v10;
	v10 =	vld [tilespmem:s16+$0x64C0]  }
0x17f: {  	v17 =	vmul.f32 $2.000000030e-01, v14;
	v8 =	vadd.f32 v9, v8;
	v9 =	vld [tilespmem:s16+$0x64D0]  }
0x180: {  	v7 =	vmax.f32 v7, v16;
	v16 =	vmul.f32 $2.000000030e-01, v6;
	v18 =	vld [tilespmem:$0x84A0]  }
0x181: {  	v14 =	vmax.f32 v14, v17;
	v7 =	vmul.f32 v7, v13;
	v13 =	vmul.f32 $2.000000030e-01, v8;
	v17 =	vld [tilespmem:s16+$0x24D0]  }
0x182: {  	v11 =	vmul.f32 v14, v11;
	v6 =	vmax.f32 v6, v16;
	v14 =	vld [tilespmem:$0x84C0]  }
0x183: {  	v8 =	vmax.f32 v8, v13;
	v13 =	vld [tilespmem:$0x84B0];
	v10 =	vadd.f32 v10, v15  }
0x184: {  	v11 =	vadd.f32 $0.0e+00, v11;
	v15 =	vld [tilespmem:s16+$0x24E0]  }
0x185: {  	v6 =	vmul.f32 v6, v18;
	v16 =	vmul.f32 $2.000000030e-01, v10;
	v18 =	vld [tilespmem:s16+$0x64F0]  }
0x186: {  	v7 =	vadd.f32 v7, v11;
	v9 =	vadd.f32 v9, v17;
	v11 =	vld [tilespmem:s16+$0x24F0]  }
0x187: {  	v10 =	vmax.f32 v10, v16;
	v16 =	vld [tilespmem:$0x84D0]  }
0x188: {  	v7 =	vadd.f32 v6, v7;
	v8 =	vmul.f32 v8, v13;
	v10 =	vmul.f32 v10, v14;
	v6 =	vld [tilespmem:s16+$0x24C0]  }
0x189: {  	v13 =	vmul.f32 $2.000000030e-01, v9;
	v12 =	vadd.f32 v12, v15;
	v14 =	vld [tilespmem:$0x84E0]  }
0x18a: {  	v7 =	vadd.f32 v8, v7  }
0x18b: {  	v8 =	vmax.f32 v9, v13;
	v9 =	vmul.f32 $2.000000030e-01, v12;
	v11 =	vadd.f32 v18, v11;
	v13 =	vld [tilespmem:$0x84F0]  }
0x18c: {  	v7 =	vadd.f32 v10, v7;
	v8 =	vmul.f32 v8, v16  }
0x18d: {  	v9 =	vmax.f32 v12, v9;
	v10 =	vmul.f32 $2.000000030e-01, v11  }
0x18e: {  	v7 =	vadd.f32 v8, v7;
	v8 =	vmul.f32 v9, v14  }
0x18f: {  	v9 =	vmax.f32 v11, v10  }
0x190: {  	v7 =	vadd.f32 v8, v7;
	v8 =	vmul.f32 v9, v13;
	_ =	sdelay $0x1  }
0x191: {  	v7 =	vadd.f32 v8, v7;
	_ =	sdelay $0x1  }
0x192: {  	v8 =	vperm.xlane v7, v0;
	_ =	sdelay $0x1  }
0x193: {  	v7 =	vadd.f32 v7, v8;
	_ =	sdelay $0x1  }
0x194: {  	v8 =	vperm.xlane v7, v1  }
0x195: {  	v9 =	vld.msk [tilespmem:s13+$0x0], $0x1  }
0x196: {  	v7 =	vadd.f32 v7, v8;
	_ =	sdelay $0x1  }
0x197: {  	v8 =	vperm.xlane v7, v2;
	_ =	sdelay $0x1  }
0x198: {  	v7 =	vadd.f32 v7, v8;
	(v2sf) =	vpush v9, $0x0;
	_ =	sdelay $0x1  }
0x199: {  	v8 =	vperm.xlane v7, v4;
	_ =	sdelay $0x1  }
0x19a: {  	v7 =	vadd.f32 v7, v8;
	_ =	sdelay $0x1  }
0x19b: {  	v7 =	vmul.f32 $1.442695020e+00, v7;
	_ =	sdelay $0x1  }
.Ltmp3:
0x19c: {  	(erf) = vpow2.f32 v7;
	(pc) =	sbr.rel @p0 .LBB2_9-.Ltmp3, $3  }
0x19d: {  	_ =	sdelay $0x1  }
0x19e: {  	v7 =	vld [tilespmem:s16+$0x24B0]  }
0x19f: {  	v8 =	vld [tilespmem:s16+$0x2490]  }
0x1a0: {  	_ =	sdelay $0x1  }
0x1a1: {  	s6 =	spop (v2sf)  }
0x1a2: {  	s6 =	sand.u32 $0x7, s6  }
0x1a3: {  	p0 =	seq.s32 s6, $0x1;
	v12 =	vpop (erf)  }
0x1a4: {  	p1 =	seq.s32 s6, $0x2;
	v14 =	vpsel !p0, $0x0, v12  }
0x1a5: {  	v8 =	vmul.f32 v12, v8;
	v62 =	vpsel !p1, $0x0, v12;
	[tilespmem:s16+$0x6490] =	vst v14  }
0x1a6: {  	v7 =	vmul.f32 v7, v12;
	[tilespmem:s16+$0x64A0] =	vst v62  }
0x1a7: {  	p1 =	seq.s32 s6, $0x0;
	[tilespmem:s16+$0x2490] =	vst v8  }
0x1a8: {  	v9 =	vld [tilespmem:s16+$0x24D0];
	v6 =	vmul.f32 v6, v12;
	v63 =	vpsel !p1, $0x0, v12;
	[tilespmem:s16+$0x24B0] =	vst v7  }
0x1a9: {  	v5 =	vmul.f32 v12, v5;
	[tilespmem:s16+$0x6480] =	vst v63  }
0x1aa: {  	v11 =	vld [tilespmem:s16+$0x24E0];
	p2 =	seq.s32 s6, $0x6;
	[tilespmem:s16+$0x24C0] =	vst v6  }
0x1ab: {  	p5 =	seq.s32 s6, $0x7;
	v7 =	vpsel !p2, $0x0, v12;
	[tilespmem:s16+$0x2480] =	vst v5  }
0x1ac: {  	v10 =	vld [tilespmem:s16+$0x24A0];
	p3 =	seq.s32 s6, $0x3;
	v5 =	vpsel !p5, $0x0, v12;
	[tilespmem:s16+$0x64E0] =	vst v7  }
0x1ad: {  	v13 =	vld [tilespmem:s16+$0x24F0];
	v6 =	vmul.f32 v9, v12;
	v7 =	vpsel !p3, $0x0, v12;
	[tilespmem:s16+$0x64F0] =	vst v5  }
0x1ae: {  	p4 =	seq.s32 s6, $0x5;
	[tilespmem:s16+$0x64B0] =	vst v7  }
0x1af: {  	v5 =	vmul.f32 v11, v12;
	v7 =	vpsel !p4, $0x0, v12;
	[tilespmem:s16+$0x24D0] =	vst v6  }
0x1b0: {  	p6 =	seq.s32 s6, $0x4;
	[tilespmem:s16+$0x64D0] =	vst v7  }
0x1b1: {  	v6 =	vmul.f32 v10, v12;
	v7 =	vpsel !p6, $0x0, v12;
	[tilespmem:s16+$0x24E0] =	vst v5  }
0x1b2: {  	[tilespmem:s16+$0x64C0] =	vst v7;
	v7 =	vmul.f32 v13, v12  }
0x1b3: {  	[tilespmem:s16+$0x24A0] =	vst v6  }
0x1b4: {  	[tilespmem:s16+$0x24F0] =	vst v7  }
0x1b5: {  	[spmem:s4] =	stream.indirect.scatter.add.f32 [tilespmem:s30], [sflag:$0x4], $0x80, s28, s22, $0xb8;
	[tilespmem:$0x1E900] =	vst v63  }
0x1b6: {  	s9 =	sadd.s32 $0x1, s9;
	_ =	swait.ge [sflag:s18], $0x2000  }
0x1b7: {  	p0 =	sne.s32 s9, $0x51;
	[sflag:s18] =	ssyncset.done $0x0  }
.Ltmp4:
0x1b8: {  	[sflag:s18] =	ssyncadd.s32 $0xFFFFE000;
	(pc) =	sbr.rel @p0 .LBB2_6-.Ltmp4, $4  }
0x1b9: {  	[spmem:s4] =	stream.indirect.scatter.add.f32 [tilespmem:s31], [sflag:$0x4], $0x80, s29, s22, $0xb8;
	[tilespmem:$0x1E900] =	vst v63  }
0x1ba: {  	_ =	swait.ge [sflag:s18], $0x2000  }
0x1bb: {  	[sflag:s18] =	ssyncset.done $0x0  }
0x1bc: {  	[sflag:s18] =	ssyncadd.s32 $0xFFFFE000  }
0x1bd: {  	p1 =	sgt.u32 s5, $0xB1  }
0x1be: {  	p0 =	por p1, p1  }
0x1bf: {  	[bflag:$0x0] =	sbarrier.arrive $0xFFFF;
	s6 =	sadd.s32 @!p0 $0x0, s12;
	v5 =	vlaneseq.u32 @!p0  }
0x1c0: {  	s13 =	simm.s32 @!p1 $0x4;
	p1 =	por p0, p0;
	s9 =	sadd.s32 @!p0 $0x10, s6;
	v7 =	vor.u32 @!p0 s6, v5  }
0x1c1: {  	s16 =	sadd.s32 $0x10, s5;
	v6 =	vor.u32 @!p0 s9, v5;
	s9 =	sadd.s32 @!p0 $0x30, s6;
	[tilespmem:$0x400] =	vst @!p1 v7  }
0x1c2: {  	s17 =	simm.s32 $0x400;
	s14 =	simm.s32 $0x800;
	[tilespmem:$0x410] =	vst @!p0 v6;
	v6 =	vor.u32 @!p0 s9, v5;
	s9 =	sadd.s32 @!p0 $0x20, s6  }
0x1c3: {  	s19 =	simm.s32 @!p1 $0x3;
	s10 =	simm.s32 @!p1 $0x400;
	s20 =	simm.s32 @!p1 $0x0;
	[tilespmem:$0x430] =	vst @!p0 v6;
	v5 =	vor.u32 @!p0 s9, v5  }
0x1c4: {  	s6 =	simm.s32 @!p1 $0x480;
	p0 =	sgt.u32 s16, $0xB1;
	s9 =	simm.s32 @!p1 $0x40;
	[tilespmem:$0x420] =	vst @!p1 v5  }
0x1c5: {  	[tilespmem:s6], [sflag:$0x3] =	stream.indirect.gather @!p1 [spmem:s4], $0x80, s10, s9, $0xb8;
	[tilespmem:$0x1E900] =	vst v63  }
0x1c6: {  	s16 =	sadd.s32 $0x10, s16;
	s9 =	simm.s32 @!p0 $0x4;
	_ =	swait.ge @!p1 [sflag:s19], $0x2000  }
0x1c7: {  	p0 =	por p0, p0;
	[sflag:s19] =	ssyncset.done @!p1 $0x0;
	s21 =	rddreg [dreg:$0x9]  }
0x1c8: {  	s10 =	sadd.s32 $0x4000, s21;
	[sflag:s19] =	ssyncadd.s32 @!p1 $0xFFFFE000;
	s19 =	smov.u32 s21  }
.LBB2_12:
0x1c9: {  	[hbm4b:s19+s20] =	stream.linear.scatter @!p1 [tilespmem:s6], [sflag:$0x4], $0x2000, $0x38;
	[tilespmem:$0x1E900] =	vst v63  }
0x1ca: {  	s6 =	smov.u32 s14;
	s19 =	smov.u32 s10  }
0x1cb: {  	p2 =	sgt.u32 s16, $0xB1;
	s17 =	sadd.s32 @!p0 s17, s12;
	_ =	swait.ge @!p1 [sflag:s13], $0x2000  }
0x1cc: {  	v5 =	vlaneseq.u32 @!p0;
	s20 =	sadd.s32 @!p0 $0x10, s17;
	s21 =	sadd.s32 @!p0 $0x20, s17;
	[sflag:s13] =	ssyncset.done @!p1 $0x0  }
0x1cd: {  	s23 =	simm.s32 @!p2 $0x4;
	v6 =	vor.u32 @!p0 s20, v5;
	v7 =	vor.u32 @!p0 s21, v5;
	s20 =	sadd.s32 @!p0 $0x30, s17;
	[sflag:s13] =	ssyncadd.s32 @!p1 $0xFFFFE000  }
0x1ce: {  	s14 =	sadd.s32 $0x400, s14;
	v8 =	vor.u32 @!p0 s17, v5;
	v5 =	vor.u32 @!p0 s20, v5;
	s13 =	smov.u32 s9;
	s9 =	smov.u32 s23;
	[tilespmem:$0x410] =	vst @!p0 v6  }
0x1cf: {  	p3 =	sne.s32 s14, $0x3000;
	s17 =	smov.u32 s6;
	p1 =	por p0, p0;
	[tilespmem:$0x430] =	vst @!p0 v5  }
0x1d0: {  	s20 =	simm.s32 @!p1 $0x3;
	s21 =	simm.s32 @!p1 $0x40;
	p0 =	por p2, p2;
	[tilespmem:$0x400] =	vst @!p1 v8  }
.Ltmp5:
0x1d1: {  	s23 =	simm.s32 @!p1 $0x400;
	s6 =	simm.s32 @!p1 $0x480;
	[tilespmem:$0x420] =	vst @!p1 v7;
	(pc) =	sbr.rel @p3 .LBB2_12-.Ltmp5, $4  }
0x1d2: {  	[tilespmem:s6], [sflag:$0x3] =	stream.indirect.gather @!p1 [spmem:s4], $0x80, s23, s21, $0xb8;
	[tilespmem:$0x1E900] =	vst v63  }
0x1d3: {  	_ =	swait.ge @!p1 [sflag:s20], $0x2000  }
0x1d4: {  	s10 =	sadd.s32 $0x4000, s10;
	[sflag:s20] =	ssyncset.done @!p1 $0x0  }
0x1d5: {  	s16 =	sadd.s32 $0x10, s16;
	[sflag:s20] =	ssyncadd.s32 @!p1 $0xFFFFE000;
	s20 =	simm.s32 @!p1 $0x0  }
0x1d6: {  	[hbm4b:s19+s20] =	stream.linear.scatter @!p1 [tilespmem:s6], [sflag:$0x4], $0x2000, $0x38;
	[tilespmem:$0x1E900] =	vst v63  }
0x1d7: {  	s6 =	sadd.s32 @!p0 s17, s12;
	_ =	swait.ge @!p1 [sflag:s13], $0x2000  }
0x1d8: {  	v5 =	vlaneseq.u32 @!p0;
	s14 =	sadd.s32 @!p0 $0x10, s6;
	[sflag:s13] =	ssyncset.done @!p1 $0x0  }
0x1d9: {  	v6 =	vor.u32 @!p0 s14, v5;
	[sflag:s13] =	ssyncadd.s32 @!p1 $0xFFFFE000  }
0x1da: {  	v7 =	vor.u32 @!p0 s6, v5;
	s14 =	sadd.s32 @!p0 $0x30, s6;
	p1 =	por p0, p0;
	[tilespmem:$0x410] =	vst @!p0 v6  }
0x1db: {  	s13 =	sadd.s32 @!p0 $0x20, s6;
	v6 =	vor.u32 @!p0 s14, v5;
	[tilespmem:$0x400] =	vst @!p1 v7  }
0x1dc: {  	v5 =	vor.u32 @!p0 s13, v5;
	s6 =	simm.s32 @!p1 $0x3;
	[tilespmem:$0x430] =	vst @!p0 v6  }
0x1dd: {  	s13 =	simm.s32 @!p1 $0x40;
	s14 =	simm.s32 @!p1 $0x400;
	s16 =	simm.s32 @!p1 $0x480;
	[tilespmem:$0x420] =	vst @!p1 v5  }
0x1de: {  	[tilespmem:s16], [sflag:$0x3] =	stream.indirect.gather @!p1 [spmem:s4], $0x80, s14, s13, $0xb8;
	[tilespmem:$0x1E900] =	vst v63  }
0x1df: {  	_ =	swait.ge @!p1 [sflag:s6], $0x2000  }
0x1e0: {  	[sflag:s6] =	ssyncset.done @!p1 $0x0  }
0x1e1: {  	[sflag:s6] =	ssyncadd.s32 @!p1 $0xFFFFE000;
	s6 =	simm.s32 @!p1 $0x0  }
0x1e2: {  	[hbm4b:s10+s6] =	stream.linear.scatter @!p1 [tilespmem:s16], [sflag:$0x4], $0x2000, $0x38;
	[tilespmem:$0x1E900] =	vst v63  }
0x1e3: {  	_ =	swait.ge @!p1 [sflag:s9], $0x2000  }
0x1e4: {  	s21 =	rddreg [dreg:$0x6]  }
0x1e5: {  	s23 =	rddreg [dreg:$0xa];
	s13 =	sadd.s32 $0x1, s21  }
0x1e6: {  	p0 =	sne.s32 s13, s23  }
.Ltmp6:
0x1e7: {  	_ = 	snop;
	(pc) =	sbr.rel @p0 .LBB2_1-.Ltmp6, $3  }
0x1e8: {  	_ =	sdelay $0x1  }
0x1e9: {  	s20 =	simm.s32 $0x200;
	[sflag:s9] =	ssyncset.done @!p1 $0x0  }
0x1ea: {  	[sflag:s9] =	ssyncadd.s32 @!p1 $0xFFFFE000;
	s21 =	simm.s32 $0x300;
	s23 =	simm.s32 $0x480  }
0x1eb: {  	_ =	sfence.sel $0x180000  }
0x1ec: {  	[bflag:$0x0] =	sbarrier.arrive $0xFFFF  }
0x1ed: {  	_ =	strace $0x90000047  }
0x1ee: {  	[bflag:$0x2] =	sbarrier.arrive $0xFFFF  }
0x1ef: {  	p0 =	sne.s32 s5, $0x0;
	s0 =	rddreg [dreg:$0x5]  }
0x1f0: {  	s0 =	sadd.s32 @!p0 $0x100000, s0  }
0x1f1: {  	[sflag:s0] =	ssyncadd.tile.s32 @!p0 $0x1;
	_ =	shalt  }
.Lfunc_end2:
_tile_overlayer_lowered:
.L_overlay_start_2:
0x1f2: {  	(tag) =	ssettag $0x2  }
0x1f3: {  	s0 =	rddreg [dreg:$0x0];
	s2 =	stileid.u32  }
0x1f4: {  	s1 =	rddreg [dreg:$0x1];
	p0 =	sne.s32 s2, $0x0  }
0x1f5: {  	s3 =	rddreg [dreg:$0x2];
	[bflag:$0x3] =	sbarrier.arrive $0xFFFF;
	s2 =	simm.s32 @!p0 $0x1C04  }
0x1f6: {  	[timem:s3], [sflag:s2] =	dma.local @!p0 [hbm:s0], s1  }
0x1f7: {  	s0 =	simm.s32 @!p0 $0x4  }
0x1f8: {  	_ =	swait.ge @!p0 [sflag:s0], s1  }
0x1f9: {  	s1 =	ssub.s32 @!p0 $0x0, s1;
	[sflag:s0] =	ssyncset.done @!p0 $0x0  }
0x1fa: {  	[sflag:s0] =	ssyncadd.s32 @!p0 s1  }
0x1fb: {  	[bflag:$0x3] =	sbarrier.arrive $0xFFFF  }
0x1fc: {  	_ =	shalt  }

</sc_bundles>
